<compile_context>
chip_gen: v7x
topology: tpu7x:2x2x1
jax: 0.10.2.dev20260603
libtpu: 0.0.44.dev20260713+nightly
codegen_flags: <defaults>
</compile_context>

<pallas_src>
import jax
import jax.numpy as jnp
from jax import lax
from jax.experimental import pallas as pl
from jax.experimental.pallas import tpu as pltpu
from jax.experimental.pallas import tpu_sc as plsc

N_USER = 5000
N_NODES = 10000
N_PAD = 10240
N_EDGES = 320000
D = 64
DEGW = 16

NC, NS = 2, 16
NW = NC * NS
B = 128
E_PAD = 327680
PAD_NODE = 10000
EPW = E_PAD // NW
CH = EPW // B
K = 4
ROWS_PT = N_PAD // NS

_f32 = jnp.float32


def _sc_scatter_body(g_hbm, src_hbm, dst_hbm, out_hbm,
                     ssrc, sdst, rows, acc, gsem, ssem):
    c = lax.axis_index("c")
    s = lax.axis_index("s")
    wid = c * NS + s

    d1 = pltpu.async_copy(src_hbm.at[pl.ds(wid * CH, CH)], ssrc, gsem)
    d2 = pltpu.async_copy(dst_hbm.at[pl.ds(wid * CH, CH)], sdst, ssem)

    z = jnp.zeros((16,), _f32)
    zref = rows.at[0, 0]

    def _zrow(i, carry):
        for j in range(D // 16):
            zref[i, pl.ds(j * 16, 16)] = z
        return carry

    lax.fori_loop(0, B, _zrow, 0)
    r0 = s * ROWS_PT
    zz = []
    for j in range(ROWS_PT // B):
        zz.append(pltpu.async_copy(rows.at[0, 0],
                                   acc.at[pl.ds(r0 + j * B, B)], gsem))
    d1.wait()
    d2.wait()
    for dd in zz:
        dd.wait()
    plsc.subcore_barrier()

    GR = CH // K

    def _drain_gathers(bank):
        for k in range(K):
            pltpu.make_async_copy(g_hbm.at[pl.ds(0, B)],
                                  rows.at[bank, k], gsem).wait()

    def _drain_scatters(bank):
        for k in range(K):
            pltpu.make_async_copy(rows.at[bank, k],
                                  acc.at[pl.ds(0, B)], ssem).wait()

    def _issue_gathers(t, bank):
        for k in range(K):
            pltpu.async_copy(g_hbm.at[ssrc.at[t * K + k]],
                             rows.at[bank, k], gsem)

    def _issue_scatters(t, bank):
        for k in range(K):
            pltpu.async_copy(rows.at[bank, k], acc.at[sdst.at[t * K + k]],
                             ssem, add=True)

    _issue_gathers(0, 0)

    def _step(t, carry):
        b = lax.rem(t, 2)
        b2 = 1 - b

        @pl.when(t >= 1)
        def _():
            _drain_scatters(b2)

        @pl.when(t <= GR - 2)
        def _():
            _issue_gathers(t + 1, b2)

        _drain_gathers(b)
        _issue_scatters(t, b)
        return carry

    lax.fori_loop(0, GR, _step, 0)
    _drain_scatters(lax.rem(GR - 1, 2))
    plsc.subcore_barrier()

    pltpu.sync_copy(acc.at[pl.ds(r0, ROWS_PT)],
                    out_hbm.at[c, pl.ds(r0, ROWS_PT)])


def _sc_degree_body(dst_hbm, out_hbm, sdst, ones, dbuf, dacc, sem):
    c = lax.axis_index("c")
    s = lax.axis_index("s")
    wid = c * NS + s

    pltpu.sync_copy(dst_hbm.at[pl.ds(wid * CH, CH)], sdst)

    one16 = jnp.full((16,), 1.0, _f32)
    z16 = jnp.zeros((16,), _f32)

    def _fill(i, carry):
        ones[i, pl.ds(0, 16)] = one16
        return carry

    lax.fori_loop(0, B, _fill, 0)

    def _zero(i, carry):
        dbuf[i, pl.ds(0, 16)] = z16
        return carry

    lax.fori_loop(0, ROWS_PT, _zero, 0)
    r0 = s * ROWS_PT
    pltpu.sync_copy(dbuf, dacc.at[pl.ds(r0, ROWS_PT)])
    plsc.subcore_barrier()

    def _step(t, carry):
        sd = []
        for k in range(K):
            ch = t * K + k
            sd.append(pltpu.async_copy(ones, dacc.at[sdst.at[ch]],
                                       sem, add=True))
        for dd in sd:
            dd.wait()
        return carry

    lax.fori_loop(0, CH // K, _step, 0)
    plsc.subcore_barrier()

    pltpu.sync_copy(dacc.at[pl.ds(r0, ROWS_PT)],
                    out_hbm.at[c, pl.ds(r0, ROWS_PT)])


def _l2n(x):
    return x / jnp.maximum(jnp.sqrt(jnp.sum(x * x, axis=1, keepdims=True)),
                           1e-12)


def _tc_embed_body(feat_ref, wm_ref, bm_ref, pref_ref, w1_ref, t1_ref):
    nf = jnp.dot(feat_ref[...], wm_ref[...],
                 preferred_element_type=_f32) + bm_ref[...]
    xu = _l2n(pref_ref[...])
    xl = _l2n(nf)
    tu = jnp.dot(xu, w1_ref[...], preferred_element_type=_f32)
    tl = jnp.dot(xl, w1_ref[...], preferred_element_type=_f32)
    t1_ref[...] = jnp.concatenate([tu, tl], axis=1)


def _tc_dis_body(degp_ref, t1_ref, g1_ref, dis_ref):
    degm = degp_ref[0, 0:N_NODES, :] + degp_ref[1, 0:N_NODES, :]
    deg = jnp.sum(degm, axis=1, keepdims=True) * (1.0 / DEGW)
    dis = jnp.where(deg > 0.0, lax.rsqrt(jnp.maximum(deg, 1e-12)), 0.0)
    dis_ref[...] = dis
    t = t1_ref[...]
    gu = dis[0:N_USER] * t[:, 0:D]
    gl = dis[N_USER:N_NODES] * t[:, D:2 * D]
    g = jnp.concatenate([gu, gl], axis=1)
    g1_ref[...] = jnp.concatenate(
        [g, jnp.zeros((N_PAD // 2 - N_USER, 2 * D), _f32)], axis=0)


def _tc_mid_body(s1_ref, dis_ref, w2_ref, p1_ref, p2_ref, g2_ref):
    sp = s1_ref[0, 0:N_USER, :] + s1_ref[1, 0:N_USER, :]
    dis_u = dis_ref[0:N_USER]
    dis_l = dis_ref[N_USER:N_NODES]
    tu = dis_u * sp[:, 0:D]
    tl = dis_l * sp[:, D:2 * D]
    scale = p1_ref[0, 0] * p2_ref[0, 0]
    gu = (scale * dis_u) * jnp.dot(tu, w2_ref[...],
                                   preferred_element_type=_f32)
    gl = (scale * dis_l) * jnp.dot(tl, w2_ref[...],
                                   preferred_element_type=_f32)
    g = jnp.concatenate([gu, gl], axis=1)
    g2_ref[...] = jnp.concatenate(
        [g, jnp.zeros((N_PAD // 2 - N_USER, 2 * D), _f32)], axis=0)


def _tc_tail_body(s2_ref, dis_ref, x2_ref):
    sp = s2_ref[0, 0:N_USER, :] + s2_ref[1, 0:N_USER, :]
    xu = dis_ref[0:N_USER] * sp[:, 0:D]
    xl = dis_ref[N_USER:N_NODES] * sp[:, D:2 * D]
    x2_ref[...] = jnp.concatenate([xu, xl], axis=0)


def _sc_mesh():
    return plsc.VectorSubcoreMesh(core_axis_name="c", subcore_axis_name="s")


def _sc_scatter(g, src, dst):
    return pl.kernel(
        _sc_scatter_body,
        out_type=jax.ShapeDtypeStruct((NC, N_PAD, D), _f32),
        mesh=_sc_mesh(),
        scratch_types=[
            pltpu.VMEM((CH, B), jnp.int32),
            pltpu.VMEM((CH, B), jnp.int32),
            pltpu.VMEM((2, K, B, D), _f32),
            pltpu.VMEM_SHARED((N_PAD, D), _f32),
            pltpu.SemaphoreType.DMA,
            pltpu.SemaphoreType.DMA,
        ],
        compiler_params=pltpu.CompilerParams(use_tc_tiling_on_sc=False),
    )(g, src, dst)


def _sc_degree(dst):
    return pl.kernel(
        _sc_degree_body,
        out_type=jax.ShapeDtypeStruct((NC, N_PAD, DEGW), _f32),
        mesh=_sc_mesh(),
        scratch_types=[
            pltpu.VMEM((CH, B), jnp.int32),
            pltpu.VMEM((B, DEGW), _f32),
            pltpu.VMEM((ROWS_PT, DEGW), _f32),
            pltpu.VMEM_SHARED((N_PAD, DEGW), _f32),
            pltpu.SemaphoreType.DMA,
        ],
        compiler_params=pltpu.CompilerParams(use_tc_tiling_on_sc=False),
    )(dst)


def kernel(features, edge_index, preference, W_mlp, b_mlp, W1, p1, W2, p2):
    padv = PAD_NODE + (jnp.arange(E_PAD - N_EDGES, dtype=jnp.int32) % 120)
    ei = jnp.concatenate(
        [edge_index, jnp.broadcast_to(padv, (2, E_PAD - N_EDGES))], axis=1)
    pei = jnp.where(ei < N_USER, ei + ei, ei + ei - (2 * N_USER - 1))
    src = pei[0].reshape(NW * CH, B)
    dst = pei[1].reshape(NW * CH, B)
    dst_raw = ei[1].reshape(NW * CH, B)

    deg_parts = _sc_degree(dst_raw)
    t1p = pl.pallas_call(
        _tc_embed_body,
        out_shape=jax.ShapeDtypeStruct((N_USER, 2 * D), _f32),
    )(features, W_mlp, b_mlp.reshape(1, D), preference, W1)
    g1p, dis = pl.pallas_call(
        _tc_dis_body,
        out_shape=[jax.ShapeDtypeStruct((N_PAD // 2, 2 * D), _f32),
                   jax.ShapeDtypeStruct((N_NODES, 1), _f32)],
    )(deg_parts, t1p)

    s1 = _sc_scatter(g1p.reshape(N_PAD, D), src, dst)
    g2p = pl.pallas_call(
        _tc_mid_body,
        out_shape=jax.ShapeDtypeStruct((N_PAD // 2, 2 * D), _f32),
    )(s1.reshape(NC, N_PAD // 2, 2 * D), dis, W2,
      p1.reshape(1, 1), p2.reshape(1, 1))

    s2 = _sc_scatter(g2p.reshape(N_PAD, D), src, dst)
    x2 = pl.pallas_call(
        _tc_tail_body,
        out_shape=jax.ShapeDtypeStruct((N_NODES, D), _f32),
    )(s2.reshape(NC, N_PAD // 2, 2 * D), dis)
    return (x2, p2)

# --- scband reference (transcript-rebuilt; emitter-appended) ---
"""Pipeline reference for scband-gcn1-60790967107891 (READ-ONLY COPY).

The authoritative reference and input builder live on the scoring server;
editing this copy changes nothing except your own understanding.
"""

import jax, jax.numpy as jnp
import numpy as np

NUM_USER = 5000
NUM_ITEM = 5000
N_NODES = NUM_USER + NUM_ITEM
N_EDGES = 320000
DIM_E = 128
DIM_L = 64


def _xavier(key, shape):
    fan_in, fan_out = shape[0], shape[1]
    std = float(np.sqrt(2.0 / (fan_in + fan_out)))
    return jax.random.normal(key, shape, dtype=jnp.float32) * std


def setup_inputs(seed: int = 0) -> dict:
    key = jax.random.key(seed)
    ks = jax.random.split(key, 9)
    features = jax.random.normal(ks[0], (NUM_ITEM, DIM_E), dtype=jnp.float32)
    edge_index = jax.random.randint(ks[1], (2, N_EDGES), 0, N_NODES, dtype=jnp.int32)
    preference = _xavier(ks[2], (NUM_USER, DIM_L))
    W_mlp = _xavier(ks[3], (DIM_E, DIM_L))
    b_mlp = jnp.zeros((DIM_L,), dtype=jnp.float32)
    W1 = _xavier(ks[4], (DIM_L, DIM_L))
    p1 = jnp.ones((1,), dtype=jnp.float32)
    W2 = _xavier(ks[5], (DIM_L, DIM_L))
    p2 = jnp.ones((1,), dtype=jnp.float32)
    return {"features": features, "edge_index": edge_index, "preference": preference,
            "W_mlp": W_mlp, "b_mlp": b_mlp, "W1": W1, "p1": p1, "W2": W2, "p2": p2}


def _gcn_conv(x, edge_index, W, p):
    # GCNConv1 (assumed): symmetric-normalized sum aggregation of linearly
    # transformed neighbors, scaled by learnable scalar p.
    h = x @ W
    src = edge_index[0]
    dst = edge_index[1]
    deg = jnp.zeros((x.shape[0],), dtype=jnp.float32).at[dst].add(1.0)
    dis = jnp.where(deg > 0, 1.0 / jnp.sqrt(jnp.maximum(deg, 1e-12)), 0.0)
    norm = dis[src] * dis[dst]
    msg = h[src] * norm[:, None]
    out = jnp.zeros_like(h).at[dst].add(msg)
    return p[0] * out


def reference(features, edge_index, preference, W_mlp, b_mlp, W1, p1, W2, p2):
    new_features = features @ W_mlp + b_mlp
    x = jnp.concatenate([preference, new_features], axis=0)
    # F.normalize(x) default: L2 over dim=1
    nrm = jnp.maximum(jnp.linalg.norm(x, axis=1, keepdims=True), 1e-12)
    x = x / nrm
    x1 = _gcn_conv(x, edge_index, W1, p1)
    x2 = _gcn_conv(x1, edge_index, W2, p2)
    return (x2, p2)

if __name__ == "__main__":
    import jax
    _d = setup_inputs()
    print(jax.jit(kernel)(*tuple(_d.values())))

</pallas_src>

<mosaic_0001>
#map = affine_map<(d0, d1) -> (0, 0)>
#map1 = affine_map<(d0, d1) -> (0, 0, 0)>
module attributes {stable_mosaic.version = 14 : i64} {
  func.func @_sc_degree_body(%arg0: i32, %arg1: i32, %arg2: memref<2560x128xi32, #tpu.memory_space<hbm>>, %arg3: memref<2x10240x16xf32, #tpu.memory_space<hbm>>, %arg4: memref<80x128xi32, #tpu.memory_space<vmem>>, %arg5: memref<128x16xf32, #tpu.memory_space<vmem>>, %arg6: memref<640x16xf32, #tpu.memory_space<vmem>>, %arg7: memref<10240x16xf32, #tpu.memory_space<vmem_shared>>, %arg8: memref<!tpu.dma_semaphore, #tpu.memory_space<semaphore_mem>>) attributes {dimension_semantics = [#tpu.dimension_semantics<core_parallel>, #tpu.dimension_semantics<subcore_parallel>], iteration_bounds = array<i64: 2, 16>, scalar_prefetch = 0 : i64, scratch_operands = 5 : i64, tpu.core_type = #tpu.core_type<sc_vector_subcore>, window_params = [{transform_indices = #map}, {transform_indices = #map1}]} {
    %mul3A = arith.constant 16 : i32
    %mul3A_0 = arith.muli %arg0, %mul3A : i32
    %add3A = arith.addi %mul3A_0, %arg1 : i32
    %mul3A_1 = arith.constant 80 : i32
    %mul3A_2 = arith.muli %add3A, %mul3A_1 : i32
    "tpu.region"() ({
      %run_scoped3A = tpu.sem_alloc : memref<!tpu.dma_semaphore, #tpu.memory_space<semaphore_mem>>
      %dma_start3A = arith.constant 0 : i32
      %dma_start3A_26 = tpu.memref_slice %arg2[%mul3A_2, %dma_start3A] : memref<2560x128xi32, #tpu.memory_space<hbm>> -> memref<80x128xi32, #tpu.memory_space<hbm>>
      %dma_start3A_27 = arith.constant 0 : i32
      %dma_start3A_28 = tpu.memref_slice %arg2[%mul3A_2, %dma_start3A_27] : memref<2560x128xi32, #tpu.memory_space<hbm>> -> memref<80x128xi32, #tpu.memory_space<hbm>>
      tpu.enqueue_dma source(%dma_start3A_28 : memref<80x128xi32, #tpu.memory_space<hbm>>) target(%arg4 : memref<80x128xi32, #tpu.memory_space<vmem>>) target_semaphore(%run_scoped3A : memref<!tpu.dma_semaphore, #tpu.memory_space<semaphore_mem>>)
      %dma_wait3A = arith.constant 0 : i32
      %dma_wait3A_29 = tpu.memref_slice %arg2[%mul3A_2, %dma_wait3A] : memref<2560x128xi32, #tpu.memory_space<hbm>> -> memref<80x128xi32, #tpu.memory_space<hbm>>
      %dma_wait3A_30 = arith.constant 0 : i32
      %dma_wait3A_31 = tpu.memref_slice %arg2[%mul3A_2, %dma_wait3A_30] : memref<2560x128xi32, #tpu.memory_space<hbm>> -> memref<80x128xi32, #tpu.memory_space<hbm>>
      tpu.wait_dma2 semaphore(%run_scoped3A : memref<!tpu.dma_semaphore, #tpu.memory_space<semaphore_mem>>) src(%dma_wait3A_31 : memref<80x128xi32, #tpu.memory_space<hbm>>) dst(%arg4 : memref<80x128xi32, #tpu.memory_space<vmem>>)
      tpu.yield
    }) : () -> ()
    %broadcast_in_dim3A = arith.constant 1.000000e+00 : f32
    %broadcast_in_dim3A_3 = vector.broadcast %broadcast_in_dim3A : f32 to vector<16xf32>
    %broadcast_in_dim3A_4 = arith.constant 0.000000e+00 : f32
    %broadcast_in_dim3A_5 = vector.broadcast %broadcast_in_dim3A_4 : f32 to vector<16xf32>
    %scan3A = arith.constant 0 : i32
    %scan3A_6 = arith.constant 0 : i32
    %scan3A_7 = arith.constant 128 : i32
    %scan3A_8 = arith.addi %scan3A_6, %scan3A_7 : i32
    %scan3A_9 = arith.constant 1 : i32
    scf.for %scan3A_26 = %scan3A_6 to %scan3A_8 step %scan3A_9  : i32 {
      %swap3A = arith.index_cast %scan3A_26 : i32 to index
      %swap3A_27 = arith.constant 0 : index
      %swap3A_28 = tpu.vector_load %arg5[%swap3A, %swap3A_27] {strides = array<i32>} : memref<128x16xf32, #tpu.memory_space<vmem>>, vector<1x16xf32>,
      %swap3A_29 = vector.shape_cast %swap3A_28 : vector<1x16xf32> to vector<16xf32>
      %swap3A_30 = vector.shape_cast %broadcast_in_dim3A_3 : vector<16xf32> to vector<1x16xf32>
      tpu.vector_store %arg5[%swap3A, %swap3A_27], %swap3A_30 {strides = array<i32>} : memref<128x16xf32, #tpu.memory_space<vmem>>, vector<1x16xf32>,
    }
    %scan3A_10 = arith.constant 128 : i32
    %scan3A_11 = arith.constant 0 : i32
    %scan3A_12 = arith.constant 0 : i32
    %scan3A_13 = arith.constant 640 : i32
    %scan3A_14 = arith.addi %scan3A_12, %scan3A_13 : i32
    %scan3A_15 = arith.constant 1 : i32
    scf.for %scan3A_26 = %scan3A_12 to %scan3A_14 step %scan3A_15  : i32 {
      %swap3A = arith.index_cast %scan3A_26 : i32 to index
      %swap3A_27 = arith.constant 0 : index
      %swap3A_28 = tpu.vector_load %arg6[%swap3A, %swap3A_27] {strides = array<i32>} : memref<640x16xf32, #tpu.memory_space<vmem>>, vector<1x16xf32>,
      %swap3A_29 = vector.shape_cast %swap3A_28 : vector<1x16xf32> to vector<16xf32>
      %swap3A_30 = vector.shape_cast %broadcast_in_dim3A_5 : vector<16xf32> to vector<1x16xf32>
      tpu.vector_store %arg6[%swap3A, %swap3A_27], %swap3A_30 {strides = array<i32>} : memref<640x16xf32, #tpu.memory_space<vmem>>, vector<1x16xf32>,
    }
    %scan3A_16 = arith.constant 640 : i32
    %mul3A_17 = arith.constant 640 : i32
    %mul3A_18 = arith.muli %arg1, %mul3A_17 : i32
    "tpu.region"() ({
      %run_scoped3A = tpu.sem_alloc : memref<!tpu.dma_semaphore, #tpu.memory_space<semaphore_mem>>
      %dma_start3A = arith.constant 0 : i32
      %dma_start3A_26 = tpu.memref_slice %arg7[%mul3A_18, %dma_start3A] : memref<10240x16xf32, #tpu.memory_space<vmem_shared>> -> memref<640x16xf32, #tpu.memory_space<vmem_shared>>
      %dma_start3A_27 = arith.constant 0 : i32
      %dma_start3A_28 = tpu.memref_slice %arg7[%mul3A_18, %dma_start3A_27] : memref<10240x16xf32, #tpu.memory_space<vmem_shared>> -> memref<640x16xf32, #tpu.memory_space<vmem_shared>>
      tpu.enqueue_dma source(%arg6 : memref<640x16xf32, #tpu.memory_space<vmem>>) target(%dma_start3A_28 : memref<640x16xf32, #tpu.memory_space<vmem_shared>>) target_semaphore(%run_scoped3A : memref<!tpu.dma_semaphore, #tpu.memory_space<semaphore_mem>>)
      %dma_wait3A = arith.constant 0 : i32
      %dma_wait3A_29 = tpu.memref_slice %arg7[%mul3A_18, %dma_wait3A] : memref<10240x16xf32, #tpu.memory_space<vmem_shared>> -> memref<640x16xf32, #tpu.memory_space<vmem_shared>>
      %dma_wait3A_30 = arith.constant 0 : i32
      %dma_wait3A_31 = tpu.memref_slice %arg7[%mul3A_18, %dma_wait3A_30] : memref<10240x16xf32, #tpu.memory_space<vmem_shared>> -> memref<640x16xf32, #tpu.memory_space<vmem_shared>>
      tpu.wait_dma2 semaphore(%run_scoped3A : memref<!tpu.dma_semaphore, #tpu.memory_space<semaphore_mem>>) src(%arg6 : memref<640x16xf32, #tpu.memory_space<vmem>>) dst(%dma_wait3A_31 : memref<640x16xf32, #tpu.memory_space<vmem_shared>>)
      tpu.yield
    }) : () -> ()
    %barrier3A = arith.constant 0 : index
    tpu.barrier barrier_id(%barrier3A)
    %scan3A_19 = arith.constant 0 : i32
    %scan3A_20 = arith.constant 0 : i32
    %scan3A_21 = arith.constant 20 : i32
    %scan3A_22 = arith.addi %scan3A_20, %scan3A_21 : i32
    %scan3A_23 = arith.constant 1 : i32
    scf.for %scan3A_26 = %scan3A_20 to %scan3A_22 step %scan3A_23  : i32 {
      %mul3A_27 = arith.constant 4 : i32
      %mul3A_28 = arith.muli %scan3A_26, %mul3A_27 : i32
      %add3A_29 = arith.constant 0 : i32
      %add3A_30 = arith.addi %mul3A_28, %add3A_29 : i32
      %dma_start3A = arith.constant 0 : i32
      %dma_start3A_31 = tpu.memref_slice %arg4[%add3A_30, %dma_start3A] : memref<80x128xi32, #tpu.memory_space<vmem>> -> memref<1x128xi32, #tpu.memory_space<vmem>>
      %dma_start3A_32 = tpu.memref_squeeze %dma_start3A_31 : memref<1x128xi32, #tpu.memory_space<vmem>> -> memref<128xi32, #tpu.memory_space<vmem>>
      %dma_start3A_33 = arith.constant 0 : i32
      %dma_start3A_34 = arith.constant 0 : i32
      %dma_start3A_35 = tpu.memref_slice %arg7[%dma_start3A_33, %dma_start3A_34] : memref<10240x16xf32, #tpu.memory_space<vmem_shared>> -> memref<10240x16xf32, #tpu.memory_space<vmem_shared>>
      tpu.enqueue_indirect_dma source(%arg5 : memref<128x16xf32, #tpu.memory_space<vmem>>) target(%dma_start3A_35 : memref<10240x16xf32, #tpu.memory_space<vmem_shared>>) offsets(%dma_start3A_32 : memref<128xi32, #tpu.memory_space<vmem>>) semaphore(%arg8 : memref<!tpu.dma_semaphore, #tpu.memory_space<semaphore_mem>>) {add = true}
      %mul3A_36 = arith.constant 4 : i32
      %mul3A_37 = arith.muli %scan3A_26, %mul3A_36 : i32
      %add3A_38 = arith.constant 1 : i32
      %add3A_39 = arith.addi %mul3A_37, %add3A_38 : i32
      %dma_start3A_40 = arith.constant 0 : i32
      %dma_start3A_41 = tpu.memref_slice %arg4[%add3A_39, %dma_start3A_40] : memref<80x128xi32, #tpu.memory_space<vmem>> -> memref<1x128xi32, #tpu.memory_space<vmem>>
      %dma_start3A_42 = tpu.memref_squeeze %dma_start3A_41 : memref<1x128xi32, #tpu.memory_space<vmem>> -> memref<128xi32, #tpu.memory_space<vmem>>
      %dma_start3A_43 = arith.constant 0 : i32
      %dma_start3A_44 = arith.constant 0 : i32
      %dma_start3A_45 = tpu.memref_slice %arg7[%dma_start3A_43, %dma_start3A_44] : memref<10240x16xf32, #tpu.memory_space<vmem_shared>> -> memref<10240x16xf32, #tpu.memory_space<vmem_shared>>
      tpu.enqueue_indirect_dma source(%arg5 : memref<128x16xf32, #tpu.memory_space<vmem>>) target(%dma_start3A_45 : memref<10240x16xf32, #tpu.memory_space<vmem_shared>>) offsets(%dma_start3A_42 : memref<128xi32, #tpu.memory_space<vmem>>) semaphore(%arg8 : memref<!tpu.dma_semaphore, #tpu.memory_space<semaphore_mem>>) {add = true}
      %mul3A_46 = arith.constant 4 : i32
      %mul3A_47 = arith.muli %scan3A_26, %mul3A_46 : i32
      %add3A_48 = arith.constant 2 : i32
      %add3A_49 = arith.addi %mul3A_47, %add3A_48 : i32
      %dma_start3A_50 = arith.constant 0 : i32
      %dma_start3A_51 = tpu.memref_slice %arg4[%add3A_49, %dma_start3A_50] : memref<80x128xi32, #tpu.memory_space<vmem>> -> memref<1x128xi32, #tpu.memory_space<vmem>>
      %dma_start3A_52 = tpu.memref_squeeze %dma_start3A_51 : memref<1x128xi32, #tpu.memory_space<vmem>> -> memref<128xi32, #tpu.memory_space<vmem>>
      %dma_start3A_53 = arith.constant 0 : i32
      %dma_start3A_54 = arith.constant 0 : i32
      %dma_start3A_55 = tpu.memref_slice %arg7[%dma_start3A_53, %dma_start3A_54] : memref<10240x16xf32, #tpu.memory_space<vmem_shared>> -> memref<10240x16xf32, #tpu.memory_space<vmem_shared>>
      tpu.enqueue_indirect_dma source(%arg5 : memref<128x16xf32, #tpu.memory_space<vmem>>) target(%dma_start3A_55 : memref<10240x16xf32, #tpu.memory_space<vmem_shared>>) offsets(%dma_start3A_52 : memref<128xi32, #tpu.memory_space<vmem>>) semaphore(%arg8 : memref<!tpu.dma_semaphore, #tpu.memory_space<semaphore_mem>>) {add = true}
      %mul3A_56 = arith.constant 4 : i32
      %mul3A_57 = arith.muli %scan3A_26, %mul3A_56 : i32
      %add3A_58 = arith.constant 3 : i32
      %add3A_59 = arith.addi %mul3A_57, %add3A_58 : i32
      %dma_start3A_60 = arith.constant 0 : i32
      %dma_start3A_61 = tpu.memref_slice %arg4[%add3A_59, %dma_start3A_60] : memref<80x128xi32, #tpu.memory_space<vmem>> -> memref<1x128xi32, #tpu.memory_space<vmem>>
      %dma_start3A_62 = tpu.memref_squeeze %dma_start3A_61 : memref<1x128xi32, #tpu.memory_space<vmem>> -> memref<128xi32, #tpu.memory_space<vmem>>
      %dma_start3A_63 = arith.constant 0 : i32
      %dma_start3A_64 = arith.constant 0 : i32
      %dma_start3A_65 = tpu.memref_slice %arg7[%dma_start3A_63, %dma_start3A_64] : memref<10240x16xf32, #tpu.memory_space<vmem_shared>> -> memref<10240x16xf32, #tpu.memory_space<vmem_shared>>
      tpu.enqueue_indirect_dma source(%arg5 : memref<128x16xf32, #tpu.memory_space<vmem>>) target(%dma_start3A_65 : memref<10240x16xf32, #tpu.memory_space<vmem_shared>>) offsets(%dma_start3A_62 : memref<128xi32, #tpu.memory_space<vmem>>) semaphore(%arg8 : memref<!tpu.dma_semaphore, #tpu.memory_space<semaphore_mem>>) {add = true}
      %dma_wait3A = arith.constant 0 : i32
      %dma_wait3A_66 = tpu.memref_slice %arg4[%add3A_30, %dma_wait3A] : memref<80x128xi32, #tpu.memory_space<vmem>> -> memref<1x128xi32, #tpu.memory_space<vmem>>
      %dma_wait3A_67 = tpu.memref_squeeze %dma_wait3A_66 : memref<1x128xi32, #tpu.memory_space<vmem>> -> memref<128xi32, #tpu.memory_space<vmem>>
      %dma_wait3A_68 = arith.constant 0 : i32
      %dma_wait3A_69 = arith.constant 0 : i32
      %dma_wait3A_70 = tpu.memref_slice %arg7[%dma_wait3A_68, %dma_wait3A_69] : memref<10240x16xf32, #tpu.memory_space<vmem_shared>> -> memref<10240x16xf32, #tpu.memory_space<vmem_shared>>
      tpu.wait_indirect_dma semaphore(%arg8 : memref<!tpu.dma_semaphore, #tpu.memory_space<semaphore_mem>>) src(%arg5 : memref<128x16xf32, #tpu.memory_space<vmem>>) dst(%dma_wait3A_70 : memref<10240x16xf32, #tpu.memory_space<vmem_shared>>)
      %dma_wait3A_71 = arith.constant 0 : i32
      %dma_wait3A_72 = tpu.memref_slice %arg4[%add3A_39, %dma_wait3A_71] : memref<80x128xi32, #tpu.memory_space<vmem>> -> memref<1x128xi32, #tpu.memory_space<vmem>>
      %dma_wait3A_73 = tpu.memref_squeeze %dma_wait3A_72 : memref<1x128xi32, #tpu.memory_space<vmem>> -> memref<128xi32, #tpu.memory_space<vmem>>
      %dma_wait3A_74 = arith.constant 0 : i32
      %dma_wait3A_75 = arith.constant 0 : i32
      %dma_wait3A_76 = tpu.memref_slice %arg7[%dma_wait3A_74, %dma_wait3A_75] : memref<10240x16xf32, #tpu.memory_space<vmem_shared>> -> memref<10240x16xf32, #tpu.memory_space<vmem_shared>>
      tpu.wait_indirect_dma semaphore(%arg8 : memref<!tpu.dma_semaphore, #tpu.memory_space<semaphore_mem>>) src(%arg5 : memref<128x16xf32, #tpu.memory_space<vmem>>) dst(%dma_wait3A_76 : memref<10240x16xf32, #tpu.memory_space<vmem_shared>>)
      %dma_wait3A_77 = arith.constant 0 : i32
      %dma_wait3A_78 = tpu.memref_slice %arg4[%add3A_49, %dma_wait3A_77] : memref<80x128xi32, #tpu.memory_space<vmem>> -> memref<1x128xi32, #tpu.memory_space<vmem>>
      %dma_wait3A_79 = tpu.memref_squeeze %dma_wait3A_78 : memref<1x128xi32, #tpu.memory_space<vmem>> -> memref<128xi32, #tpu.memory_space<vmem>>
      %dma_wait3A_80 = arith.constant 0 : i32
      %dma_wait3A_81 = arith.constant 0 : i32
      %dma_wait3A_82 = tpu.memref_slice %arg7[%dma_wait3A_80, %dma_wait3A_81] : memref<10240x16xf32, #tpu.memory_space<vmem_shared>> -> memref<10240x16xf32, #tpu.memory_space<vmem_shared>>
      tpu.wait_indirect_dma semaphore(%arg8 : memref<!tpu.dma_semaphore, #tpu.memory_space<semaphore_mem>>) src(%arg5 : memref<128x16xf32, #tpu.memory_space<vmem>>) dst(%dma_wait3A_82 : memref<10240x16xf32, #tpu.memory_space<vmem_shared>>)
      %dma_wait3A_83 = arith.constant 0 : i32
      %dma_wait3A_84 = tpu.memref_slice %arg4[%add3A_59, %dma_wait3A_83] : memref<80x128xi32, #tpu.memory_space<vmem>> -> memref<1x128xi32, #tpu.memory_space<vmem>>
      %dma_wait3A_85 = tpu.memref_squeeze %dma_wait3A_84 : memref<1x128xi32, #tpu.memory_space<vmem>> -> memref<128xi32, #tpu.memory_space<vmem>>
      %dma_wait3A_86 = arith.constant 0 : i32
      %dma_wait3A_87 = arith.constant 0 : i32
      %dma_wait3A_88 = tpu.memref_slice %arg7[%dma_wait3A_86, %dma_wait3A_87] : memref<10240x16xf32, #tpu.memory_space<vmem_shared>> -> memref<10240x16xf32, #tpu.memory_space<vmem_shared>>
      tpu.wait_indirect_dma semaphore(%arg8 : memref<!tpu.dma_semaphore, #tpu.memory_space<semaphore_mem>>) src(%arg5 : memref<128x16xf32, #tpu.memory_space<vmem>>) dst(%dma_wait3A_88 : memref<10240x16xf32, #tpu.memory_space<vmem_shared>>)
    }
    %scan3A_24 = arith.constant 20 : i32
    %barrier3A_25 = arith.constant 0 : index
    tpu.barrier barrier_id(%barrier3A_25)
    "tpu.region"() ({
      %run_scoped3A = tpu.sem_alloc : memref<!tpu.dma_semaphore, #tpu.memory_space<semaphore_mem>>
      %dma_start3A = arith.constant 0 : i32
      %dma_start3A_26 = tpu.memref_slice %arg3[%arg0, %mul3A_18, %dma_start3A] : memref<2x10240x16xf32, #tpu.memory_space<hbm>> -> memref<1x640x16xf32, #tpu.memory_space<hbm>>
      %dma_start3A_27 = tpu.memref_squeeze %dma_start3A_26 : memref<1x640x16xf32, #tpu.memory_space<hbm>> -> memref<640x16xf32, #tpu.memory_space<hbm>>
      %dma_start3A_28 = arith.constant 0 : i32
      %dma_start3A_29 = tpu.memref_slice %arg7[%mul3A_18, %dma_start3A_28] : memref<10240x16xf32, #tpu.memory_space<vmem_shared>> -> memref<640x16xf32, #tpu.memory_space<vmem_shared>>
      tpu.enqueue_dma source(%dma_start3A_29 : memref<640x16xf32, #tpu.memory_space<vmem_shared>>) target(%dma_start3A_27 : memref<640x16xf32, #tpu.memory_space<hbm>>) target_semaphore(%run_scoped3A : memref<!tpu.dma_semaphore, #tpu.memory_space<semaphore_mem>>)
      %dma_wait3A = arith.constant 0 : i32
      %dma_wait3A_30 = tpu.memref_slice %arg3[%arg0, %mul3A_18, %dma_wait3A] : memref<2x10240x16xf32, #tpu.memory_space<hbm>> -> memref<1x640x16xf32, #tpu.memory_space<hbm>>
      %dma_wait3A_31 = tpu.memref_squeeze %dma_wait3A_30 : memref<1x640x16xf32, #tpu.memory_space<hbm>> -> memref<640x16xf32, #tpu.memory_space<hbm>>
      %dma_wait3A_32 = arith.constant 0 : i32
      %dma_wait3A_33 = tpu.memref_slice %arg7[%mul3A_18, %dma_wait3A_32] : memref<10240x16xf32, #tpu.memory_space<vmem_shared>> -> memref<640x16xf32, #tpu.memory_space<vmem_shared>>
      tpu.wait_dma2 semaphore(%run_scoped3A : memref<!tpu.dma_semaphore, #tpu.memory_space<semaphore_mem>>) src(%dma_wait3A_33 : memref<640x16xf32, #tpu.memory_space<vmem_shared>>) dst(%dma_wait3A_31 : memref<640x16xf32, #tpu.memory_space<hbm>>)
      tpu.yield
    }) : () -> ()
    return
  }
}

#map = affine_map<(d0, d1) -> (0, 0)>
#map1 = affine_map<(d0, d1) -> (0, 0, 0)>
module attributes {stable_mosaic.version = 14 : i64} {
  func.func @_sc_scatter_body(%arg0: i32, %arg1: i32, %arg2: memref<10240x64xf32, #tpu.memory_space<hbm>>, %arg3: memref<2560x128xi32, #tpu.memory_space<hbm>>, %arg4: memref<2560x128xi32, #tpu.memory_space<hbm>>, %arg5: memref<2x10240x64xf32, #tpu.memory_space<hbm>>, %arg6: memref<80x128xi32, #tpu.memory_space<vmem>>, %arg7: memref<80x128xi32, #tpu.memory_space<vmem>>, %arg8: memref<2x4x128x64xf32, #tpu.memory_space<vmem>>, %arg9: memref<10240x64xf32, #tpu.memory_space<vmem_shared>>, %arg10: memref<!tpu.dma_semaphore, #tpu.memory_space<semaphore_mem>>, %arg11: memref<!tpu.dma_semaphore, #tpu.memory_space<semaphore_mem>>) attributes {dimension_semantics = [#tpu.dimension_semantics<core_parallel>, #tpu.dimension_semantics<subcore_parallel>], iteration_bounds = array<i64: 2, 16>, scalar_prefetch = 0 : i64, scratch_operands = 6 : i64, tpu.core_type = #tpu.core_type<sc_vector_subcore>, window_params = [{transform_indices = #map}, {transform_indices = #map}, {transform_indices = #map}, {transform_indices = #map1}]} {
    %mul3A = arith.constant 16 : i32
    %mul3A_0 = arith.muli %arg0, %mul3A : i32
    %add3A = arith.addi %mul3A_0, %arg1 : i32
    %mul3A_1 = arith.constant 80 : i32
    %mul3A_2 = arith.muli %add3A, %mul3A_1 : i32
    %dma_start3A = arith.constant 0 : i32
    %dma_start3A_3 = tpu.memref_slice %arg3[%mul3A_2, %dma_start3A] : memref<2560x128xi32, #tpu.memory_space<hbm>> -> memref<80x128xi32, #tpu.memory_space<hbm>>
    %dma_start3A_4 = arith.constant 0 : i32
    %dma_start3A_5 = tpu.memref_slice %arg3[%mul3A_2, %dma_start3A_4] : memref<2560x128xi32, #tpu.memory_space<hbm>> -> memref<80x128xi32, #tpu.memory_space<hbm>>
    tpu.enqueue_dma source(%dma_start3A_5 : memref<80x128xi32, #tpu.memory_space<hbm>>) target(%arg6 : memref<80x128xi32, #tpu.memory_space<vmem>>) target_semaphore(%arg10 : memref<!tpu.dma_semaphore, #tpu.memory_space<semaphore_mem>>)
    %mul3A_6 = arith.constant 80 : i32
    %mul3A_7 = arith.muli %add3A, %mul3A_6 : i32
    %dma_start3A_8 = arith.constant 0 : i32
    %dma_start3A_9 = tpu.memref_slice %arg4[%mul3A_7, %dma_start3A_8] : memref<2560x128xi32, #tpu.memory_space<hbm>> -> memref<80x128xi32, #tpu.memory_space<hbm>>
    %dma_start3A_10 = arith.constant 0 : i32
    %dma_start3A_11 = tpu.memref_slice %arg4[%mul3A_7, %dma_start3A_10] : memref<2560x128xi32, #tpu.memory_space<hbm>> -> memref<80x128xi32, #tpu.memory_space<hbm>>
    tpu.enqueue_dma source(%dma_start3A_11 : memref<80x128xi32, #tpu.memory_space<hbm>>) target(%arg7 : memref<80x128xi32, #tpu.memory_space<vmem>>) target_semaphore(%arg11 : memref<!tpu.dma_semaphore, #tpu.memory_space<semaphore_mem>>)
    %broadcast_in_dim3A = arith.constant 0.000000e+00 : f32
    %broadcast_in_dim3A_12 = vector.broadcast %broadcast_in_dim3A : f32 to vector<16xf32>
    %scan3A = arith.constant 0 : i32
    %scan3A_13 = arith.constant 0 : i32
    %scan3A_14 = arith.constant 0 : i32
    %scan3A_15 = arith.constant 0 : i32
    %scan3A_16 = arith.constant 128 : i32
    %scan3A_17 = arith.addi %scan3A_15, %scan3A_16 : i32
    %scan3A_18 = arith.constant 1 : i32
    scf.for %scan3A_300 = %scan3A_15 to %scan3A_17 step %scan3A_18  : i32 {
      %swap3A = arith.constant 0 : i32
      %swap3A_301 = arith.constant 0 : i32
      %swap3A_302 = tpu.memref_slice %arg8[%scan3A_13, %scan3A_14, %swap3A, %swap3A_301] : memref<2x4x128x64xf32, #tpu.memory_space<vmem>> -> memref<1x1x128x64xf32, #tpu.memory_space<vmem>>
      %swap3A_303 = tpu.memref_squeeze %swap3A_302 : memref<1x1x128x64xf32, #tpu.memory_space<vmem>> -> memref<128x64xf32, #tpu.memory_space<vmem>>
      %swap3A_304 = arith.index_cast %scan3A_300 : i32 to index
      %swap3A_305 = arith.constant 0 : index
      %swap3A_306 = tpu.vector_load %swap3A_303[%swap3A_304, %swap3A_305] {strides = array<i32>} : memref<128x64xf32, #tpu.memory_space<vmem>>, vector<1x16xf32>,
      %swap3A_307 = vector.shape_cast %swap3A_306 : vector<1x16xf32> to vector<16xf32>
      %swap3A_308 = vector.shape_cast %broadcast_in_dim3A_12 : vector<16xf32> to vector<1x16xf32>
      tpu.vector_store %swap3A_303[%swap3A_304, %swap3A_305], %swap3A_308 {strides = array<i32>} : memref<128x64xf32, #tpu.memory_space<vmem>>, vector<1x16xf32>,
      %swap3A_309 = arith.constant 0 : i32
      %swap3A_310 = arith.constant 0 : i32
      %swap3A_311 = tpu.memref_slice %arg8[%scan3A_13, %scan3A_14, %swap3A_309, %swap3A_310] : memref<2x4x128x64xf32, #tpu.memory_space<vmem>> -> memref<1x1x128x64xf32, #tpu.memory_space<vmem>>
      %swap3A_312 = tpu.memref_squeeze %swap3A_311 : memref<1x1x128x64xf32, #tpu.memory_space<vmem>> -> memref<128x64xf32, #tpu.memory_space<vmem>>
      %swap3A_313 = arith.index_cast %scan3A_300 : i32 to index
      %swap3A_314 = arith.constant 16 : index
      %swap3A_315 = tpu.vector_load %swap3A_312[%swap3A_313, %swap3A_314] {strides = array<i32>} : memref<128x64xf32, #tpu.memory_space<vmem>>, vector<1x16xf32>,
      %swap3A_316 = vector.shape_cast %swap3A_315 : vector<1x16xf32> to vector<16xf32>
      %swap3A_317 = vector.shape_cast %broadcast_in_dim3A_12 : vector<16xf32> to vector<1x16xf32>
      tpu.vector_store %swap3A_312[%swap3A_313, %swap3A_314], %swap3A_317 {strides = array<i32>} : memref<128x64xf32, #tpu.memory_space<vmem>>, vector<1x16xf32>,
      %swap3A_318 = arith.constant 0 : i32
      %swap3A_319 = arith.constant 0 : i32
      %swap3A_320 = tpu.memref_slice %arg8[%scan3A_13, %scan3A_14, %swap3A_318, %swap3A_319] : memref<2x4x128x64xf32, #tpu.memory_space<vmem>> -> memref<1x1x128x64xf32, #tpu.memory_space<vmem>>
      %swap3A_321 = tpu.memref_squeeze %swap3A_320 : memref<1x1x128x64xf32, #tpu.memory_space<vmem>> -> memref<128x64xf32, #tpu.memory_space<vmem>>
      %swap3A_322 = arith.index_cast %scan3A_300 : i32 to index
      %swap3A_323 = arith.constant 32 : index
      %swap3A_324 = tpu.vector_load %swap3A_321[%swap3A_322, %swap3A_323] {strides = array<i32>} : memref<128x64xf32, #tpu.memory_space<vmem>>, vector<1x16xf32>,
      %swap3A_325 = vector.shape_cast %swap3A_324 : vector<1x16xf32> to vector<16xf32>
      %swap3A_326 = vector.shape_cast %broadcast_in_dim3A_12 : vector<16xf32> to vector<1x16xf32>
      tpu.vector_store %swap3A_321[%swap3A_322, %swap3A_323], %swap3A_326 {strides = array<i32>} : memref<128x64xf32, #tpu.memory_space<vmem>>, vector<1x16xf32>,
      %swap3A_327 = arith.constant 0 : i32
      %swap3A_328 = arith.constant 0 : i32
      %swap3A_329 = tpu.memref_slice %arg8[%scan3A_13, %scan3A_14, %swap3A_327, %swap3A_328] : memref<2x4x128x64xf32, #tpu.memory_space<vmem>> -> memref<1x1x128x64xf32, #tpu.memory_space<vmem>>
      %swap3A_330 = tpu.memref_squeeze %swap3A_329 : memref<1x1x128x64xf32, #tpu.memory_space<vmem>> -> memref<128x64xf32, #tpu.memory_space<vmem>>
      %swap3A_331 = arith.index_cast %scan3A_300 : i32 to index
      %swap3A_332 = arith.constant 48 : index
      %swap3A_333 = tpu.vector_load %swap3A_330[%swap3A_331, %swap3A_332] {strides = array<i32>} : memref<128x64xf32, #tpu.memory_space<vmem>>, vector<1x16xf32>,
      %swap3A_334 = vector.shape_cast %swap3A_333 : vector<1x16xf32> to vector<16xf32>
      %swap3A_335 = vector.shape_cast %broadcast_in_dim3A_12 : vector<16xf32> to vector<1x16xf32>
      tpu.vector_store %swap3A_330[%swap3A_331, %swap3A_332], %swap3A_335 {strides = array<i32>} : memref<128x64xf32, #tpu.memory_space<vmem>>, vector<1x16xf32>,
    }
    %scan3A_19 = arith.constant 128 : i32
    %mul3A_20 = arith.constant 640 : i32
    %mul3A_21 = arith.muli %arg1, %mul3A_20 : i32
    %add3A_22 = arith.constant 0 : i32
    %add3A_23 = arith.addi %mul3A_21, %add3A_22 : i32
    %dma_start3A_24 = arith.constant 0 : i32
    %dma_start3A_25 = arith.constant 0 : i32
    %dma_start3A_26 = arith.constant 0 : i32
    %dma_start3A_27 = arith.constant 0 : i32
    %dma_start3A_28 = tpu.memref_slice %arg8[%dma_start3A_24, %dma_start3A_25, %dma_start3A_26, %dma_start3A_27] : memref<2x4x128x64xf32, #tpu.memory_space<vmem>> -> memref<1x1x128x64xf32, #tpu.memory_space<vmem>>
    %dma_start3A_29 = tpu.memref_squeeze %dma_start3A_28 : memref<1x1x128x64xf32, #tpu.memory_space<vmem>> -> memref<128x64xf32, #tpu.memory_space<vmem>>
    %dma_start3A_30 = arith.constant 0 : i32
    %dma_start3A_31 = tpu.memref_slice %arg9[%add3A_23, %dma_start3A_30] : memref<10240x64xf32, #tpu.memory_space<vmem_shared>> -> memref<128x64xf32, #tpu.memory_space<vmem_shared>>
    %dma_start3A_32 = arith.constant 0 : i32
    %dma_start3A_33 = tpu.memref_slice %arg9[%add3A_23, %dma_start3A_32] : memref<10240x64xf32, #tpu.memory_space<vmem_shared>> -> memref<128x64xf32, #tpu.memory_space<vmem_shared>>
    %dma_start3A_34 = arith.constant 0 : i32
    %dma_start3A_35 = arith.constant 0 : i32
    %dma_start3A_36 = tpu.memref_slice %arg8[%dma_start3A_24, %dma_start3A_25, %dma_start3A_34, %dma_start3A_35] : memref<2x4x128x64xf32, #tpu.memory_space<vmem>> -> memref<1x1x128x64xf32, #tpu.memory_space<vmem>>
    %dma_start3A_37 = tpu.memref_squeeze %dma_start3A_36 : memref<1x1x128x64xf32, #tpu.memory_space<vmem>> -> memref<128x64xf32, #tpu.memory_space<vmem>>
    tpu.enqueue_dma source(%dma_start3A_37 : memref<128x64xf32, #tpu.memory_space<vmem>>) target(%dma_start3A_33 : memref<128x64xf32, #tpu.memory_space<vmem_shared>>) target_semaphore(%arg10 : memref<!tpu.dma_semaphore, #tpu.memory_space<semaphore_mem>>)
    %add3A_38 = arith.constant 128 : i32
    %add3A_39 = arith.addi %mul3A_21, %add3A_38 : i32
    %dma_start3A_40 = arith.constant 0 : i32
    %dma_start3A_41 = arith.constant 0 : i32
    %dma_start3A_42 = arith.constant 0 : i32
    %dma_start3A_43 = arith.constant 0 : i32
    %dma_start3A_44 = tpu.memref_slice %arg8[%dma_start3A_40, %dma_start3A_41, %dma_start3A_42, %dma_start3A_43] : memref<2x4x128x64xf32, #tpu.memory_space<vmem>> -> memref<1x1x128x64xf32, #tpu.memory_space<vmem>>
    %dma_start3A_45 = tpu.memref_squeeze %dma_start3A_44 : memref<1x1x128x64xf32, #tpu.memory_space<vmem>> -> memref<128x64xf32, #tpu.memory_space<vmem>>
    %dma_start3A_46 = arith.constant 0 : i32
    %dma_start3A_47 = tpu.memref_slice %arg9[%add3A_39, %dma_start3A_46] : memref<10240x64xf32, #tpu.memory_space<vmem_shared>> -> memref<128x64xf32, #tpu.memory_space<vmem_shared>>
    %dma_start3A_48 = arith.constant 0 : i32
    %dma_start3A_49 = tpu.memref_slice %arg9[%add3A_39, %dma_start3A_48] : memref<10240x64xf32, #tpu.memory_space<vmem_shared>> -> memref<128x64xf32, #tpu.memory_space<vmem_shared>>
    %dma_start3A_50 = arith.constant 0 : i32
    %dma_start3A_51 = arith.constant 0 : i32
    %dma_start3A_52 = tpu.memref_slice %arg8[%dma_start3A_40, %dma_start3A_41, %dma_start3A_50, %dma_start3A_51] : memref<2x4x128x64xf32, #tpu.memory_space<vmem>> -> memref<1x1x128x64xf32, #tpu.memory_space<vmem>>
    %dma_start3A_53 = tpu.memref_squeeze %dma_start3A_52 : memref<1x1x128x64xf32, #tpu.memory_space<vmem>> -> memref<128x64xf32, #tpu.memory_space<vmem>>
    tpu.enqueue_dma source(%dma_start3A_53 : memref<128x64xf32, #tpu.memory_space<vmem>>) target(%dma_start3A_49 : memref<128x64xf32, #tpu.memory_space<vmem_shared>>) target_semaphore(%arg10 : memref<!tpu.dma_semaphore, #tpu.memory_space<semaphore_mem>>)
    %add3A_54 = arith.constant 256 : i32
    %add3A_55 = arith.addi %mul3A_21, %add3A_54 : i32
    %dma_start3A_56 = arith.constant 0 : i32
    %dma_start3A_57 = arith.constant 0 : i32
    %dma_start3A_58 = arith.constant 0 : i32
    %dma_start3A_59 = arith.constant 0 : i32
    %dma_start3A_60 = tpu.memref_slice %arg8[%dma_start3A_56, %dma_start3A_57, %dma_start3A_58, %dma_start3A_59] : memref<2x4x128x64xf32, #tpu.memory_space<vmem>> -> memref<1x1x128x64xf32, #tpu.memory_space<vmem>>
    %dma_start3A_61 = tpu.memref_squeeze %dma_start3A_60 : memref<1x1x128x64xf32, #tpu.memory_space<vmem>> -> memref<128x64xf32, #tpu.memory_space<vmem>>
    %dma_start3A_62 = arith.constant 0 : i32
    %dma_start3A_63 = tpu.memref_slice %arg9[%add3A_55, %dma_start3A_62] : memref<10240x64xf32, #tpu.memory_space<vmem_shared>> -> memref<128x64xf32, #tpu.memory_space<vmem_shared>>
    %dma_start3A_64 = arith.constant 0 : i32
    %dma_start3A_65 = tpu.memref_slice %arg9[%add3A_55, %dma_start3A_64] : memref<10240x64xf32, #tpu.memory_space<vmem_shared>> -> memref<128x64xf32, #tpu.memory_space<vmem_shared>>
    %dma_start3A_66 = arith.constant 0 : i32
    %dma_start3A_67 = arith.constant 0 : i32
    %dma_start3A_68 = tpu.memref_slice %arg8[%dma_start3A_56, %dma_start3A_57, %dma_start3A_66, %dma_start3A_67] : memref<2x4x128x64xf32, #tpu.memory_space<vmem>> -> memref<1x1x128x64xf32, #tpu.memory_space<vmem>>
    %dma_start3A_69 = tpu.memref_squeeze %dma_start3A_68 : memref<1x1x128x64xf32, #tpu.memory_space<vmem>> -> memref<128x64xf32, #tpu.memory_space<vmem>>
    tpu.enqueue_dma source(%dma_start3A_69 : memref<128x64xf32, #tpu.memory_space<vmem>>) target(%dma_start3A_65 : memref<128x64xf32, #tpu.memory_space<vmem_shared>>) target_semaphore(%arg10 : memref<!tpu.dma_semaphore, #tpu.memory_space<semaphore_mem>>)
    %add3A_70 = arith.constant 384 : i32
    %add3A_71 = arith.addi %mul3A_21, %add3A_70 : i32
    %dma_start3A_72 = arith.constant 0 : i32
    %dma_start3A_73 = arith.constant 0 : i32
    %dma_start3A_74 = arith.constant 0 : i32
    %dma_start3A_75 = arith.constant 0 : i32
    %dma_start3A_76 = tpu.memref_slice %arg8[%dma_start3A_72, %dma_start3A_73, %dma_start3A_74, %dma_start3A_75] : memref<2x4x128x64xf32, #tpu.memory_space<vmem>> -> memref<1x1x128x64xf32, #tpu.memory_space<vmem>>
    %dma_start3A_77 = tpu.memref_squeeze %dma_start3A_76 : memref<1x1x128x64xf32, #tpu.memory_space<vmem>> -> memref<128x64xf32, #tpu.memory_space<vmem>>
    %dma_start3A_78 = arith.constant 0 : i32
    %dma_start3A_79 = tpu.memref_slice %arg9[%add3A_71, %dma_start3A_78] : memref<10240x64xf32, #tpu.memory_space<vmem_shared>> -> memref<128x64xf32, #tpu.memory_space<vmem_shared>>
    %dma_start3A_80 = arith.constant 0 : i32
    %dma_start3A_81 = tpu.memref_slice %arg9[%add3A_71, %dma_start3A_80] : memref<10240x64xf32, #tpu.memory_space<vmem_shared>> -> memref<128x64xf32, #tpu.memory_space<vmem_shared>>
    %dma_start3A_82 = arith.constant 0 : i32
    %dma_start3A_83 = arith.constant 0 : i32
    %dma_start3A_84 = tpu.memref_slice %arg8[%dma_start3A_72, %dma_start3A_73, %dma_start3A_82, %dma_start3A_83] : memref<2x4x128x64xf32, #tpu.memory_space<vmem>> -> memref<1x1x128x64xf32, #tpu.memory_space<vmem>>
    %dma_start3A_85 = tpu.memref_squeeze %dma_start3A_84 : memref<1x1x128x64xf32, #tpu.memory_space<vmem>> -> memref<128x64xf32, #tpu.memory_space<vmem>>
    tpu.enqueue_dma source(%dma_start3A_85 : memref<128x64xf32, #tpu.memory_space<vmem>>) target(%dma_start3A_81 : memref<128x64xf32, #tpu.memory_space<vmem_shared>>) target_semaphore(%arg10 : memref<!tpu.dma_semaphore, #tpu.memory_space<semaphore_mem>>)
    %add3A_86 = arith.constant 512 : i32
    %add3A_87 = arith.addi %mul3A_21, %add3A_86 : i32
    %dma_start3A_88 = arith.constant 0 : i32
    %dma_start3A_89 = arith.constant 0 : i32
    %dma_start3A_90 = arith.constant 0 : i32
    %dma_start3A_91 = arith.constant 0 : i32
    %dma_start3A_92 = tpu.memref_slice %arg8[%dma_start3A_88, %dma_start3A_89, %dma_start3A_90, %dma_start3A_91] : memref<2x4x128x64xf32, #tpu.memory_space<vmem>> -> memref<1x1x128x64xf32, #tpu.memory_space<vmem>>
    %dma_start3A_93 = tpu.memref_squeeze %dma_start3A_92 : memref<1x1x128x64xf32, #tpu.memory_space<vmem>> -> memref<128x64xf32, #tpu.memory_space<vmem>>
    %dma_start3A_94 = arith.constant 0 : i32
    %dma_start3A_95 = tpu.memref_slice %arg9[%add3A_87, %dma_start3A_94] : memref<10240x64xf32, #tpu.memory_space<vmem_shared>> -> memref<128x64xf32, #tpu.memory_space<vmem_shared>>
    %dma_start3A_96 = arith.constant 0 : i32
    %dma_start3A_97 = tpu.memref_slice %arg9[%add3A_87, %dma_start3A_96] : memref<10240x64xf32, #tpu.memory_space<vmem_shared>> -> memref<128x64xf32, #tpu.memory_space<vmem_shared>>
    %dma_start3A_98 = arith.constant 0 : i32
    %dma_start3A_99 = arith.constant 0 : i32
    %dma_start3A_100 = tpu.memref_slice %arg8[%dma_start3A_88, %dma_start3A_89, %dma_start3A_98, %dma_start3A_99] : memref<2x4x128x64xf32, #tpu.memory_space<vmem>> -> memref<1x1x128x64xf32, #tpu.memory_space<vmem>>
    %dma_start3A_101 = tpu.memref_squeeze %dma_start3A_100 : memref<1x1x128x64xf32, #tpu.memory_space<vmem>> -> memref<128x64xf32, #tpu.memory_space<vmem>>
    tpu.enqueue_dma source(%dma_start3A_101 : memref<128x64xf32, #tpu.memory_space<vmem>>) target(%dma_start3A_97 : memref<128x64xf32, #tpu.memory_space<vmem_shared>>) target_semaphore(%arg10 : memref<!tpu.dma_semaphore, #tpu.memory_space<semaphore_mem>>)
    %dma_wait3A = arith.constant 0 : i32
    %dma_wait3A_102 = tpu.memref_slice %arg3[%mul3A_2, %dma_wait3A] : memref<2560x128xi32, #tpu.memory_space<hbm>> -> memref<80x128xi32, #tpu.memory_space<hbm>>
    %dma_wait3A_103 = arith.constant 0 : i32
    %dma_wait3A_104 = tpu.memref_slice %arg3[%mul3A_2, %dma_wait3A_103] : memref<2560x128xi32, #tpu.memory_space<hbm>> -> memref<80x128xi32, #tpu.memory_space<hbm>>
    tpu.wait_dma2 semaphore(%arg10 : memref<!tpu.dma_semaphore, #tpu.memory_space<semaphore_mem>>) src(%dma_wait3A_104 : memref<80x128xi32, #tpu.memory_space<hbm>>) dst(%arg6 : memref<80x128xi32, #tpu.memory_space<vmem>>)
    %dma_wait3A_105 = arith.constant 0 : i32
    %dma_wait3A_106 = tpu.memref_slice %arg4[%mul3A_7, %dma_wait3A_105] : memref<2560x128xi32, #tpu.memory_space<hbm>> -> memref<80x128xi32, #tpu.memory_space<hbm>>
    %dma_wait3A_107 = arith.constant 0 : i32
    %dma_wait3A_108 = tpu.memref_slice %arg4[%mul3A_7, %dma_wait3A_107] : memref<2560x128xi32, #tpu.memory_space<hbm>> -> memref<80x128xi32, #tpu.memory_space<hbm>>
    tpu.wait_dma2 semaphore(%arg11 : memref<!tpu.dma_semaphore, #tpu.memory_space<semaphore_mem>>) src(%dma_wait3A_108 : memref<80x128xi32, #tpu.memory_space<hbm>>) dst(%arg7 : memref<80x128xi32, #tpu.memory_space<vmem>>)
    %dma_wait3A_109 = arith.constant 0 : i32
    %dma_wait3A_110 = arith.constant 0 : i32
    %dma_wait3A_111 = arith.constant 0 : i32
    %dma_wait3A_112 = arith.constant 0 : i32
    %dma_wait3A_113 = tpu.memref_slice %arg8[%dma_wait3A_109, %dma_wait3A_110, %dma_wait3A_111, %dma_wait3A_112] : memref<2x4x128x64xf32, #tpu.memory_space<vmem>> -> memref<1x1x128x64xf32, #tpu.memory_space<vmem>>
    %dma_wait3A_114 = tpu.memref_squeeze %dma_wait3A_113 : memref<1x1x128x64xf32, #tpu.memory_space<vmem>> -> memref<128x64xf32, #tpu.memory_space<vmem>>
    %dma_wait3A_115 = arith.constant 0 : i32
    %dma_wait3A_116 = tpu.memref_slice %arg9[%add3A_23, %dma_wait3A_115] : memref<10240x64xf32, #tpu.memory_space<vmem_shared>> -> memref<128x64xf32, #tpu.memory_space<vmem_shared>>
    %dma_wait3A_117 = arith.constant 0 : i32
    %dma_wait3A_118 = tpu.memref_slice %arg9[%add3A_23, %dma_wait3A_117] : memref<10240x64xf32, #tpu.memory_space<vmem_shared>> -> memref<128x64xf32, #tpu.memory_space<vmem_shared>>
    %dma_wait3A_119 = arith.constant 0 : i32
    %dma_wait3A_120 = arith.constant 0 : i32
    %dma_wait3A_121 = tpu.memref_slice %arg8[%dma_wait3A_109, %dma_wait3A_110, %dma_wait3A_119, %dma_wait3A_120] : memref<2x4x128x64xf32, #tpu.memory_space<vmem>> -> memref<1x1x128x64xf32, #tpu.memory_space<vmem>>
    %dma_wait3A_122 = tpu.memref_squeeze %dma_wait3A_121 : memref<1x1x128x64xf32, #tpu.memory_space<vmem>> -> memref<128x64xf32, #tpu.memory_space<vmem>>
    tpu.wait_dma2 semaphore(%arg10 : memref<!tpu.dma_semaphore, #tpu.memory_space<semaphore_mem>>) src(%dma_wait3A_122 : memref<128x64xf32, #tpu.memory_space<vmem>>) dst(%dma_wait3A_118 : memref<128x64xf32, #tpu.memory_space<vmem_shared>>)
    %dma_wait3A_123 = arith.constant 0 : i32
    %dma_wait3A_124 = arith.constant 0 : i32
    %dma_wait3A_125 = arith.constant 0 : i32
    %dma_wait3A_126 = arith.constant 0 : i32
    %dma_wait3A_127 = tpu.memref_slice %arg8[%dma_wait3A_123, %dma_wait3A_124, %dma_wait3A_125, %dma_wait3A_126] : memref<2x4x128x64xf32, #tpu.memory_space<vmem>> -> memref<1x1x128x64xf32, #tpu.memory_space<vmem>>
    %dma_wait3A_128 = tpu.memref_squeeze %dma_wait3A_127 : memref<1x1x128x64xf32, #tpu.memory_space<vmem>> -> memref<128x64xf32, #tpu.memory_space<vmem>>
    %dma_wait3A_129 = arith.constant 0 : i32
    %dma_wait3A_130 = tpu.memref_slice %arg9[%add3A_39, %dma_wait3A_129] : memref<10240x64xf32, #tpu.memory_space<vmem_shared>> -> memref<128x64xf32, #tpu.memory_space<vmem_shared>>
    %dma_wait3A_131 = arith.constant 0 : i32
    %dma_wait3A_132 = tpu.memref_slice %arg9[%add3A_39, %dma_wait3A_131] : memref<10240x64xf32, #tpu.memory_space<vmem_shared>> -> memref<128x64xf32, #tpu.memory_space<vmem_shared>>
    %dma_wait3A_133 = arith.constant 0 : i32
    %dma_wait3A_134 = arith.constant 0 : i32
    %dma_wait3A_135 = tpu.memref_slice %arg8[%dma_wait3A_123, %dma_wait3A_124, %dma_wait3A_133, %dma_wait3A_134] : memref<2x4x128x64xf32, #tpu.memory_space<vmem>> -> memref<1x1x128x64xf32, #tpu.memory_space<vmem>>
    %dma_wait3A_136 = tpu.memref_squeeze %dma_wait3A_135 : memref<1x1x128x64xf32, #tpu.memory_space<vmem>> -> memref<128x64xf32, #tpu.memory_space<vmem>>
    tpu.wait_dma2 semaphore(%arg10 : memref<!tpu.dma_semaphore, #tpu.memory_space<semaphore_mem>>) src(%dma_wait3A_136 : memref<128x64xf32, #tpu.memory_space<vmem>>) dst(%dma_wait3A_132 : memref<128x64xf32, #tpu.memory_space<vmem_shared>>)
    %dma_wait3A_137 = arith.constant 0 : i32
    %dma_wait3A_138 = arith.constant 0 : i32
    %dma_wait3A_139 = arith.constant 0 : i32
    %dma_wait3A_140 = arith.constant 0 : i32
    %dma_wait3A_141 = tpu.memref_slice %arg8[%dma_wait3A_137, %dma_wait3A_138, %dma_wait3A_139, %dma_wait3A_140] : memref<2x4x128x64xf32, #tpu.memory_space<vmem>> -> memref<1x1x128x64xf32, #tpu.memory_space<vmem>>
    %dma_wait3A_142 = tpu.memref_squeeze %dma_wait3A_141 : memref<1x1x128x64xf32, #tpu.memory_space<vmem>> -> memref<128x64xf32, #tpu.memory_space<vmem>>
    %dma_wait3A_143 = arith.constant 0 : i32
    %dma_wait3A_144 = tpu.memref_slice %arg9[%add3A_55, %dma_wait3A_143] : memref<10240x64xf32, #tpu.memory_space<vmem_shared>> -> memref<128x64xf32, #tpu.memory_space<vmem_shared>>
    %dma_wait3A_145 = arith.constant 0 : i32
    %dma_wait3A_146 = tpu.memref_slice %arg9[%add3A_55, %dma_wait3A_145] : memref<10240x64xf32, #tpu.memory_space<vmem_shared>> -> memref<128x64xf32, #tpu.memory_space<vmem_shared>>
    %dma_wait3A_147 = arith.constant 0 : i32
    %dma_wait3A_148 = arith.constant 0 : i32
    %dma_wait3A_149 = tpu.memref_slice %arg8[%dma_wait3A_137, %dma_wait3A_138, %dma_wait3A_147, %dma_wait3A_148] : memref<2x4x128x64xf32, #tpu.memory_space<vmem>> -> memref<1x1x128x64xf32, #tpu.memory_space<vmem>>
    %dma_wait3A_150 = tpu.memref_squeeze %dma_wait3A_149 : memref<1x1x128x64xf32, #tpu.memory_space<vmem>> -> memref<128x64xf32, #tpu.memory_space<vmem>>
    tpu.wait_dma2 semaphore(%arg10 : memref<!tpu.dma_semaphore, #tpu.memory_space<semaphore_mem>>) src(%dma_wait3A_150 : memref<128x64xf32, #tpu.memory_space<vmem>>) dst(%dma_wait3A_146 : memref<128x64xf32, #tpu.memory_space<vmem_shared>>)
    %dma_wait3A_151 = arith.constant 0 : i32
    %dma_wait3A_152 = arith.constant 0 : i32
    %dma_wait3A_153 = arith.constant 0 : i32
    %dma_wait3A_154 = arith.constant 0 : i32
    %dma_wait3A_155 = tpu.memref_slice %arg8[%dma_wait3A_151, %dma_wait3A_152, %dma_wait3A_153, %dma_wait3A_154] : memref<2x4x128x64xf32, #tpu.memory_space<vmem>> -> memref<1x1x128x64xf32, #tpu.memory_space<vmem>>
    %dma_wait3A_156 = tpu.memref_squeeze %dma_wait3A_155 : memref<1x1x128x64xf32, #tpu.memory_space<vmem>> -> memref<128x64xf32, #tpu.memory_space<vmem>>
    %dma_wait3A_157 = arith.constant 0 : i32
    %dma_wait3A_158 = tpu.memref_slice %arg9[%add3A_71, %dma_wait3A_157] : memref<10240x64xf32, #tpu.memory_space<vmem_shared>> -> memref<128x64xf32, #tpu.memory_space<vmem_shared>>
    %dma_wait3A_159 = arith.constant 0 : i32
    %dma_wait3A_160 = tpu.memref_slice %arg9[%add3A_71, %dma_wait3A_159] : memref<10240x64xf32, #tpu.memory_space<vmem_shared>> -> memref<128x64xf32, #tpu.memory_space<vmem_shared>>
    %dma_wait3A_161 = arith.constant 0 : i32
    %dma_wait3A_162 = arith.constant 0 : i32
    %dma_wait3A_163 = tpu.memref_slice %arg8[%dma_wait3A_151, %dma_wait3A_152, %dma_wait3A_161, %dma_wait3A_162] : memref<2x4x128x64xf32, #tpu.memory_space<vmem>> -> memref<1x1x128x64xf32, #tpu.memory_space<vmem>>
    %dma_wait3A_164 = tpu.memref_squeeze %dma_wait3A_163 : memref<1x1x128x64xf32, #tpu.memory_space<vmem>> -> memref<128x64xf32, #tpu.memory_space<vmem>>
    tpu.wait_dma2 semaphore(%arg10 : memref<!tpu.dma_semaphore, #tpu.memory_space<semaphore_mem>>) src(%dma_wait3A_164 : memref<128x64xf32, #tpu.memory_space<vmem>>) dst(%dma_wait3A_160 : memref<128x64xf32, #tpu.memory_space<vmem_shared>>)
    %dma_wait3A_165 = arith.constant 0 : i32
    %dma_wait3A_166 = arith.constant 0 : i32
    %dma_wait3A_167 = arith.constant 0 : i32
    %dma_wait3A_168 = arith.constant 0 : i32
    %dma_wait3A_169 = tpu.memref_slice %arg8[%dma_wait3A_165, %dma_wait3A_166, %dma_wait3A_167, %dma_wait3A_168] : memref<2x4x128x64xf32, #tpu.memory_space<vmem>> -> memref<1x1x128x64xf32, #tpu.memory_space<vmem>>
    %dma_wait3A_170 = tpu.memref_squeeze %dma_wait3A_169 : memref<1x1x128x64xf32, #tpu.memory_space<vmem>> -> memref<128x64xf32, #tpu.memory_space<vmem>>
    %dma_wait3A_171 = arith.constant 0 : i32
    %dma_wait3A_172 = tpu.memref_slice %arg9[%add3A_87, %dma_wait3A_171] : memref<10240x64xf32, #tpu.memory_space<vmem_shared>> -> memref<128x64xf32, #tpu.memory_space<vmem_shared>>
    %dma_wait3A_173 = arith.constant 0 : i32
    %dma_wait3A_174 = tpu.memref_slice %arg9[%add3A_87, %dma_wait3A_173] : memref<10240x64xf32, #tpu.memory_space<vmem_shared>> -> memref<128x64xf32, #tpu.memory_space<vmem_shared>>
    %dma_wait3A_175 = arith.constant 0 : i32
    %dma_wait3A_176 = arith.constant 0 : i32
    %dma_wait3A_177 = tpu.memref_slice %arg8[%dma_wait3A_165, %dma_wait3A_166, %dma_wait3A_175, %dma_wait3A_176] : memref<2x4x128x64xf32, #tpu.memory_space<vmem>> -> memref<1x1x128x64xf32, #tpu.memory_space<vmem>>
    %dma_wait3A_178 = tpu.memref_squeeze %dma_wait3A_177 : memref<1x1x128x64xf32, #tpu.memory_space<vmem>> -> memref<128x64xf32, #tpu.memory_space<vmem>>
    tpu.wait_dma2 semaphore(%arg10 : memref<!tpu.dma_semaphore, #tpu.memory_space<semaphore_mem>>) src(%dma_wait3A_178 : memref<128x64xf32, #tpu.memory_space<vmem>>) dst(%dma_wait3A_174 : memref<128x64xf32, #tpu.memory_space<vmem_shared>>)
    %barrier3A = arith.constant 0 : index
    tpu.barrier barrier_id(%barrier3A)
    %dma_start3A_179 = arith.constant 0 : i32
    %dma_start3A_180 = arith.constant 0 : i32
    %dma_start3A_181 = arith.constant 0 : i32
    %dma_start3A_182 = arith.constant 0 : i32
    %dma_start3A_183 = arith.constant 0 : i32
    %dma_start3A_184 = tpu.memref_slice %arg8[%dma_start3A_180, %dma_start3A_181, %dma_start3A_182, %dma_start3A_183] : memref<2x4x128x64xf32, #tpu.memory_space<vmem>> -> memref<1x1x128x64xf32, #tpu.memory_space<vmem>>
    %dma_start3A_185 = tpu.memref_squeeze %dma_start3A_184 : memref<1x1x128x64xf32, #tpu.memory_space<vmem>> -> memref<128x64xf32, #tpu.memory_space<vmem>>
    %dma_start3A_186 = arith.constant 0 : i32
    %dma_start3A_187 = tpu.memref_slice %arg6[%dma_start3A_179, %dma_start3A_186] : memref<80x128xi32, #tpu.memory_space<vmem>> -> memref<1x128xi32, #tpu.memory_space<vmem>>
    %dma_start3A_188 = tpu.memref_squeeze %dma_start3A_187 : memref<1x128xi32, #tpu.memory_space<vmem>> -> memref<128xi32, #tpu.memory_space<vmem>>
    %dma_start3A_189 = arith.constant 0 : i32
    %dma_start3A_190 = arith.constant 0 : i32
    %dma_start3A_191 = tpu.memref_slice %arg2[%dma_start3A_189, %dma_start3A_190] : memref<10240x64xf32, #tpu.memory_space<hbm>> -> memref<10240x64xf32, #tpu.memory_space<hbm>>
    tpu.enqueue_indirect_dma source(%dma_start3A_191 : memref<10240x64xf32, #tpu.memory_space<hbm>>) target(%dma_start3A_185 : memref<128x64xf32, #tpu.memory_space<vmem>>) offsets(%dma_start3A_188 : memref<128xi32, #tpu.memory_space<vmem>>) semaphore(%arg10 : memref<!tpu.dma_semaphore, #tpu.memory_space<semaphore_mem>>)
    %dma_start3A_192 = arith.constant 1 : i32
    %dma_start3A_193 = arith.constant 0 : i32
    %dma_start3A_194 = arith.constant 1 : i32
    %dma_start3A_195 = arith.constant 0 : i32
    %dma_start3A_196 = arith.constant 0 : i32
    %dma_start3A_197 = tpu.memref_slice %arg8[%dma_start3A_193, %dma_start3A_194, %dma_start3A_195, %dma_start3A_196] : memref<2x4x128x64xf32, #tpu.memory_space<vmem>> -> memref<1x1x128x64xf32, #tpu.memory_space<vmem>>
    %dma_start3A_198 = tpu.memref_squeeze %dma_start3A_197 : memref<1x1x128x64xf32, #tpu.memory_space<vmem>> -> memref<128x64xf32, #tpu.memory_space<vmem>>
    %dma_start3A_199 = arith.constant 0 : i32
    %dma_start3A_200 = tpu.memref_slice %arg6[%dma_start3A_192, %dma_start3A_199] : memref<80x128xi32, #tpu.memory_space<vmem>> -> memref<1x128xi32, #tpu.memory_space<vmem>>
    %dma_start3A_201 = tpu.memref_squeeze %dma_start3A_200 : memref<1x128xi32, #tpu.memory_space<vmem>> -> memref<128xi32, #tpu.memory_space<vmem>>
    %dma_start3A_202 = arith.constant 0 : i32
    %dma_start3A_203 = arith.constant 0 : i32
    %dma_start3A_204 = tpu.memref_slice %arg2[%dma_start3A_202, %dma_start3A_203] : memref<10240x64xf32, #tpu.memory_space<hbm>> -> memref<10240x64xf32, #tpu.memory_space<hbm>>
    tpu.enqueue_indirect_dma source(%dma_start3A_204 : memref<10240x64xf32, #tpu.memory_space<hbm>>) target(%dma_start3A_198 : memref<128x64xf32, #tpu.memory_space<vmem>>) offsets(%dma_start3A_201 : memref<128xi32, #tpu.memory_space<vmem>>) semaphore(%arg10 : memref<!tpu.dma_semaphore, #tpu.memory_space<semaphore_mem>>)
    %dma_start3A_205 = arith.constant 2 : i32
    %dma_start3A_206 = arith.constant 0 : i32
    %dma_start3A_207 = arith.constant 2 : i32
    %dma_start3A_208 = arith.constant 0 : i32
    %dma_start3A_209 = arith.constant 0 : i32
    %dma_start3A_210 = tpu.memref_slice %arg8[%dma_start3A_206, %dma_start3A_207, %dma_start3A_208, %dma_start3A_209] : memref<2x4x128x64xf32, #tpu.memory_space<vmem>> -> memref<1x1x128x64xf32, #tpu.memory_space<vmem>>
    %dma_start3A_211 = tpu.memref_squeeze %dma_start3A_210 : memref<1x1x128x64xf32, #tpu.memory_space<vmem>> -> memref<128x64xf32, #tpu.memory_space<vmem>>
    %dma_start3A_212 = arith.constant 0 : i32
    %dma_start3A_213 = tpu.memref_slice %arg6[%dma_start3A_205, %dma_start3A_212] : memref<80x128xi32, #tpu.memory_space<vmem>> -> memref<1x128xi32, #tpu.memory_space<vmem>>
    %dma_start3A_214 = tpu.memref_squeeze %dma_start3A_213 : memref<1x128xi32, #tpu.memory_space<vmem>> -> memref<128xi32, #tpu.memory_space<vmem>>
    %dma_start3A_215 = arith.constant 0 : i32
    %dma_start3A_216 = arith.constant 0 : i32
    %dma_start3A_217 = tpu.memref_slice %arg2[%dma_start3A_215, %dma_start3A_216] : memref<10240x64xf32, #tpu.memory_space<hbm>> -> memref<10240x64xf32, #tpu.memory_space<hbm>>
    tpu.enqueue_indirect_dma source(%dma_start3A_217 : memref<10240x64xf32, #tpu.memory_space<hbm>>) target(%dma_start3A_211 : memref<128x64xf32, #tpu.memory_space<vmem>>) offsets(%dma_start3A_214 : memref<128xi32, #tpu.memory_space<vmem>>) semaphore(%arg10 : memref<!tpu.dma_semaphore, #tpu.memory_space<semaphore_mem>>)
    %dma_start3A_218 = arith.constant 3 : i32
    %dma_start3A_219 = arith.constant 0 : i32
    %dma_start3A_220 = arith.constant 3 : i32
    %dma_start3A_221 = arith.constant 0 : i32
    %dma_start3A_222 = arith.constant 0 : i32
    %dma_start3A_223 = tpu.memref_slice %arg8[%dma_start3A_219, %dma_start3A_220, %dma_start3A_221, %dma_start3A_222] : memref<2x4x128x64xf32, #tpu.memory_space<vmem>> -> memref<1x1x128x64xf32, #tpu.memory_space<vmem>>
    %dma_start3A_224 = tpu.memref_squeeze %dma_start3A_223 : memref<1x1x128x64xf32, #tpu.memory_space<vmem>> -> memref<128x64xf32, #tpu.memory_space<vmem>>
    %dma_start3A_225 = arith.constant 0 : i32
    %dma_start3A_226 = tpu.memref_slice %arg6[%dma_start3A_218, %dma_start3A_225] : memref<80x128xi32, #tpu.memory_space<vmem>> -> memref<1x128xi32, #tpu.memory_space<vmem>>
    %dma_start3A_227 = tpu.memref_squeeze %dma_start3A_226 : memref<1x128xi32, #tpu.memory_space<vmem>> -> memref<128xi32, #tpu.memory_space<vmem>>
    %dma_start3A_228 = arith.constant 0 : i32
    %dma_start3A_229 = arith.constant 0 : i32
    %dma_start3A_230 = tpu.memref_slice %arg2[%dma_start3A_228, %dma_start3A_229] : memref<10240x64xf32, #tpu.memory_space<hbm>> -> memref<10240x64xf32, #tpu.memory_space<hbm>>
    tpu.enqueue_indirect_dma source(%dma_start3A_230 : memref<10240x64xf32, #tpu.memory_space<hbm>>) target(%dma_start3A_224 : memref<128x64xf32, #tpu.memory_space<vmem>>) offsets(%dma_start3A_227 : memref<128xi32, #tpu.memory_space<vmem>>) semaphore(%arg10 : memref<!tpu.dma_semaphore, #tpu.memory_space<semaphore_mem>>)
    %scan3A_231 = arith.constant 0 : i32
    %scan3A_232 = arith.constant 0 : i32
    %scan3A_233 = arith.constant 20 : i32
    %scan3A_234 = arith.addi %scan3A_232, %scan3A_233 : i32
    %scan3A_235 = arith.constant 1 : i32
    scf.for %scan3A_300 = %scan3A_232 to %scan3A_234 step %scan3A_235  : i32 {
      %rem3A_301 = arith.constant 2 : i32
      %rem3A_302 = arith.remsi %scan3A_300, %rem3A_301 : i32
      %sub3A = arith.constant 1 : i32
      %sub3A_303 = arith.subi %sub3A, %rem3A_302 : i32
      %ge3A = arith.constant 1 : i32
      %ge3A_304 = arith.cmpi sge, %scan3A_300, %ge3A : i32
      %convert_element_type3A = arith.extui %ge3A_304 : i1 to i32
      %cond3A = arith.constant 0 : i32
      %cond3A_305 = arith.cmpi ne, %convert_element_type3A, %cond3A : i32
      scf.if %cond3A_305 {
        %dma_wait3A_430 = arith.constant 0 : i32
        %dma_wait3A_431 = arith.constant 0 : i32
        %dma_wait3A_432 = arith.constant 0 : i32
        %dma_wait3A_433 = tpu.memref_slice %arg8[%sub3A_303, %dma_wait3A_430, %dma_wait3A_431, %dma_wait3A_432] : memref<2x4x128x64xf32, #tpu.memory_space<vmem>> -> memref<1x1x128x64xf32, #tpu.memory_space<vmem>>
        %dma_wait3A_434 = tpu.memref_squeeze %dma_wait3A_433 : memref<1x1x128x64xf32, #tpu.memory_space<vmem>> -> memref<128x64xf32, #tpu.memory_space<vmem>>
        %dma_wait3A_435 = arith.constant 0 : i32
        %dma_wait3A_436 = arith.constant 0 : i32
        %dma_wait3A_437 = tpu.memref_slice %arg9[%dma_wait3A_435, %dma_wait3A_436] : memref<10240x64xf32, #tpu.memory_space<vmem_shared>> -> memref<128x64xf32, #tpu.memory_space<vmem_shared>>
        %dma_wait3A_438 = arith.constant 0 : i32
        %dma_wait3A_439 = arith.constant 0 : i32
        %dma_wait3A_440 = tpu.memref_slice %arg9[%dma_wait3A_438, %dma_wait3A_439] : memref<10240x64xf32, #tpu.memory_space<vmem_shared>> -> memref<128x64xf32, #tpu.memory_space<vmem_shared>>
        %dma_wait3A_441 = arith.constant 0 : i32
        %dma_wait3A_442 = arith.constant 0 : i32
        %dma_wait3A_443 = tpu.memref_slice %arg8[%sub3A_303, %dma_wait3A_430, %dma_wait3A_441, %dma_wait3A_442] : memref<2x4x128x64xf32, #tpu.memory_space<vmem>> -> memref<1x1x128x64xf32, #tpu.memory_space<vmem>>
        %dma_wait3A_444 = tpu.memref_squeeze %dma_wait3A_443 : memref<1x1x128x64xf32, #tpu.memory_space<vmem>> -> memref<128x64xf32, #tpu.memory_space<vmem>>
        tpu.wait_dma2 semaphore(%arg11 : memref<!tpu.dma_semaphore, #tpu.memory_space<semaphore_mem>>) src(%dma_wait3A_444 : memref<128x64xf32, #tpu.memory_space<vmem>>) dst(%dma_wait3A_440 : memref<128x64xf32, #tpu.memory_space<vmem_shared>>)
        %dma_wait3A_445 = arith.constant 1 : i32
        %dma_wait3A_446 = arith.constant 0 : i32
        %dma_wait3A_447 = arith.constant 0 : i32
        %dma_wait3A_448 = tpu.memref_slice %arg8[%sub3A_303, %dma_wait3A_445, %dma_wait3A_446, %dma_wait3A_447] : memref<2x4x128x64xf32, #tpu.memory_space<vmem>> -> memref<1x1x128x64xf32, #tpu.memory_space<vmem>>
        %dma_wait3A_449 = tpu.memref_squeeze %dma_wait3A_448 : memref<1x1x128x64xf32, #tpu.memory_space<vmem>> -> memref<128x64xf32, #tpu.memory_space<vmem>>
        %dma_wait3A_450 = arith.constant 0 : i32
        %dma_wait3A_451 = arith.constant 0 : i32
        %dma_wait3A_452 = tpu.memref_slice %arg9[%dma_wait3A_450, %dma_wait3A_451] : memref<10240x64xf32, #tpu.memory_space<vmem_shared>> -> memref<128x64xf32, #tpu.memory_space<vmem_shared>>
        %dma_wait3A_453 = arith.constant 0 : i32
        %dma_wait3A_454 = arith.constant 0 : i32
        %dma_wait3A_455 = tpu.memref_slice %arg9[%dma_wait3A_453, %dma_wait3A_454] : memref<10240x64xf32, #tpu.memory_space<vmem_shared>> -> memref<128x64xf32, #tpu.memory_space<vmem_shared>>
        %dma_wait3A_456 = arith.constant 0 : i32
        %dma_wait3A_457 = arith.constant 0 : i32
        %dma_wait3A_458 = tpu.memref_slice %arg8[%sub3A_303, %dma_wait3A_445, %dma_wait3A_456, %dma_wait3A_457] : memref<2x4x128x64xf32, #tpu.memory_space<vmem>> -> memref<1x1x128x64xf32, #tpu.memory_space<vmem>>
        %dma_wait3A_459 = tpu.memref_squeeze %dma_wait3A_458 : memref<1x1x128x64xf32, #tpu.memory_space<vmem>> -> memref<128x64xf32, #tpu.memory_space<vmem>>
        tpu.wait_dma2 semaphore(%arg11 : memref<!tpu.dma_semaphore, #tpu.memory_space<semaphore_mem>>) src(%dma_wait3A_459 : memref<128x64xf32, #tpu.memory_space<vmem>>) dst(%dma_wait3A_455 : memref<128x64xf32, #tpu.memory_space<vmem_shared>>)
        %dma_wait3A_460 = arith.constant 2 : i32
        %dma_wait3A_461 = arith.constant 0 : i32
        %dma_wait3A_462 = arith.constant 0 : i32
        %dma_wait3A_463 = tpu.memref_slice %arg8[%sub3A_303, %dma_wait3A_460, %dma_wait3A_461, %dma_wait3A_462] : memref<2x4x128x64xf32, #tpu.memory_space<vmem>> -> memref<1x1x128x64xf32, #tpu.memory_space<vmem>>
        %dma_wait3A_464 = tpu.memref_squeeze %dma_wait3A_463 : memref<1x1x128x64xf32, #tpu.memory_space<vmem>> -> memref<128x64xf32, #tpu.memory_space<vmem>>
        %dma_wait3A_465 = arith.constant 0 : i32
        %dma_wait3A_466 = arith.constant 0 : i32
        %dma_wait3A_467 = tpu.memref_slice %arg9[%dma_wait3A_465, %dma_wait3A_466] : memref<10240x64xf32, #tpu.memory_space<vmem_shared>> -> memref<128x64xf32, #tpu.memory_space<vmem_shared>>
        %dma_wait3A_468 = arith.constant 0 : i32
        %dma_wait3A_469 = arith.constant 0 : i32
        %dma_wait3A_470 = tpu.memref_slice %arg9[%dma_wait3A_468, %dma_wait3A_469] : memref<10240x64xf32, #tpu.memory_space<vmem_shared>> -> memref<128x64xf32, #tpu.memory_space<vmem_shared>>
        %dma_wait3A_471 = arith.constant 0 : i32
        %dma_wait3A_472 = arith.constant 0 : i32
        %dma_wait3A_473 = tpu.memref_slice %arg8[%sub3A_303, %dma_wait3A_460, %dma_wait3A_471, %dma_wait3A_472] : memref<2x4x128x64xf32, #tpu.memory_space<vmem>> -> memref<1x1x128x64xf32, #tpu.memory_space<vmem>>
        %dma_wait3A_474 = tpu.memref_squeeze %dma_wait3A_473 : memref<1x1x128x64xf32, #tpu.memory_space<vmem>> -> memref<128x64xf32, #tpu.memory_space<vmem>>
        tpu.wait_dma2 semaphore(%arg11 : memref<!tpu.dma_semaphore, #tpu.memory_space<semaphore_mem>>) src(%dma_wait3A_474 : memref<128x64xf32, #tpu.memory_space<vmem>>) dst(%dma_wait3A_470 : memref<128x64xf32, #tpu.memory_space<vmem_shared>>)
        %dma_wait3A_475 = arith.constant 3 : i32
        %dma_wait3A_476 = arith.constant 0 : i32
        %dma_wait3A_477 = arith.constant 0 : i32
        %dma_wait3A_478 = tpu.memref_slice %arg8[%sub3A_303, %dma_wait3A_475, %dma_wait3A_476, %dma_wait3A_477] : memref<2x4x128x64xf32, #tpu.memory_space<vmem>> -> memref<1x1x128x64xf32, #tpu.memory_space<vmem>>
        %dma_wait3A_479 = tpu.memref_squeeze %dma_wait3A_478 : memref<1x1x128x64xf32, #tpu.memory_space<vmem>> -> memref<128x64xf32, #tpu.memory_space<vmem>>
        %dma_wait3A_480 = arith.constant 0 : i32
        %dma_wait3A_481 = arith.constant 0 : i32
        %dma_wait3A_482 = tpu.memref_slice %arg9[%dma_wait3A_480, %dma_wait3A_481] : memref<10240x64xf32, #tpu.memory_space<vmem_shared>> -> memref<128x64xf32, #tpu.memory_space<vmem_shared>>
        %dma_wait3A_483 = arith.constant 0 : i32
        %dma_wait3A_484 = arith.constant 0 : i32
        %dma_wait3A_485 = tpu.memref_slice %arg9[%dma_wait3A_483, %dma_wait3A_484] : memref<10240x64xf32, #tpu.memory_space<vmem_shared>> -> memref<128x64xf32, #tpu.memory_space<vmem_shared>>
        %dma_wait3A_486 = arith.constant 0 : i32
        %dma_wait3A_487 = arith.constant 0 : i32
        %dma_wait3A_488 = tpu.memref_slice %arg8[%sub3A_303, %dma_wait3A_475, %dma_wait3A_486, %dma_wait3A_487] : memref<2x4x128x64xf32, #tpu.memory_space<vmem>> -> memref<1x1x128x64xf32, #tpu.memory_space<vmem>>
        %dma_wait3A_489 = tpu.memref_squeeze %dma_wait3A_488 : memref<1x1x128x64xf32, #tpu.memory_space<vmem>> -> memref<128x64xf32, #tpu.memory_space<vmem>>
        tpu.wait_dma2 semaphore(%arg11 : memref<!tpu.dma_semaphore, #tpu.memory_space<semaphore_mem>>) src(%dma_wait3A_489 : memref<128x64xf32, #tpu.memory_space<vmem>>) dst(%dma_wait3A_485 : memref<128x64xf32, #tpu.memory_space<vmem_shared>>)
      } else {
      }
      %le3A = arith.constant 18 : i32
      %le3A_306 = arith.cmpi sle, %scan3A_300, %le3A : i32
      %convert_element_type3A_307 = arith.extui %le3A_306 : i1 to i32
      %cond3A_308 = arith.constant 0 : i32
      %cond3A_309 = arith.cmpi ne, %convert_element_type3A_307, %cond3A_308 : i32
      scf.if %cond3A_309 {
        %add3A_430 = arith.constant 1 : i32
        %add3A_431 = arith.addi %scan3A_300, %add3A_430 : i32
        %mul3A_432 = arith.constant 4 : i32
        %mul3A_433 = arith.muli %add3A_431, %mul3A_432 : i32
        %add3A_434 = arith.constant 0 : i32
        %add3A_435 = arith.addi %mul3A_433, %add3A_434 : i32
        %dma_start3A_436 = arith.constant 0 : i32
        %dma_start3A_437 = arith.constant 0 : i32
        %dma_start3A_438 = arith.constant 0 : i32
        %dma_start3A_439 = tpu.memref_slice %arg8[%sub3A_303, %dma_start3A_436, %dma_start3A_437, %dma_start3A_438] : memref<2x4x128x64xf32, #tpu.memory_space<vmem>> -> memref<1x1x128x64xf32, #tpu.memory_space<vmem>>
        %dma_start3A_440 = tpu.memref_squeeze %dma_start3A_439 : memref<1x1x128x64xf32, #tpu.memory_space<vmem>> -> memref<128x64xf32, #tpu.memory_space<vmem>>
        %dma_start3A_441 = arith.constant 0 : i32
        %dma_start3A_442 = tpu.memref_slice %arg6[%add3A_435, %dma_start3A_441] : memref<80x128xi32, #tpu.memory_space<vmem>> -> memref<1x128xi32, #tpu.memory_space<vmem>>
        %dma_start3A_443 = tpu.memref_squeeze %dma_start3A_442 : memref<1x128xi32, #tpu.memory_space<vmem>> -> memref<128xi32, #tpu.memory_space<vmem>>
        %dma_start3A_444 = arith.constant 0 : i32
        %dma_start3A_445 = arith.constant 0 : i32
        %dma_start3A_446 = tpu.memref_slice %arg2[%dma_start3A_444, %dma_start3A_445] : memref<10240x64xf32, #tpu.memory_space<hbm>> -> memref<10240x64xf32, #tpu.memory_space<hbm>>
        tpu.enqueue_indirect_dma source(%dma_start3A_446 : memref<10240x64xf32, #tpu.memory_space<hbm>>) target(%dma_start3A_440 : memref<128x64xf32, #tpu.memory_space<vmem>>) offsets(%dma_start3A_443 : memref<128xi32, #tpu.memory_space<vmem>>) semaphore(%arg10 : memref<!tpu.dma_semaphore, #tpu.memory_space<semaphore_mem>>)
        %mul3A_447 = arith.constant 4 : i32
        %mul3A_448 = arith.muli %add3A_431, %mul3A_447 : i32
        %add3A_449 = arith.constant 1 : i32
        %add3A_450 = arith.addi %mul3A_448, %add3A_449 : i32
        %dma_start3A_451 = arith.constant 1 : i32
        %dma_start3A_452 = arith.constant 0 : i32
        %dma_start3A_453 = arith.constant 0 : i32
        %dma_start3A_454 = tpu.memref_slice %arg8[%sub3A_303, %dma_start3A_451, %dma_start3A_452, %dma_start3A_453] : memref<2x4x128x64xf32, #tpu.memory_space<vmem>> -> memref<1x1x128x64xf32, #tpu.memory_space<vmem>>
        %dma_start3A_455 = tpu.memref_squeeze %dma_start3A_454 : memref<1x1x128x64xf32, #tpu.memory_space<vmem>> -> memref<128x64xf32, #tpu.memory_space<vmem>>
        %dma_start3A_456 = arith.constant 0 : i32
        %dma_start3A_457 = tpu.memref_slice %arg6[%add3A_450, %dma_start3A_456] : memref<80x128xi32, #tpu.memory_space<vmem>> -> memref<1x128xi32, #tpu.memory_space<vmem>>
        %dma_start3A_458 = tpu.memref_squeeze %dma_start3A_457 : memref<1x128xi32, #tpu.memory_space<vmem>> -> memref<128xi32, #tpu.memory_space<vmem>>
        %dma_start3A_459 = arith.constant 0 : i32
        %dma_start3A_460 = arith.constant 0 : i32
        %dma_start3A_461 = tpu.memref_slice %arg2[%dma_start3A_459, %dma_start3A_460] : memref<10240x64xf32, #tpu.memory_space<hbm>> -> memref<10240x64xf32, #tpu.memory_space<hbm>>
        tpu.enqueue_indirect_dma source(%dma_start3A_461 : memref<10240x64xf32, #tpu.memory_space<hbm>>) target(%dma_start3A_455 : memref<128x64xf32, #tpu.memory_space<vmem>>) offsets(%dma_start3A_458 : memref<128xi32, #tpu.memory_space<vmem>>) semaphore(%arg10 : memref<!tpu.dma_semaphore, #tpu.memory_space<semaphore_mem>>)
        %mul3A_462 = arith.constant 4 : i32
        %mul3A_463 = arith.muli %add3A_431, %mul3A_462 : i32
        %add3A_464 = arith.constant 2 : i32
        %add3A_465 = arith.addi %mul3A_463, %add3A_464 : i32
        %dma_start3A_466 = arith.constant 2 : i32
        %dma_start3A_467 = arith.constant 0 : i32
        %dma_start3A_468 = arith.constant 0 : i32
        %dma_start3A_469 = tpu.memref_slice %arg8[%sub3A_303, %dma_start3A_466, %dma_start3A_467, %dma_start3A_468] : memref<2x4x128x64xf32, #tpu.memory_space<vmem>> -> memref<1x1x128x64xf32, #tpu.memory_space<vmem>>
        %dma_start3A_470 = tpu.memref_squeeze %dma_start3A_469 : memref<1x1x128x64xf32, #tpu.memory_space<vmem>> -> memref<128x64xf32, #tpu.memory_space<vmem>>
        %dma_start3A_471 = arith.constant 0 : i32
        %dma_start3A_472 = tpu.memref_slice %arg6[%add3A_465, %dma_start3A_471] : memref<80x128xi32, #tpu.memory_space<vmem>> -> memref<1x128xi32, #tpu.memory_space<vmem>>
        %dma_start3A_473 = tpu.memref_squeeze %dma_start3A_472 : memref<1x128xi32, #tpu.memory_space<vmem>> -> memref<128xi32, #tpu.memory_space<vmem>>
        %dma_start3A_474 = arith.constant 0 : i32
        %dma_start3A_475 = arith.constant 0 : i32
        %dma_start3A_476 = tpu.memref_slice %arg2[%dma_start3A_474, %dma_start3A_475] : memref<10240x64xf32, #tpu.memory_space<hbm>> -> memref<10240x64xf32, #tpu.memory_space<hbm>>
        tpu.enqueue_indirect_dma source(%dma_start3A_476 : memref<10240x64xf32, #tpu.memory_space<hbm>>) target(%dma_start3A_470 : memref<128x64xf32, #tpu.memory_space<vmem>>) offsets(%dma_start3A_473 : memref<128xi32, #tpu.memory_space<vmem>>) semaphore(%arg10 : memref<!tpu.dma_semaphore, #tpu.memory_space<semaphore_mem>>)
        %mul3A_477 = arith.constant 4 : i32
        %mul3A_478 = arith.muli %add3A_431, %mul3A_477 : i32
        %add3A_479 = arith.constant 3 : i32
        %add3A_480 = arith.addi %mul3A_478, %add3A_479 : i32
        %dma_start3A_481 = arith.constant 3 : i32
        %dma_start3A_482 = arith.constant 0 : i32
        %dma_start3A_483 = arith.constant 0 : i32
        %dma_start3A_484 = tpu.memref_slice %arg8[%sub3A_303, %dma_start3A_481, %dma_start3A_482, %dma_start3A_483] : memref<2x4x128x64xf32, #tpu.memory_space<vmem>> -> memref<1x1x128x64xf32, #tpu.memory_space<vmem>>
        %dma_start3A_485 = tpu.memref_squeeze %dma_start3A_484 : memref<1x1x128x64xf32, #tpu.memory_space<vmem>> -> memref<128x64xf32, #tpu.memory_space<vmem>>
        %dma_start3A_486 = arith.constant 0 : i32
        %dma_start3A_487 = tpu.memref_slice %arg6[%add3A_480, %dma_start3A_486] : memref<80x128xi32, #tpu.memory_space<vmem>> -> memref<1x128xi32, #tpu.memory_space<vmem>>
        %dma_start3A_488 = tpu.memref_squeeze %dma_start3A_487 : memref<1x128xi32, #tpu.memory_space<vmem>> -> memref<128xi32, #tpu.memory_space<vmem>>
        %dma_start3A_489 = arith.constant 0 : i32
        %dma_start3A_490 = arith.constant 0 : i32
        %dma_start3A_491 = tpu.memref_slice %arg2[%dma_start3A_489, %dma_start3A_490] : memref<10240x64xf32, #tpu.memory_space<hbm>> -> memref<10240x64xf32, #tpu.memory_space<hbm>>
        tpu.enqueue_indirect_dma source(%dma_start3A_491 : memref<10240x64xf32, #tpu.memory_space<hbm>>) target(%dma_start3A_485 : memref<128x64xf32, #tpu.memory_space<vmem>>) offsets(%dma_start3A_488 : memref<128xi32, #tpu.memory_space<vmem>>) semaphore(%arg10 : memref<!tpu.dma_semaphore, #tpu.memory_space<semaphore_mem>>)
      } else {
      }
      %dma_wait3A_310 = arith.constant 0 : i32
      %dma_wait3A_311 = arith.constant 0 : i32
      %dma_wait3A_312 = arith.constant 0 : i32
      %dma_wait3A_313 = tpu.memref_slice %arg8[%rem3A_302, %dma_wait3A_310, %dma_wait3A_311, %dma_wait3A_312] : memref<2x4x128x64xf32, #tpu.memory_space<vmem>> -> memref<1x1x128x64xf32, #tpu.memory_space<vmem>>
      %dma_wait3A_314 = tpu.memref_squeeze %dma_wait3A_313 : memref<1x1x128x64xf32, #tpu.memory_space<vmem>> -> memref<128x64xf32, #tpu.memory_space<vmem>>
      %dma_wait3A_315 = arith.constant 0 : i32
      %dma_wait3A_316 = arith.constant 0 : i32
      %dma_wait3A_317 = tpu.memref_slice %arg2[%dma_wait3A_315, %dma_wait3A_316] : memref<10240x64xf32, #tpu.memory_space<hbm>> -> memref<128x64xf32, #tpu.memory_space<hbm>>
      %dma_wait3A_318 = arith.constant 0 : i32
      %dma_wait3A_319 = arith.constant 0 : i32
      %dma_wait3A_320 = tpu.memref_slice %arg8[%rem3A_302, %dma_wait3A_310, %dma_wait3A_318, %dma_wait3A_319] : memref<2x4x128x64xf32, #tpu.memory_space<vmem>> -> memref<1x1x128x64xf32, #tpu.memory_space<vmem>>
      %dma_wait3A_321 = tpu.memref_squeeze %dma_wait3A_320 : memref<1x1x128x64xf32, #tpu.memory_space<vmem>> -> memref<128x64xf32, #tpu.memory_space<vmem>>
      %dma_wait3A_322 = arith.constant 0 : i32
      %dma_wait3A_323 = arith.constant 0 : i32
      %dma_wait3A_324 = tpu.memref_slice %arg2[%dma_wait3A_322, %dma_wait3A_323] : memref<10240x64xf32, #tpu.memory_space<hbm>> -> memref<128x64xf32, #tpu.memory_space<hbm>>
      tpu.wait_dma2 semaphore(%arg10 : memref<!tpu.dma_semaphore, #tpu.memory_space<semaphore_mem>>) src(%dma_wait3A_324 : memref<128x64xf32, #tpu.memory_space<hbm>>) dst(%dma_wait3A_321 : memref<128x64xf32, #tpu.memory_space<vmem>>)
      %dma_wait3A_325 = arith.constant 1 : i32
      %dma_wait3A_326 = arith.constant 0 : i32
      %dma_wait3A_327 = arith.constant 0 : i32
      %dma_wait3A_328 = tpu.memref_slice %arg8[%rem3A_302, %dma_wait3A_325, %dma_wait3A_326, %dma_wait3A_327] : memref<2x4x128x64xf32, #tpu.memory_space<vmem>> -> memref<1x1x128x64xf32, #tpu.memory_space<vmem>>
      %dma_wait3A_329 = tpu.memref_squeeze %dma_wait3A_328 : memref<1x1x128x64xf32, #tpu.memory_space<vmem>> -> memref<128x64xf32, #tpu.memory_space<vmem>>
      %dma_wait3A_330 = arith.constant 0 : i32
      %dma_wait3A_331 = arith.constant 0 : i32
      %dma_wait3A_332 = tpu.memref_slice %arg2[%dma_wait3A_330, %dma_wait3A_331] : memref<10240x64xf32, #tpu.memory_space<hbm>> -> memref<128x64xf32, #tpu.memory_space<hbm>>
      %dma_wait3A_333 = arith.constant 0 : i32
      %dma_wait3A_334 = arith.constant 0 : i32
      %dma_wait3A_335 = tpu.memref_slice %arg8[%rem3A_302, %dma_wait3A_325, %dma_wait3A_333, %dma_wait3A_334] : memref<2x4x128x64xf32, #tpu.memory_space<vmem>> -> memref<1x1x128x64xf32, #tpu.memory_space<vmem>>
      %dma_wait3A_336 = tpu.memref_squeeze %dma_wait3A_335 : memref<1x1x128x64xf32, #tpu.memory_space<vmem>> -> memref<128x64xf32, #tpu.memory_space<vmem>>
      %dma_wait3A_337 = arith.constant 0 : i32
      %dma_wait3A_338 = arith.constant 0 : i32
      %dma_wait3A_339 = tpu.memref_slice %arg2[%dma_wait3A_337, %dma_wait3A_338] : memref<10240x64xf32, #tpu.memory_space<hbm>> -> memref<128x64xf32, #tpu.memory_space<hbm>>
      tpu.wait_dma2 semaphore(%arg10 : memref<!tpu.dma_semaphore, #tpu.memory_space<semaphore_mem>>) src(%dma_wait3A_339 : memref<128x64xf32, #tpu.memory_space<hbm>>) dst(%dma_wait3A_336 : memref<128x64xf32, #tpu.memory_space<vmem>>)
      %dma_wait3A_340 = arith.constant 2 : i32
      %dma_wait3A_341 = arith.constant 0 : i32
      %dma_wait3A_342 = arith.constant 0 : i32
      %dma_wait3A_343 = tpu.memref_slice %arg8[%rem3A_302, %dma_wait3A_340, %dma_wait3A_341, %dma_wait3A_342] : memref<2x4x128x64xf32, #tpu.memory_space<vmem>> -> memref<1x1x128x64xf32, #tpu.memory_space<vmem>>
      %dma_wait3A_344 = tpu.memref_squeeze %dma_wait3A_343 : memref<1x1x128x64xf32, #tpu.memory_space<vmem>> -> memref<128x64xf32, #tpu.memory_space<vmem>>
      %dma_wait3A_345 = arith.constant 0 : i32
      %dma_wait3A_346 = arith.constant 0 : i32
      %dma_wait3A_347 = tpu.memref_slice %arg2[%dma_wait3A_345, %dma_wait3A_346] : memref<10240x64xf32, #tpu.memory_space<hbm>> -> memref<128x64xf32, #tpu.memory_space<hbm>>
      %dma_wait3A_348 = arith.constant 0 : i32
      %dma_wait3A_349 = arith.constant 0 : i32
      %dma_wait3A_350 = tpu.memref_slice %arg8[%rem3A_302, %dma_wait3A_340, %dma_wait3A_348, %dma_wait3A_349] : memref<2x4x128x64xf32, #tpu.memory_space<vmem>> -> memref<1x1x128x64xf32, #tpu.memory_space<vmem>>
      %dma_wait3A_351 = tpu.memref_squeeze %dma_wait3A_350 : memref<1x1x128x64xf32, #tpu.memory_space<vmem>> -> memref<128x64xf32, #tpu.memory_space<vmem>>
      %dma_wait3A_352 = arith.constant 0 : i32
      %dma_wait3A_353 = arith.constant 0 : i32
      %dma_wait3A_354 = tpu.memref_slice %arg2[%dma_wait3A_352, %dma_wait3A_353] : memref<10240x64xf32, #tpu.memory_space<hbm>> -> memref<128x64xf32, #tpu.memory_space<hbm>>
      tpu.wait_dma2 semaphore(%arg10 : memref<!tpu.dma_semaphore, #tpu.memory_space<semaphore_mem>>) src(%dma_wait3A_354 : memref<128x64xf32, #tpu.memory_space<hbm>>) dst(%dma_wait3A_351 : memref<128x64xf32, #tpu.memory_space<vmem>>)
      %dma_wait3A_355 = arith.constant 3 : i32
      %dma_wait3A_356 = arith.constant 0 : i32
      %dma_wait3A_357 = arith.constant 0 : i32
      %dma_wait3A_358 = tpu.memref_slice %arg8[%rem3A_302, %dma_wait3A_355, %dma_wait3A_356, %dma_wait3A_357] : memref<2x4x128x64xf32, #tpu.memory_space<vmem>> -> memref<1x1x128x64xf32, #tpu.memory_space<vmem>>
      %dma_wait3A_359 = tpu.memref_squeeze %dma_wait3A_358 : memref<1x1x128x64xf32, #tpu.memory_space<vmem>> -> memref<128x64xf32, #tpu.memory_space<vmem>>
      %dma_wait3A_360 = arith.constant 0 : i32
      %dma_wait3A_361 = arith.constant 0 : i32
      %dma_wait3A_362 = tpu.memref_slice %arg2[%dma_wait3A_360, %dma_wait3A_361] : memref<10240x64xf32, #tpu.memory_space<hbm>> -> memref<128x64xf32, #tpu.memory_space<hbm>>
      %dma_wait3A_363 = arith.constant 0 : i32
      %dma_wait3A_364 = arith.constant 0 : i32
      %dma_wait3A_365 = tpu.memref_slice %arg8[%rem3A_302, %dma_wait3A_355, %dma_wait3A_363, %dma_wait3A_364] : memref<2x4x128x64xf32, #tpu.memory_space<vmem>> -> memref<1x1x128x64xf32, #tpu.memory_space<vmem>>
      %dma_wait3A_366 = tpu.memref_squeeze %dma_wait3A_365 : memref<1x1x128x64xf32, #tpu.memory_space<vmem>> -> memref<128x64xf32, #tpu.memory_space<vmem>>
      %dma_wait3A_367 = arith.constant 0 : i32
      %dma_wait3A_368 = arith.constant 0 : i32
      %dma_wait3A_369 = tpu.memref_slice %arg2[%dma_wait3A_367, %dma_wait3A_368] : memref<10240x64xf32, #tpu.memory_space<hbm>> -> memref<128x64xf32, #tpu.memory_space<hbm>>
      tpu.wait_dma2 semaphore(%arg10 : memref<!tpu.dma_semaphore, #tpu.memory_space<semaphore_mem>>) src(%dma_wait3A_369 : memref<128x64xf32, #tpu.memory_space<hbm>>) dst(%dma_wait3A_366 : memref<128x64xf32, #tpu.memory_space<vmem>>)
      %mul3A_370 = arith.constant 4 : i32
      %mul3A_371 = arith.muli %scan3A_300, %mul3A_370 : i32
      %add3A_372 = arith.constant 0 : i32
      %add3A_373 = arith.addi %mul3A_371, %add3A_372 : i32
      %dma_start3A_374 = arith.constant 0 : i32
      %dma_start3A_375 = arith.constant 0 : i32
      %dma_start3A_376 = arith.constant 0 : i32
      %dma_start3A_377 = tpu.memref_slice %arg8[%rem3A_302, %dma_start3A_374, %dma_start3A_375, %dma_start3A_376] : memref<2x4x128x64xf32, #tpu.memory_space<vmem>> -> memref<1x1x128x64xf32, #tpu.memory_space<vmem>>
      %dma_start3A_378 = tpu.memref_squeeze %dma_start3A_377 : memref<1x1x128x64xf32, #tpu.memory_space<vmem>> -> memref<128x64xf32, #tpu.memory_space<vmem>>
      %dma_start3A_379 = arith.constant 0 : i32
      %dma_start3A_380 = tpu.memref_slice %arg7[%add3A_373, %dma_start3A_379] : memref<80x128xi32, #tpu.memory_space<vmem>> -> memref<1x128xi32, #tpu.memory_space<vmem>>
      %dma_start3A_381 = tpu.memref_squeeze %dma_start3A_380 : memref<1x128xi32, #tpu.memory_space<vmem>> -> memref<128xi32, #tpu.memory_space<vmem>>
      %dma_start3A_382 = arith.constant 0 : i32
      %dma_start3A_383 = arith.constant 0 : i32
      %dma_start3A_384 = tpu.memref_slice %arg9[%dma_start3A_382, %dma_start3A_383] : memref<10240x64xf32, #tpu.memory_space<vmem_shared>> -> memref<10240x64xf32, #tpu.memory_space<vmem_shared>>
      tpu.enqueue_indirect_dma source(%dma_start3A_378 : memref<128x64xf32, #tpu.memory_space<vmem>>) target(%dma_start3A_384 : memref<10240x64xf32, #tpu.memory_space<vmem_shared>>) offsets(%dma_start3A_381 : memref<128xi32, #tpu.memory_space<vmem>>) semaphore(%arg11 : memref<!tpu.dma_semaphore, #tpu.memory_space<semaphore_mem>>) {add = true}
      %mul3A_385 = arith.constant 4 : i32
      %mul3A_386 = arith.muli %scan3A_300, %mul3A_385 : i32
      %add3A_387 = arith.constant 1 : i32
      %add3A_388 = arith.addi %mul3A_386, %add3A_387 : i32
      %dma_start3A_389 = arith.constant 1 : i32
      %dma_start3A_390 = arith.constant 0 : i32
      %dma_start3A_391 = arith.constant 0 : i32
      %dma_start3A_392 = tpu.memref_slice %arg8[%rem3A_302, %dma_start3A_389, %dma_start3A_390, %dma_start3A_391] : memref<2x4x128x64xf32, #tpu.memory_space<vmem>> -> memref<1x1x128x64xf32, #tpu.memory_space<vmem>>
      %dma_start3A_393 = tpu.memref_squeeze %dma_start3A_392 : memref<1x1x128x64xf32, #tpu.memory_space<vmem>> -> memref<128x64xf32, #tpu.memory_space<vmem>>
      %dma_start3A_394 = arith.constant 0 : i32
      %dma_start3A_395 = tpu.memref_slice %arg7[%add3A_388, %dma_start3A_394] : memref<80x128xi32, #tpu.memory_space<vmem>> -> memref<1x128xi32, #tpu.memory_space<vmem>>
      %dma_start3A_396 = tpu.memref_squeeze %dma_start3A_395 : memref<1x128xi32, #tpu.memory_space<vmem>> -> memref<128xi32, #tpu.memory_space<vmem>>
      %dma_start3A_397 = arith.constant 0 : i32
      %dma_start3A_398 = arith.constant 0 : i32
      %dma_start3A_399 = tpu.memref_slice %arg9[%dma_start3A_397, %dma_start3A_398] : memref<10240x64xf32, #tpu.memory_space<vmem_shared>> -> memref<10240x64xf32, #tpu.memory_space<vmem_shared>>
      tpu.enqueue_indirect_dma source(%dma_start3A_393 : memref<128x64xf32, #tpu.memory_space<vmem>>) target(%dma_start3A_399 : memref<10240x64xf32, #tpu.memory_space<vmem_shared>>) offsets(%dma_start3A_396 : memref<128xi32, #tpu.memory_space<vmem>>) semaphore(%arg11 : memref<!tpu.dma_semaphore, #tpu.memory_space<semaphore_mem>>) {add = true}
      %mul3A_400 = arith.constant 4 : i32
      %mul3A_401 = arith.muli %scan3A_300, %mul3A_400 : i32
      %add3A_402 = arith.constant 2 : i32
      %add3A_403 = arith.addi %mul3A_401, %add3A_402 : i32
      %dma_start3A_404 = arith.constant 2 : i32
      %dma_start3A_405 = arith.constant 0 : i32
      %dma_start3A_406 = arith.constant 0 : i32
      %dma_start3A_407 = tpu.memref_slice %arg8[%rem3A_302, %dma_start3A_404, %dma_start3A_405, %dma_start3A_406] : memref<2x4x128x64xf32, #tpu.memory_space<vmem>> -> memref<1x1x128x64xf32, #tpu.memory_space<vmem>>
      %dma_start3A_408 = tpu.memref_squeeze %dma_start3A_407 : memref<1x1x128x64xf32, #tpu.memory_space<vmem>> -> memref<128x64xf32, #tpu.memory_space<vmem>>
      %dma_start3A_409 = arith.constant 0 : i32
      %dma_start3A_410 = tpu.memref_slice %arg7[%add3A_403, %dma_start3A_409] : memref<80x128xi32, #tpu.memory_space<vmem>> -> memref<1x128xi32, #tpu.memory_space<vmem>>
      %dma_start3A_411 = tpu.memref_squeeze %dma_start3A_410 : memref<1x128xi32, #tpu.memory_space<vmem>> -> memref<128xi32, #tpu.memory_space<vmem>>
      %dma_start3A_412 = arith.constant 0 : i32
      %dma_start3A_413 = arith.constant 0 : i32
      %dma_start3A_414 = tpu.memref_slice %arg9[%dma_start3A_412, %dma_start3A_413] : memref<10240x64xf32, #tpu.memory_space<vmem_shared>> -> memref<10240x64xf32, #tpu.memory_space<vmem_shared>>
      tpu.enqueue_indirect_dma source(%dma_start3A_408 : memref<128x64xf32, #tpu.memory_space<vmem>>) target(%dma_start3A_414 : memref<10240x64xf32, #tpu.memory_space<vmem_shared>>) offsets(%dma_start3A_411 : memref<128xi32, #tpu.memory_space<vmem>>) semaphore(%arg11 : memref<!tpu.dma_semaphore, #tpu.memory_space<semaphore_mem>>) {add = true}
      %mul3A_415 = arith.constant 4 : i32
      %mul3A_416 = arith.muli %scan3A_300, %mul3A_415 : i32
      %add3A_417 = arith.constant 3 : i32
      %add3A_418 = arith.addi %mul3A_416, %add3A_417 : i32
      %dma_start3A_419 = arith.constant 3 : i32
      %dma_start3A_420 = arith.constant 0 : i32
      %dma_start3A_421 = arith.constant 0 : i32
      %dma_start3A_422 = tpu.memref_slice %arg8[%rem3A_302, %dma_start3A_419, %dma_start3A_420, %dma_start3A_421] : memref<2x4x128x64xf32, #tpu.memory_space<vmem>> -> memref<1x1x128x64xf32, #tpu.memory_space<vmem>>
      %dma_start3A_423 = tpu.memref_squeeze %dma_start3A_422 : memref<1x1x128x64xf32, #tpu.memory_space<vmem>> -> memref<128x64xf32, #tpu.memory_space<vmem>>
      %dma_start3A_424 = arith.constant 0 : i32
      %dma_start3A_425 = tpu.memref_slice %arg7[%add3A_418, %dma_start3A_424] : memref<80x128xi32, #tpu.memory_space<vmem>> -> memref<1x128xi32, #tpu.memory_space<vmem>>
      %dma_start3A_426 = tpu.memref_squeeze %dma_start3A_425 : memref<1x128xi32, #tpu.memory_space<vmem>> -> memref<128xi32, #tpu.memory_space<vmem>>
      %dma_start3A_427 = arith.constant 0 : i32
      %dma_start3A_428 = arith.constant 0 : i32
      %dma_start3A_429 = tpu.memref_slice %arg9[%dma_start3A_427, %dma_start3A_428] : memref<10240x64xf32, #tpu.memory_space<vmem_shared>> -> memref<10240x64xf32, #tpu.memory_space<vmem_shared>>
      tpu.enqueue_indirect_dma source(%dma_start3A_423 : memref<128x64xf32, #tpu.memory_space<vmem>>) target(%dma_start3A_429 : memref<10240x64xf32, #tpu.memory_space<vmem_shared>>) offsets(%dma_start3A_426 : memref<128xi32, #tpu.memory_space<vmem>>) semaphore(%arg11 : memref<!tpu.dma_semaphore, #tpu.memory_space<semaphore_mem>>) {add = true}
    }
    %scan3A_236 = arith.constant 20 : i32
    %rem3A = arith.constant 19 : i32
    %rem3A_237 = arith.constant 2 : i32
    %rem3A_238 = arith.remsi %rem3A, %rem3A_237 : i32
    %dma_wait3A_239 = arith.constant 0 : i32
    %dma_wait3A_240 = arith.constant 0 : i32
    %dma_wait3A_241 = arith.constant 0 : i32
    %dma_wait3A_242 = tpu.memref_slice %arg8[%rem3A_238, %dma_wait3A_239, %dma_wait3A_240, %dma_wait3A_241] : memref<2x4x128x64xf32, #tpu.memory_space<vmem>> -> memref<1x1x128x64xf32, #tpu.memory_space<vmem>>
    %dma_wait3A_243 = tpu.memref_squeeze %dma_wait3A_242 : memref<1x1x128x64xf32, #tpu.memory_space<vmem>> -> memref<128x64xf32, #tpu.memory_space<vmem>>
    %dma_wait3A_244 = arith.constant 0 : i32
    %dma_wait3A_245 = arith.constant 0 : i32
    %dma_wait3A_246 = tpu.memref_slice %arg9[%dma_wait3A_244, %dma_wait3A_245] : memref<10240x64xf32, #tpu.memory_space<vmem_shared>> -> memref<128x64xf32, #tpu.memory_space<vmem_shared>>
    %dma_wait3A_247 = arith.constant 0 : i32
    %dma_wait3A_248 = arith.constant 0 : i32
    %dma_wait3A_249 = tpu.memref_slice %arg9[%dma_wait3A_247, %dma_wait3A_248] : memref<10240x64xf32, #tpu.memory_space<vmem_shared>> -> memref<128x64xf32, #tpu.memory_space<vmem_shared>>
    %dma_wait3A_250 = arith.constant 0 : i32
    %dma_wait3A_251 = arith.constant 0 : i32
    %dma_wait3A_252 = tpu.memref_slice %arg8[%rem3A_238, %dma_wait3A_239, %dma_wait3A_250, %dma_wait3A_251] : memref<2x4x128x64xf32, #tpu.memory_space<vmem>> -> memref<1x1x128x64xf32, #tpu.memory_space<vmem>>
    %dma_wait3A_253 = tpu.memref_squeeze %dma_wait3A_252 : memref<1x1x128x64xf32, #tpu.memory_space<vmem>> -> memref<128x64xf32, #tpu.memory_space<vmem>>
    tpu.wait_dma2 semaphore(%arg11 : memref<!tpu.dma_semaphore, #tpu.memory_space<semaphore_mem>>) src(%dma_wait3A_253 : memref<128x64xf32, #tpu.memory_space<vmem>>) dst(%dma_wait3A_249 : memref<128x64xf32, #tpu.memory_space<vmem_shared>>)
    %dma_wait3A_254 = arith.constant 1 : i32
    %dma_wait3A_255 = arith.constant 0 : i32
    %dma_wait3A_256 = arith.constant 0 : i32
    %dma_wait3A_257 = tpu.memref_slice %arg8[%rem3A_238, %dma_wait3A_254, %dma_wait3A_255, %dma_wait3A_256] : memref<2x4x128x64xf32, #tpu.memory_space<vmem>> -> memref<1x1x128x64xf32, #tpu.memory_space<vmem>>
    %dma_wait3A_258 = tpu.memref_squeeze %dma_wait3A_257 : memref<1x1x128x64xf32, #tpu.memory_space<vmem>> -> memref<128x64xf32, #tpu.memory_space<vmem>>
    %dma_wait3A_259 = arith.constant 0 : i32
    %dma_wait3A_260 = arith.constant 0 : i32
    %dma_wait3A_261 = tpu.memref_slice %arg9[%dma_wait3A_259, %dma_wait3A_260] : memref<10240x64xf32, #tpu.memory_space<vmem_shared>> -> memref<128x64xf32, #tpu.memory_space<vmem_shared>>
    %dma_wait3A_262 = arith.constant 0 : i32
    %dma_wait3A_263 = arith.constant 0 : i32
    %dma_wait3A_264 = tpu.memref_slice %arg9[%dma_wait3A_262, %dma_wait3A_263] : memref<10240x64xf32, #tpu.memory_space<vmem_shared>> -> memref<128x64xf32, #tpu.memory_space<vmem_shared>>
    %dma_wait3A_265 = arith.constant 0 : i32
    %dma_wait3A_266 = arith.constant 0 : i32
    %dma_wait3A_267 = tpu.memref_slice %arg8[%rem3A_238, %dma_wait3A_254, %dma_wait3A_265, %dma_wait3A_266] : memref<2x4x128x64xf32, #tpu.memory_space<vmem>> -> memref<1x1x128x64xf32, #tpu.memory_space<vmem>>
    %dma_wait3A_268 = tpu.memref_squeeze %dma_wait3A_267 : memref<1x1x128x64xf32, #tpu.memory_space<vmem>> -> memref<128x64xf32, #tpu.memory_space<vmem>>
    tpu.wait_dma2 semaphore(%arg11 : memref<!tpu.dma_semaphore, #tpu.memory_space<semaphore_mem>>) src(%dma_wait3A_268 : memref<128x64xf32, #tpu.memory_space<vmem>>) dst(%dma_wait3A_264 : memref<128x64xf32, #tpu.memory_space<vmem_shared>>)
    %dma_wait3A_269 = arith.constant 2 : i32
    %dma_wait3A_270 = arith.constant 0 : i32
    %dma_wait3A_271 = arith.constant 0 : i32
    %dma_wait3A_272 = tpu.memref_slice %arg8[%rem3A_238, %dma_wait3A_269, %dma_wait3A_270, %dma_wait3A_271] : memref<2x4x128x64xf32, #tpu.memory_space<vmem>> -> memref<1x1x128x64xf32, #tpu.memory_space<vmem>>
    %dma_wait3A_273 = tpu.memref_squeeze %dma_wait3A_272 : memref<1x1x128x64xf32, #tpu.memory_space<vmem>> -> memref<128x64xf32, #tpu.memory_space<vmem>>
    %dma_wait3A_274 = arith.constant 0 : i32
    %dma_wait3A_275 = arith.constant 0 : i32
    %dma_wait3A_276 = tpu.memref_slice %arg9[%dma_wait3A_274, %dma_wait3A_275] : memref<10240x64xf32, #tpu.memory_space<vmem_shared>> -> memref<128x64xf32, #tpu.memory_space<vmem_shared>>
    %dma_wait3A_277 = arith.constant 0 : i32
    %dma_wait3A_278 = arith.constant 0 : i32
    %dma_wait3A_279 = tpu.memref_slice %arg9[%dma_wait3A_277, %dma_wait3A_278] : memref<10240x64xf32, #tpu.memory_space<vmem_shared>> -> memref<128x64xf32, #tpu.memory_space<vmem_shared>>
    %dma_wait3A_280 = arith.constant 0 : i32
    %dma_wait3A_281 = arith.constant 0 : i32
    %dma_wait3A_282 = tpu.memref_slice %arg8[%rem3A_238, %dma_wait3A_269, %dma_wait3A_280, %dma_wait3A_281] : memref<2x4x128x64xf32, #tpu.memory_space<vmem>> -> memref<1x1x128x64xf32, #tpu.memory_space<vmem>>
    %dma_wait3A_283 = tpu.memref_squeeze %dma_wait3A_282 : memref<1x1x128x64xf32, #tpu.memory_space<vmem>> -> memref<128x64xf32, #tpu.memory_space<vmem>>
    tpu.wait_dma2 semaphore(%arg11 : memref<!tpu.dma_semaphore, #tpu.memory_space<semaphore_mem>>) src(%dma_wait3A_283 : memref<128x64xf32, #tpu.memory_space<vmem>>) dst(%dma_wait3A_279 : memref<128x64xf32, #tpu.memory_space<vmem_shared>>)
    %dma_wait3A_284 = arith.constant 3 : i32
    %dma_wait3A_285 = arith.constant 0 : i32
    %dma_wait3A_286 = arith.constant 0 : i32
    %dma_wait3A_287 = tpu.memref_slice %arg8[%rem3A_238, %dma_wait3A_284, %dma_wait3A_285, %dma_wait3A_286] : memref<2x4x128x64xf32, #tpu.memory_space<vmem>> -> memref<1x1x128x64xf32, #tpu.memory_space<vmem>>
    %dma_wait3A_288 = tpu.memref_squeeze %dma_wait3A_287 : memref<1x1x128x64xf32, #tpu.memory_space<vmem>> -> memref<128x64xf32, #tpu.memory_space<vmem>>
    %dma_wait3A_289 = arith.constant 0 : i32
    %dma_wait3A_290 = arith.constant 0 : i32
    %dma_wait3A_291 = tpu.memref_slice %arg9[%dma_wait3A_289, %dma_wait3A_290] : memref<10240x64xf32, #tpu.memory_space<vmem_shared>> -> memref<128x64xf32, #tpu.memory_space<vmem_shared>>
    %dma_wait3A_292 = arith.constant 0 : i32
    %dma_wait3A_293 = arith.constant 0 : i32
    %dma_wait3A_294 = tpu.memref_slice %arg9[%dma_wait3A_292, %dma_wait3A_293] : memref<10240x64xf32, #tpu.memory_space<vmem_shared>> -> memref<128x64xf32, #tpu.memory_space<vmem_shared>>
    %dma_wait3A_295 = arith.constant 0 : i32
    %dma_wait3A_296 = arith.constant 0 : i32
    %dma_wait3A_297 = tpu.memref_slice %arg8[%rem3A_238, %dma_wait3A_284, %dma_wait3A_295, %dma_wait3A_296] : memref<2x4x128x64xf32, #tpu.memory_space<vmem>> -> memref<1x1x128x64xf32, #tpu.memory_space<vmem>>
    %dma_wait3A_298 = tpu.memref_squeeze %dma_wait3A_297 : memref<1x1x128x64xf32, #tpu.memory_space<vmem>> -> memref<128x64xf32, #tpu.memory_space<vmem>>
    tpu.wait_dma2 semaphore(%arg11 : memref<!tpu.dma_semaphore, #tpu.memory_space<semaphore_mem>>) src(%dma_wait3A_298 : memref<128x64xf32, #tpu.memory_space<vmem>>) dst(%dma_wait3A_294 : memref<128x64xf32, #tpu.memory_space<vmem_shared>>)
    %barrier3A_299 = arith.constant 0 : index
    tpu.barrier barrier_id(%barrier3A_299)
    "tpu.region"() ({
      %run_scoped3A = tpu.sem_alloc : memref<!tpu.dma_semaphore, #tpu.memory_space<semaphore_mem>>
      %dma_start3A_300 = arith.constant 0 : i32
      %dma_start3A_301 = tpu.memref_slice %arg5[%arg0, %mul3A_21, %dma_start3A_300] : memref<2x10240x64xf32, #tpu.memory_space<hbm>> -> memref<1x640x64xf32, #tpu.memory_space<hbm>>
      %dma_start3A_302 = tpu.memref_squeeze %dma_start3A_301 : memref<1x640x64xf32, #tpu.memory_space<hbm>> -> memref<640x64xf32, #tpu.memory_space<hbm>>
      %dma_start3A_303 = arith.constant 0 : i32
      %dma_start3A_304 = tpu.memref_slice %arg9[%mul3A_21, %dma_start3A_303] : memref<10240x64xf32, #tpu.memory_space<vmem_shared>> -> memref<640x64xf32, #tpu.memory_space<vmem_shared>>
      tpu.enqueue_dma source(%dma_start3A_304 : memref<640x64xf32, #tpu.memory_space<vmem_shared>>) target(%dma_start3A_302 : memref<640x64xf32, #tpu.memory_space<hbm>>) target_semaphore(%run_scoped3A : memref<!tpu.dma_semaphore, #tpu.memory_space<semaphore_mem>>)
      %dma_wait3A_305 = arith.constant 0 : i32
      %dma_wait3A_306 = tpu.memref_slice %arg5[%arg0, %mul3A_21, %dma_wait3A_305] : memref<2x10240x64xf32, #tpu.memory_space<hbm>> -> memref<1x640x64xf32, #tpu.memory_space<hbm>>
      %dma_wait3A_307 = tpu.memref_squeeze %dma_wait3A_306 : memref<1x640x64xf32, #tpu.memory_space<hbm>> -> memref<640x64xf32, #tpu.memory_space<hbm>>
      %dma_wait3A_308 = arith.constant 0 : i32
      %dma_wait3A_309 = tpu.memref_slice %arg9[%mul3A_21, %dma_wait3A_308] : memref<10240x64xf32, #tpu.memory_space<vmem_shared>> -> memref<640x64xf32, #tpu.memory_space<vmem_shared>>
      tpu.wait_dma2 semaphore(%run_scoped3A : memref<!tpu.dma_semaphore, #tpu.memory_space<semaphore_mem>>) src(%dma_wait3A_309 : memref<640x64xf32, #tpu.memory_space<vmem_shared>>) dst(%dma_wait3A_307 : memref<640x64xf32, #tpu.memory_space<hbm>>)
      tpu.yield
    }) : () -> ()
    return
  }
}

#map = affine_map<(d0, d1) -> (0, 0)>
#map1 = affine_map<(d0, d1) -> (0, 0, 0)>
module attributes {stable_mosaic.version = 14 : i64} {
  func.func @_sc_scatter_body(%arg0: i32, %arg1: i32, %arg2: memref<10240x64xf32, #tpu.memory_space<hbm>>, %arg3: memref<2560x128xi32, #tpu.memory_space<hbm>>, %arg4: memref<2560x128xi32, #tpu.memory_space<hbm>>, %arg5: memref<2x10240x64xf32, #tpu.memory_space<hbm>>, %arg6: memref<80x128xi32, #tpu.memory_space<vmem>>, %arg7: memref<80x128xi32, #tpu.memory_space<vmem>>, %arg8: memref<2x4x128x64xf32, #tpu.memory_space<vmem>>, %arg9: memref<10240x64xf32, #tpu.memory_space<vmem_shared>>, %arg10: memref<!tpu.dma_semaphore, #tpu.memory_space<semaphore_mem>>, %arg11: memref<!tpu.dma_semaphore, #tpu.memory_space<semaphore_mem>>) attributes {dimension_semantics = [#tpu.dimension_semantics<core_parallel>, #tpu.dimension_semantics<subcore_parallel>], iteration_bounds = array<i64: 2, 16>, scalar_prefetch = 0 : i64, scratch_operands = 6 : i64, tpu.core_type = #tpu.core_type<sc_vector_subcore>, window_params = [{transform_indices = #map}, {transform_indices = #map}, {transform_indices = #map}, {transform_indices = #map1}]} {
    %mul3A = arith.constant 16 : i32
    %mul3A_0 = arith.muli %arg0, %mul3A : i32
    %add3A = arith.addi %mul3A_0, %arg1 : i32
    %mul3A_1 = arith.constant 80 : i32
    %mul3A_2 = arith.muli %add3A, %mul3A_1 : i32
    %dma_start3A = arith.constant 0 : i32
    %dma_start3A_3 = tpu.memref_slice %arg3[%mul3A_2, %dma_start3A] : memref<2560x128xi32, #tpu.memory_space<hbm>> -> memref<80x128xi32, #tpu.memory_space<hbm>>
    %dma_start3A_4 = arith.constant 0 : i32
    %dma_start3A_5 = tpu.memref_slice %arg3[%mul3A_2, %dma_start3A_4] : memref<2560x128xi32, #tpu.memory_space<hbm>> -> memref<80x128xi32, #tpu.memory_space<hbm>>
    tpu.enqueue_dma source(%dma_start3A_5 : memref<80x128xi32, #tpu.memory_space<hbm>>) target(%arg6 : memref<80x128xi32, #tpu.memory_space<vmem>>) target_semaphore(%arg10 : memref<!tpu.dma_semaphore, #tpu.memory_space<semaphore_mem>>)
    %mul3A_6 = arith.constant 80 : i32
    %mul3A_7 = arith.muli %add3A, %mul3A_6 : i32
    %dma_start3A_8 = arith.constant 0 : i32
    %dma_start3A_9 = tpu.memref_slice %arg4[%mul3A_7, %dma_start3A_8] : memref<2560x128xi32, #tpu.memory_space<hbm>> -> memref<80x128xi32, #tpu.memory_space<hbm>>
    %dma_start3A_10 = arith.constant 0 : i32
    %dma_start3A_11 = tpu.memref_slice %arg4[%mul3A_7, %dma_start3A_10] : memref<2560x128xi32, #tpu.memory_space<hbm>> -> memref<80x128xi32, #tpu.memory_space<hbm>>
    tpu.enqueue_dma source(%dma_start3A_11 : memref<80x128xi32, #tpu.memory_space<hbm>>) target(%arg7 : memref<80x128xi32, #tpu.memory_space<vmem>>) target_semaphore(%arg11 : memref<!tpu.dma_semaphore, #tpu.memory_space<semaphore_mem>>)
    %broadcast_in_dim3A = arith.constant 0.000000e+00 : f32
    %broadcast_in_dim3A_12 = vector.broadcast %broadcast_in_dim3A : f32 to vector<16xf32>
    %scan3A = arith.constant 0 : i32
    %scan3A_13 = arith.constant 0 : i32
    %scan3A_14 = arith.constant 0 : i32
    %scan3A_15 = arith.constant 0 : i32
    %scan3A_16 = arith.constant 128 : i32
    %scan3A_17 = arith.addi %scan3A_15, %scan3A_16 : i32
    %scan3A_18 = arith.constant 1 : i32
    scf.for %scan3A_300 = %scan3A_15 to %scan3A_17 step %scan3A_18  : i32 {
      %swap3A = arith.constant 0 : i32
      %swap3A_301 = arith.constant 0 : i32
      %swap3A_302 = tpu.memref_slice %arg8[%scan3A_13, %scan3A_14, %swap3A, %swap3A_301] : memref<2x4x128x64xf32, #tpu.memory_space<vmem>> -> memref<1x1x128x64xf32, #tpu.memory_space<vmem>>
      %swap3A_303 = tpu.memref_squeeze %swap3A_302 : memref<1x1x128x64xf32, #tpu.memory_space<vmem>> -> memref<128x64xf32, #tpu.memory_space<vmem>>
      %swap3A_304 = arith.index_cast %scan3A_300 : i32 to index
      %swap3A_305 = arith.constant 0 : index
      %swap3A_306 = tpu.vector_load %swap3A_303[%swap3A_304, %swap3A_305] {strides = array<i32>} : memref<128x64xf32, #tpu.memory_space<vmem>>, vector<1x16xf32>,
      %swap3A_307 = vector.shape_cast %swap3A_306 : vector<1x16xf32> to vector<16xf32>
      %swap3A_308 = vector.shape_cast %broadcast_in_dim3A_12 : vector<16xf32> to vector<1x16xf32>
      tpu.vector_store %swap3A_303[%swap3A_304, %swap3A_305], %swap3A_308 {strides = array<i32>} : memref<128x64xf32, #tpu.memory_space<vmem>>, vector<1x16xf32>,
      %swap3A_309 = arith.constant 0 : i32
      %swap3A_310 = arith.constant 0 : i32
      %swap3A_311 = tpu.memref_slice %arg8[%scan3A_13, %scan3A_14, %swap3A_309, %swap3A_310] : memref<2x4x128x64xf32, #tpu.memory_space<vmem>> -> memref<1x1x128x64xf32, #tpu.memory_space<vmem>>
      %swap3A_312 = tpu.memref_squeeze %swap3A_311 : memref<1x1x128x64xf32, #tpu.memory_space<vmem>> -> memref<128x64xf32, #tpu.memory_space<vmem>>
      %swap3A_313 = arith.index_cast %scan3A_300 : i32 to index
      %swap3A_314 = arith.constant 16 : index
      %swap3A_315 = tpu.vector_load %swap3A_312[%swap3A_313, %swap3A_314] {strides = array<i32>} : memref<128x64xf32, #tpu.memory_space<vmem>>, vector<1x16xf32>,
      %swap3A_316 = vector.shape_cast %swap3A_315 : vector<1x16xf32> to vector<16xf32>
      %swap3A_317 = vector.shape_cast %broadcast_in_dim3A_12 : vector<16xf32> to vector<1x16xf32>
      tpu.vector_store %swap3A_312[%swap3A_313, %swap3A_314], %swap3A_317 {strides = array<i32>} : memref<128x64xf32, #tpu.memory_space<vmem>>, vector<1x16xf32>,
      %swap3A_318 = arith.constant 0 : i32
      %swap3A_319 = arith.constant 0 : i32
      %swap3A_320 = tpu.memref_slice %arg8[%scan3A_13, %scan3A_14, %swap3A_318, %swap3A_319] : memref<2x4x128x64xf32, #tpu.memory_space<vmem>> -> memref<1x1x128x64xf32, #tpu.memory_space<vmem>>
      %swap3A_321 = tpu.memref_squeeze %swap3A_320 : memref<1x1x128x64xf32, #tpu.memory_space<vmem>> -> memref<128x64xf32, #tpu.memory_space<vmem>>
      %swap3A_322 = arith.index_cast %scan3A_300 : i32 to index
      %swap3A_323 = arith.constant 32 : index
      %swap3A_324 = tpu.vector_load %swap3A_321[%swap3A_322, %swap3A_323] {strides = array<i32>} : memref<128x64xf32, #tpu.memory_space<vmem>>, vector<1x16xf32>,
      %swap3A_325 = vector.shape_cast %swap3A_324 : vector<1x16xf32> to vector<16xf32>
      %swap3A_326 = vector.shape_cast %broadcast_in_dim3A_12 : vector<16xf32> to vector<1x16xf32>
      tpu.vector_store %swap3A_321[%swap3A_322, %swap3A_323], %swap3A_326 {strides = array<i32>} : memref<128x64xf32, #tpu.memory_space<vmem>>, vector<1x16xf32>,
      %swap3A_327 = arith.constant 0 : i32
      %swap3A_328 = arith.constant 0 : i32
      %swap3A_329 = tpu.memref_slice %arg8[%scan3A_13, %scan3A_14, %swap3A_327, %swap3A_328] : memref<2x4x128x64xf32, #tpu.memory_space<vmem>> -> memref<1x1x128x64xf32, #tpu.memory_space<vmem>>
      %swap3A_330 = tpu.memref_squeeze %swap3A_329 : memref<1x1x128x64xf32, #tpu.memory_space<vmem>> -> memref<128x64xf32, #tpu.memory_space<vmem>>
      %swap3A_331 = arith.index_cast %scan3A_300 : i32 to index
      %swap3A_332 = arith.constant 48 : index
      %swap3A_333 = tpu.vector_load %swap3A_330[%swap3A_331, %swap3A_332] {strides = array<i32>} : memref<128x64xf32, #tpu.memory_space<vmem>>, vector<1x16xf32>,
      %swap3A_334 = vector.shape_cast %swap3A_333 : vector<1x16xf32> to vector<16xf32>
      %swap3A_335 = vector.shape_cast %broadcast_in_dim3A_12 : vector<16xf32> to vector<1x16xf32>
      tpu.vector_store %swap3A_330[%swap3A_331, %swap3A_332], %swap3A_335 {strides = array<i32>} : memref<128x64xf32, #tpu.memory_space<vmem>>, vector<1x16xf32>,
    }
    %scan3A_19 = arith.constant 128 : i32
    %mul3A_20 = arith.constant 640 : i32
    %mul3A_21 = arith.muli %arg1, %mul3A_20 : i32
    %add3A_22 = arith.constant 0 : i32
    %add3A_23 = arith.addi %mul3A_21, %add3A_22 : i32
    %dma_start3A_24 = arith.constant 0 : i32
    %dma_start3A_25 = arith.constant 0 : i32
    %dma_start3A_26 = arith.constant 0 : i32
    %dma_start3A_27 = arith.constant 0 : i32
    %dma_start3A_28 = tpu.memref_slice %arg8[%dma_start3A_24, %dma_start3A_25, %dma_start3A_26, %dma_start3A_27] : memref<2x4x128x64xf32, #tpu.memory_space<vmem>> -> memref<1x1x128x64xf32, #tpu.memory_space<vmem>>
    %dma_start3A_29 = tpu.memref_squeeze %dma_start3A_28 : memref<1x1x128x64xf32, #tpu.memory_space<vmem>> -> memref<128x64xf32, #tpu.memory_space<vmem>>
    %dma_start3A_30 = arith.constant 0 : i32
    %dma_start3A_31 = tpu.memref_slice %arg9[%add3A_23, %dma_start3A_30] : memref<10240x64xf32, #tpu.memory_space<vmem_shared>> -> memref<128x64xf32, #tpu.memory_space<vmem_shared>>
    %dma_start3A_32 = arith.constant 0 : i32
    %dma_start3A_33 = tpu.memref_slice %arg9[%add3A_23, %dma_start3A_32] : memref<10240x64xf32, #tpu.memory_space<vmem_shared>> -> memref<128x64xf32, #tpu.memory_space<vmem_shared>>
    %dma_start3A_34 = arith.constant 0 : i32
    %dma_start3A_35 = arith.constant 0 : i32
    %dma_start3A_36 = tpu.memref_slice %arg8[%dma_start3A_24, %dma_start3A_25, %dma_start3A_34, %dma_start3A_35] : memref<2x4x128x64xf32, #tpu.memory_space<vmem>> -> memref<1x1x128x64xf32, #tpu.memory_space<vmem>>
    %dma_start3A_37 = tpu.memref_squeeze %dma_start3A_36 : memref<1x1x128x64xf32, #tpu.memory_space<vmem>> -> memref<128x64xf32, #tpu.memory_space<vmem>>
    tpu.enqueue_dma source(%dma_start3A_37 : memref<128x64xf32, #tpu.memory_space<vmem>>) target(%dma_start3A_33 : memref<128x64xf32, #tpu.memory_space<vmem_shared>>) target_semaphore(%arg10 : memref<!tpu.dma_semaphore, #tpu.memory_space<semaphore_mem>>)
    %add3A_38 = arith.constant 128 : i32
    %add3A_39 = arith.addi %mul3A_21, %add3A_38 : i32
    %dma_start3A_40 = arith.constant 0 : i32
    %dma_start3A_41 = arith.constant 0 : i32
    %dma_start3A_42 = arith.constant 0 : i32
    %dma_start3A_43 = arith.constant 0 : i32
    %dma_start3A_44 = tpu.memref_slice %arg8[%dma_start3A_40, %dma_start3A_41, %dma_start3A_42, %dma_start3A_43] : memref<2x4x128x64xf32, #tpu.memory_space<vmem>> -> memref<1x1x128x64xf32, #tpu.memory_space<vmem>>
    %dma_start3A_45 = tpu.memref_squeeze %dma_start3A_44 : memref<1x1x128x64xf32, #tpu.memory_space<vmem>> -> memref<128x64xf32, #tpu.memory_space<vmem>>
    %dma_start3A_46 = arith.constant 0 : i32
    %dma_start3A_47 = tpu.memref_slice %arg9[%add3A_39, %dma_start3A_46] : memref<10240x64xf32, #tpu.memory_space<vmem_shared>> -> memref<128x64xf32, #tpu.memory_space<vmem_shared>>
    %dma_start3A_48 = arith.constant 0 : i32
    %dma_start3A_49 = tpu.memref_slice %arg9[%add3A_39, %dma_start3A_48] : memref<10240x64xf32, #tpu.memory_space<vmem_shared>> -> memref<128x64xf32, #tpu.memory_space<vmem_shared>>
    %dma_start3A_50 = arith.constant 0 : i32
    %dma_start3A_51 = arith.constant 0 : i32
    %dma_start3A_52 = tpu.memref_slice %arg8[%dma_start3A_40, %dma_start3A_41, %dma_start3A_50, %dma_start3A_51] : memref<2x4x128x64xf32, #tpu.memory_space<vmem>> -> memref<1x1x128x64xf32, #tpu.memory_space<vmem>>
    %dma_start3A_53 = tpu.memref_squeeze %dma_start3A_52 : memref<1x1x128x64xf32, #tpu.memory_space<vmem>> -> memref<128x64xf32, #tpu.memory_space<vmem>>
    tpu.enqueue_dma source(%dma_start3A_53 : memref<128x64xf32, #tpu.memory_space<vmem>>) target(%dma_start3A_49 : memref<128x64xf32, #tpu.memory_space<vmem_shared>>) target_semaphore(%arg10 : memref<!tpu.dma_semaphore, #tpu.memory_space<semaphore_mem>>)
    %add3A_54 = arith.constant 256 : i32
    %add3A_55 = arith.addi %mul3A_21, %add3A_54 : i32
    %dma_start3A_56 = arith.constant 0 : i32
    %dma_start3A_57 = arith.constant 0 : i32
    %dma_start3A_58 = arith.constant 0 : i32
    %dma_start3A_59 = arith.constant 0 : i32
    %dma_start3A_60 = tpu.memref_slice %arg8[%dma_start3A_56, %dma_start3A_57, %dma_start3A_58, %dma_start3A_59] : memref<2x4x128x64xf32, #tpu.memory_space<vmem>> -> memref<1x1x128x64xf32, #tpu.memory_space<vmem>>
    %dma_start3A_61 = tpu.memref_squeeze %dma_start3A_60 : memref<1x1x128x64xf32, #tpu.memory_space<vmem>> -> memref<128x64xf32, #tpu.memory_space<vmem>>
    %dma_start3A_62 = arith.constant 0 : i32
    %dma_start3A_63 = tpu.memref_slice %arg9[%add3A_55, %dma_start3A_62] : memref<10240x64xf32, #tpu.memory_space<vmem_shared>> -> memref<128x64xf32, #tpu.memory_space<vmem_shared>>
    %dma_start3A_64 = arith.constant 0 : i32
    %dma_start3A_65 = tpu.memref_slice %arg9[%add3A_55, %dma_start3A_64] : memref<10240x64xf32, #tpu.memory_space<vmem_shared>> -> memref<128x64xf32, #tpu.memory_space<vmem_shared>>
    %dma_start3A_66 = arith.constant 0 : i32
    %dma_start3A_67 = arith.constant 0 : i32
    %dma_start3A_68 = tpu.memref_slice %arg8[%dma_start3A_56, %dma_start3A_57, %dma_start3A_66, %dma_start3A_67] : memref<2x4x128x64xf32, #tpu.memory_space<vmem>> -> memref<1x1x128x64xf32, #tpu.memory_space<vmem>>
    %dma_start3A_69 = tpu.memref_squeeze %dma_start3A_68 : memref<1x1x128x64xf32, #tpu.memory_space<vmem>> -> memref<128x64xf32, #tpu.memory_space<vmem>>
    tpu.enqueue_dma source(%dma_start3A_69 : memref<128x64xf32, #tpu.memory_space<vmem>>) target(%dma_start3A_65 : memref<128x64xf32, #tpu.memory_space<vmem_shared>>) target_semaphore(%arg10 : memref<!tpu.dma_semaphore, #tpu.memory_space<semaphore_mem>>)
    %add3A_70 = arith.constant 384 : i32
    %add3A_71 = arith.addi %mul3A_21, %add3A_70 : i32
    %dma_start3A_72 = arith.constant 0 : i32
    %dma_start3A_73 = arith.constant 0 : i32
    %dma_start3A_74 = arith.constant 0 : i32
    %dma_start3A_75 = arith.constant 0 : i32
    %dma_start3A_76 = tpu.memref_slice %arg8[%dma_start3A_72, %dma_start3A_73, %dma_start3A_74, %dma_start3A_75] : memref<2x4x128x64xf32, #tpu.memory_space<vmem>> -> memref<1x1x128x64xf32, #tpu.memory_space<vmem>>
    %dma_start3A_77 = tpu.memref_squeeze %dma_start3A_76 : memref<1x1x128x64xf32, #tpu.memory_space<vmem>> -> memref<128x64xf32, #tpu.memory_space<vmem>>
    %dma_start3A_78 = arith.constant 0 : i32
    %dma_start3A_79 = tpu.memref_slice %arg9[%add3A_71, %dma_start3A_78] : memref<10240x64xf32, #tpu.memory_space<vmem_shared>> -> memref<128x64xf32, #tpu.memory_space<vmem_shared>>
    %dma_start3A_80 = arith.constant 0 : i32
    %dma_start3A_81 = tpu.memref_slice %arg9[%add3A_71, %dma_start3A_80] : memref<10240x64xf32, #tpu.memory_space<vmem_shared>> -> memref<128x64xf32, #tpu.memory_space<vmem_shared>>
    %dma_start3A_82 = arith.constant 0 : i32
    %dma_start3A_83 = arith.constant 0 : i32
    %dma_start3A_84 = tpu.memref_slice %arg8[%dma_start3A_72, %dma_start3A_73, %dma_start3A_82, %dma_start3A_83] : memref<2x4x128x64xf32, #tpu.memory_space<vmem>> -> memref<1x1x128x64xf32, #tpu.memory_space<vmem>>
    %dma_start3A_85 = tpu.memref_squeeze %dma_start3A_84 : memref<1x1x128x64xf32, #tpu.memory_space<vmem>> -> memref<128x64xf32, #tpu.memory_space<vmem>>
    tpu.enqueue_dma source(%dma_start3A_85 : memref<128x64xf32, #tpu.memory_space<vmem>>) target(%dma_start3A_81 : memref<128x64xf32, #tpu.memory_space<vmem_shared>>) target_semaphore(%arg10 : memref<!tpu.dma_semaphore, #tpu.memory_space<semaphore_mem>>)
    %add3A_86 = arith.constant 512 : i32
    %add3A_87 = arith.addi %mul3A_21, %add3A_86 : i32
    %dma_start3A_88 = arith.constant 0 : i32
    %dma_start3A_89 = arith.constant 0 : i32
    %dma_start3A_90 = arith.constant 0 : i32
    %dma_start3A_91 = arith.constant 0 : i32
    %dma_start3A_92 = tpu.memref_slice %arg8[%dma_start3A_88, %dma_start3A_89, %dma_start3A_90, %dma_start3A_91] : memref<2x4x128x64xf32, #tpu.memory_space<vmem>> -> memref<1x1x128x64xf32, #tpu.memory_space<vmem>>
    %dma_start3A_93 = tpu.memref_squeeze %dma_start3A_92 : memref<1x1x128x64xf32, #tpu.memory_space<vmem>> -> memref<128x64xf32, #tpu.memory_space<vmem>>
    %dma_start3A_94 = arith.constant 0 : i32
    %dma_start3A_95 = tpu.memref_slice %arg9[%add3A_87, %dma_start3A_94] : memref<10240x64xf32, #tpu.memory_space<vmem_shared>> -> memref<128x64xf32, #tpu.memory_space<vmem_shared>>
    %dma_start3A_96 = arith.constant 0 : i32
    %dma_start3A_97 = tpu.memref_slice %arg9[%add3A_87, %dma_start3A_96] : memref<10240x64xf32, #tpu.memory_space<vmem_shared>> -> memref<128x64xf32, #tpu.memory_space<vmem_shared>>
    %dma_start3A_98 = arith.constant 0 : i32
    %dma_start3A_99 = arith.constant 0 : i32
    %dma_start3A_100 = tpu.memref_slice %arg8[%dma_start3A_88, %dma_start3A_89, %dma_start3A_98, %dma_start3A_99] : memref<2x4x128x64xf32, #tpu.memory_space<vmem>> -> memref<1x1x128x64xf32, #tpu.memory_space<vmem>>
    %dma_start3A_101 = tpu.memref_squeeze %dma_start3A_100 : memref<1x1x128x64xf32, #tpu.memory_space<vmem>> -> memref<128x64xf32, #tpu.memory_space<vmem>>
    tpu.enqueue_dma source(%dma_start3A_101 : memref<128x64xf32, #tpu.memory_space<vmem>>) target(%dma_start3A_97 : memref<128x64xf32, #tpu.memory_space<vmem_shared>>) target_semaphore(%arg10 : memref<!tpu.dma_semaphore, #tpu.memory_space<semaphore_mem>>)
    %dma_wait3A = arith.constant 0 : i32
    %dma_wait3A_102 = tpu.memref_slice %arg3[%mul3A_2, %dma_wait3A] : memref<2560x128xi32, #tpu.memory_space<hbm>> -> memref<80x128xi32, #tpu.memory_space<hbm>>
    %dma_wait3A_103 = arith.constant 0 : i32
    %dma_wait3A_104 = tpu.memref_slice %arg3[%mul3A_2, %dma_wait3A_103] : memref<2560x128xi32, #tpu.memory_space<hbm>> -> memref<80x128xi32, #tpu.memory_space<hbm>>
    tpu.wait_dma2 semaphore(%arg10 : memref<!tpu.dma_semaphore, #tpu.memory_space<semaphore_mem>>) src(%dma_wait3A_104 : memref<80x128xi32, #tpu.memory_space<hbm>>) dst(%arg6 : memref<80x128xi32, #tpu.memory_space<vmem>>)
    %dma_wait3A_105 = arith.constant 0 : i32
    %dma_wait3A_106 = tpu.memref_slice %arg4[%mul3A_7, %dma_wait3A_105] : memref<2560x128xi32, #tpu.memory_space<hbm>> -> memref<80x128xi32, #tpu.memory_space<hbm>>
    %dma_wait3A_107 = arith.constant 0 : i32
    %dma_wait3A_108 = tpu.memref_slice %arg4[%mul3A_7, %dma_wait3A_107] : memref<2560x128xi32, #tpu.memory_space<hbm>> -> memref<80x128xi32, #tpu.memory_space<hbm>>
    tpu.wait_dma2 semaphore(%arg11 : memref<!tpu.dma_semaphore, #tpu.memory_space<semaphore_mem>>) src(%dma_wait3A_108 : memref<80x128xi32, #tpu.memory_space<hbm>>) dst(%arg7 : memref<80x128xi32, #tpu.memory_space<vmem>>)
    %dma_wait3A_109 = arith.constant 0 : i32
    %dma_wait3A_110 = arith.constant 0 : i32
    %dma_wait3A_111 = arith.constant 0 : i32
    %dma_wait3A_112 = arith.constant 0 : i32
    %dma_wait3A_113 = tpu.memref_slice %arg8[%dma_wait3A_109, %dma_wait3A_110, %dma_wait3A_111, %dma_wait3A_112] : memref<2x4x128x64xf32, #tpu.memory_space<vmem>> -> memref<1x1x128x64xf32, #tpu.memory_space<vmem>>
    %dma_wait3A_114 = tpu.memref_squeeze %dma_wait3A_113 : memref<1x1x128x64xf32, #tpu.memory_space<vmem>> -> memref<128x64xf32, #tpu.memory_space<vmem>>
    %dma_wait3A_115 = arith.constant 0 : i32
    %dma_wait3A_116 = tpu.memref_slice %arg9[%add3A_23, %dma_wait3A_115] : memref<10240x64xf32, #tpu.memory_space<vmem_shared>> -> memref<128x64xf32, #tpu.memory_space<vmem_shared>>
    %dma_wait3A_117 = arith.constant 0 : i32
    %dma_wait3A_118 = tpu.memref_slice %arg9[%add3A_23, %dma_wait3A_117] : memref<10240x64xf32, #tpu.memory_space<vmem_shared>> -> memref<128x64xf32, #tpu.memory_space<vmem_shared>>
    %dma_wait3A_119 = arith.constant 0 : i32
    %dma_wait3A_120 = arith.constant 0 : i32
    %dma_wait3A_121 = tpu.memref_slice %arg8[%dma_wait3A_109, %dma_wait3A_110, %dma_wait3A_119, %dma_wait3A_120] : memref<2x4x128x64xf32, #tpu.memory_space<vmem>> -> memref<1x1x128x64xf32, #tpu.memory_space<vmem>>
    %dma_wait3A_122 = tpu.memref_squeeze %dma_wait3A_121 : memref<1x1x128x64xf32, #tpu.memory_space<vmem>> -> memref<128x64xf32, #tpu.memory_space<vmem>>
    tpu.wait_dma2 semaphore(%arg10 : memref<!tpu.dma_semaphore, #tpu.memory_space<semaphore_mem>>) src(%dma_wait3A_122 : memref<128x64xf32, #tpu.memory_space<vmem>>) dst(%dma_wait3A_118 : memref<128x64xf32, #tpu.memory_space<vmem_shared>>)
    %dma_wait3A_123 = arith.constant 0 : i32
    %dma_wait3A_124 = arith.constant 0 : i32
    %dma_wait3A_125 = arith.constant 0 : i32
    %dma_wait3A_126 = arith.constant 0 : i32
    %dma_wait3A_127 = tpu.memref_slice %arg8[%dma_wait3A_123, %dma_wait3A_124, %dma_wait3A_125, %dma_wait3A_126] : memref<2x4x128x64xf32, #tpu.memory_space<vmem>> -> memref<1x1x128x64xf32, #tpu.memory_space<vmem>>
    %dma_wait3A_128 = tpu.memref_squeeze %dma_wait3A_127 : memref<1x1x128x64xf32, #tpu.memory_space<vmem>> -> memref<128x64xf32, #tpu.memory_space<vmem>>
    %dma_wait3A_129 = arith.constant 0 : i32
    %dma_wait3A_130 = tpu.memref_slice %arg9[%add3A_39, %dma_wait3A_129] : memref<10240x64xf32, #tpu.memory_space<vmem_shared>> -> memref<128x64xf32, #tpu.memory_space<vmem_shared>>
    %dma_wait3A_131 = arith.constant 0 : i32
    %dma_wait3A_132 = tpu.memref_slice %arg9[%add3A_39, %dma_wait3A_131] : memref<10240x64xf32, #tpu.memory_space<vmem_shared>> -> memref<128x64xf32, #tpu.memory_space<vmem_shared>>
    %dma_wait3A_133 = arith.constant 0 : i32
    %dma_wait3A_134 = arith.constant 0 : i32
    %dma_wait3A_135 = tpu.memref_slice %arg8[%dma_wait3A_123, %dma_wait3A_124, %dma_wait3A_133, %dma_wait3A_134] : memref<2x4x128x64xf32, #tpu.memory_space<vmem>> -> memref<1x1x128x64xf32, #tpu.memory_space<vmem>>
    %dma_wait3A_136 = tpu.memref_squeeze %dma_wait3A_135 : memref<1x1x128x64xf32, #tpu.memory_space<vmem>> -> memref<128x64xf32, #tpu.memory_space<vmem>>
    tpu.wait_dma2 semaphore(%arg10 : memref<!tpu.dma_semaphore, #tpu.memory_space<semaphore_mem>>) src(%dma_wait3A_136 : memref<128x64xf32, #tpu.memory_space<vmem>>) dst(%dma_wait3A_132 : memref<128x64xf32, #tpu.memory_space<vmem_shared>>)
    %dma_wait3A_137 = arith.constant 0 : i32
    %dma_wait3A_138 = arith.constant 0 : i32
    %dma_wait3A_139 = arith.constant 0 : i32
    %dma_wait3A_140 = arith.constant 0 : i32
    %dma_wait3A_141 = tpu.memref_slice %arg8[%dma_wait3A_137, %dma_wait3A_138, %dma_wait3A_139, %dma_wait3A_140] : memref<2x4x128x64xf32, #tpu.memory_space<vmem>> -> memref<1x1x128x64xf32, #tpu.memory_space<vmem>>
    %dma_wait3A_142 = tpu.memref_squeeze %dma_wait3A_141 : memref<1x1x128x64xf32, #tpu.memory_space<vmem>> -> memref<128x64xf32, #tpu.memory_space<vmem>>
    %dma_wait3A_143 = arith.constant 0 : i32
    %dma_wait3A_144 = tpu.memref_slice %arg9[%add3A_55, %dma_wait3A_143] : memref<10240x64xf32, #tpu.memory_space<vmem_shared>> -> memref<128x64xf32, #tpu.memory_space<vmem_shared>>
    %dma_wait3A_145 = arith.constant 0 : i32
    %dma_wait3A_146 = tpu.memref_slice %arg9[%add3A_55, %dma_wait3A_145] : memref<10240x64xf32, #tpu.memory_space<vmem_shared>> -> memref<128x64xf32, #tpu.memory_space<vmem_shared>>
    %dma_wait3A_147 = arith.constant 0 : i32
    %dma_wait3A_148 = arith.constant 0 : i32
    %dma_wait3A_149 = tpu.memref_slice %arg8[%dma_wait3A_137, %dma_wait3A_138, %dma_wait3A_147, %dma_wait3A_148] : memref<2x4x128x64xf32, #tpu.memory_space<vmem>> -> memref<1x1x128x64xf32, #tpu.memory_space<vmem>>
    %dma_wait3A_150 = tpu.memref_squeeze %dma_wait3A_149 : memref<1x1x128x64xf32, #tpu.memory_space<vmem>> -> memref<128x64xf32, #tpu.memory_space<vmem>>
    tpu.wait_dma2 semaphore(%arg10 : memref<!tpu.dma_semaphore, #tpu.memory_space<semaphore_mem>>) src(%dma_wait3A_150 : memref<128x64xf32, #tpu.memory_space<vmem>>) dst(%dma_wait3A_146 : memref<128x64xf32, #tpu.memory_space<vmem_shared>>)
    %dma_wait3A_151 = arith.constant 0 : i32
    %dma_wait3A_152 = arith.constant 0 : i32
    %dma_wait3A_153 = arith.constant 0 : i32
    %dma_wait3A_154 = arith.constant 0 : i32
    %dma_wait3A_155 = tpu.memref_slice %arg8[%dma_wait3A_151, %dma_wait3A_152, %dma_wait3A_153, %dma_wait3A_154] : memref<2x4x128x64xf32, #tpu.memory_space<vmem>> -> memref<1x1x128x64xf32, #tpu.memory_space<vmem>>
    %dma_wait3A_156 = tpu.memref_squeeze %dma_wait3A_155 : memref<1x1x128x64xf32, #tpu.memory_space<vmem>> -> memref<128x64xf32, #tpu.memory_space<vmem>>
    %dma_wait3A_157 = arith.constant 0 : i32
    %dma_wait3A_158 = tpu.memref_slice %arg9[%add3A_71, %dma_wait3A_157] : memref<10240x64xf32, #tpu.memory_space<vmem_shared>> -> memref<128x64xf32, #tpu.memory_space<vmem_shared>>
    %dma_wait3A_159 = arith.constant 0 : i32
    %dma_wait3A_160 = tpu.memref_slice %arg9[%add3A_71, %dma_wait3A_159] : memref<10240x64xf32, #tpu.memory_space<vmem_shared>> -> memref<128x64xf32, #tpu.memory_space<vmem_shared>>
    %dma_wait3A_161 = arith.constant 0 : i32
    %dma_wait3A_162 = arith.constant 0 : i32
    %dma_wait3A_163 = tpu.memref_slice %arg8[%dma_wait3A_151, %dma_wait3A_152, %dma_wait3A_161, %dma_wait3A_162] : memref<2x4x128x64xf32, #tpu.memory_space<vmem>> -> memref<1x1x128x64xf32, #tpu.memory_space<vmem>>
    %dma_wait3A_164 = tpu.memref_squeeze %dma_wait3A_163 : memref<1x1x128x64xf32, #tpu.memory_space<vmem>> -> memref<128x64xf32, #tpu.memory_space<vmem>>
    tpu.wait_dma2 semaphore(%arg10 : memref<!tpu.dma_semaphore, #tpu.memory_space<semaphore_mem>>) src(%dma_wait3A_164 : memref<128x64xf32, #tpu.memory_space<vmem>>) dst(%dma_wait3A_160 : memref<128x64xf32, #tpu.memory_space<vmem_shared>>)
    %dma_wait3A_165 = arith.constant 0 : i32
    %dma_wait3A_166 = arith.constant 0 : i32
    %dma_wait3A_167 = arith.constant 0 : i32
    %dma_wait3A_168 = arith.constant 0 : i32
    %dma_wait3A_169 = tpu.memref_slice %arg8[%dma_wait3A_165, %dma_wait3A_166, %dma_wait3A_167, %dma_wait3A_168] : memref<2x4x128x64xf32, #tpu.memory_space<vmem>> -> memref<1x1x128x64xf32, #tpu.memory_space<vmem>>
    %dma_wait3A_170 = tpu.memref_squeeze %dma_wait3A_169 : memref<1x1x128x64xf32, #tpu.memory_space<vmem>> -> memref<128x64xf32, #tpu.memory_space<vmem>>
    %dma_wait3A_171 = arith.constant 0 : i32
    %dma_wait3A_172 = tpu.memref_slice %arg9[%add3A_87, %dma_wait3A_171] : memref<10240x64xf32, #tpu.memory_space<vmem_shared>> -> memref<128x64xf32, #tpu.memory_space<vmem_shared>>
    %dma_wait3A_173 = arith.constant 0 : i32
    %dma_wait3A_174 = tpu.memref_slice %arg9[%add3A_87, %dma_wait3A_173] : memref<10240x64xf32, #tpu.memory_space<vmem_shared>> -> memref<128x64xf32, #tpu.memory_space<vmem_shared>>
    %dma_wait3A_175 = arith.constant 0 : i32
    %dma_wait3A_176 = arith.constant 0 : i32
    %dma_wait3A_177 = tpu.memref_slice %arg8[%dma_wait3A_165, %dma_wait3A_166, %dma_wait3A_175, %dma_wait3A_176] : memref<2x4x128x64xf32, #tpu.memory_space<vmem>> -> memref<1x1x128x64xf32, #tpu.memory_space<vmem>>
    %dma_wait3A_178 = tpu.memref_squeeze %dma_wait3A_177 : memref<1x1x128x64xf32, #tpu.memory_space<vmem>> -> memref<128x64xf32, #tpu.memory_space<vmem>>
    tpu.wait_dma2 semaphore(%arg10 : memref<!tpu.dma_semaphore, #tpu.memory_space<semaphore_mem>>) src(%dma_wait3A_178 : memref<128x64xf32, #tpu.memory_space<vmem>>) dst(%dma_wait3A_174 : memref<128x64xf32, #tpu.memory_space<vmem_shared>>)
    %barrier3A = arith.constant 0 : index
    tpu.barrier barrier_id(%barrier3A)
    %dma_start3A_179 = arith.constant 0 : i32
    %dma_start3A_180 = arith.constant 0 : i32
    %dma_start3A_181 = arith.constant 0 : i32
    %dma_start3A_182 = arith.constant 0 : i32
    %dma_start3A_183 = arith.constant 0 : i32
    %dma_start3A_184 = tpu.memref_slice %arg8[%dma_start3A_180, %dma_start3A_181, %dma_start3A_182, %dma_start3A_183] : memref<2x4x128x64xf32, #tpu.memory_space<vmem>> -> memref<1x1x128x64xf32, #tpu.memory_space<vmem>>
    %dma_start3A_185 = tpu.memref_squeeze %dma_start3A_184 : memref<1x1x128x64xf32, #tpu.memory_space<vmem>> -> memref<128x64xf32, #tpu.memory_space<vmem>>
    %dma_start3A_186 = arith.constant 0 : i32
    %dma_start3A_187 = tpu.memref_slice %arg6[%dma_start3A_179, %dma_start3A_186] : memref<80x128xi32, #tpu.memory_space<vmem>> -> memref<1x128xi32, #tpu.memory_space<vmem>>
    %dma_start3A_188 = tpu.memref_squeeze %dma_start3A_187 : memref<1x128xi32, #tpu.memory_space<vmem>> -> memref<128xi32, #tpu.memory_space<vmem>>
    %dma_start3A_189 = arith.constant 0 : i32
    %dma_start3A_190 = arith.constant 0 : i32
    %dma_start3A_191 = tpu.memref_slice %arg2[%dma_start3A_189, %dma_start3A_190] : memref<10240x64xf32, #tpu.memory_space<hbm>> -> memref<10240x64xf32, #tpu.memory_space<hbm>>
    tpu.enqueue_indirect_dma source(%dma_start3A_191 : memref<10240x64xf32, #tpu.memory_space<hbm>>) target(%dma_start3A_185 : memref<128x64xf32, #tpu.memory_space<vmem>>) offsets(%dma_start3A_188 : memref<128xi32, #tpu.memory_space<vmem>>) semaphore(%arg10 : memref<!tpu.dma_semaphore, #tpu.memory_space<semaphore_mem>>)
    %dma_start3A_192 = arith.constant 1 : i32
    %dma_start3A_193 = arith.constant 0 : i32
    %dma_start3A_194 = arith.constant 1 : i32
    %dma_start3A_195 = arith.constant 0 : i32
    %dma_start3A_196 = arith.constant 0 : i32
    %dma_start3A_197 = tpu.memref_slice %arg8[%dma_start3A_193, %dma_start3A_194, %dma_start3A_195, %dma_start3A_196] : memref<2x4x128x64xf32, #tpu.memory_space<vmem>> -> memref<1x1x128x64xf32, #tpu.memory_space<vmem>>
    %dma_start3A_198 = tpu.memref_squeeze %dma_start3A_197 : memref<1x1x128x64xf32, #tpu.memory_space<vmem>> -> memref<128x64xf32, #tpu.memory_space<vmem>>
    %dma_start3A_199 = arith.constant 0 : i32
    %dma_start3A_200 = tpu.memref_slice %arg6[%dma_start3A_192, %dma_start3A_199] : memref<80x128xi32, #tpu.memory_space<vmem>> -> memref<1x128xi32, #tpu.memory_space<vmem>>
    %dma_start3A_201 = tpu.memref_squeeze %dma_start3A_200 : memref<1x128xi32, #tpu.memory_space<vmem>> -> memref<128xi32, #tpu.memory_space<vmem>>
    %dma_start3A_202 = arith.constant 0 : i32
    %dma_start3A_203 = arith.constant 0 : i32
    %dma_start3A_204 = tpu.memref_slice %arg2[%dma_start3A_202, %dma_start3A_203] : memref<10240x64xf32, #tpu.memory_space<hbm>> -> memref<10240x64xf32, #tpu.memory_space<hbm>>
    tpu.enqueue_indirect_dma source(%dma_start3A_204 : memref<10240x64xf32, #tpu.memory_space<hbm>>) target(%dma_start3A_198 : memref<128x64xf32, #tpu.memory_space<vmem>>) offsets(%dma_start3A_201 : memref<128xi32, #tpu.memory_space<vmem>>) semaphore(%arg10 : memref<!tpu.dma_semaphore, #tpu.memory_space<semaphore_mem>>)
    %dma_start3A_205 = arith.constant 2 : i32
    %dma_start3A_206 = arith.constant 0 : i32
    %dma_start3A_207 = arith.constant 2 : i32
    %dma_start3A_208 = arith.constant 0 : i32
    %dma_start3A_209 = arith.constant 0 : i32
    %dma_start3A_210 = tpu.memref_slice %arg8[%dma_start3A_206, %dma_start3A_207, %dma_start3A_208, %dma_start3A_209] : memref<2x4x128x64xf32, #tpu.memory_space<vmem>> -> memref<1x1x128x64xf32, #tpu.memory_space<vmem>>
    %dma_start3A_211 = tpu.memref_squeeze %dma_start3A_210 : memref<1x1x128x64xf32, #tpu.memory_space<vmem>> -> memref<128x64xf32, #tpu.memory_space<vmem>>
    %dma_start3A_212 = arith.constant 0 : i32
    %dma_start3A_213 = tpu.memref_slice %arg6[%dma_start3A_205, %dma_start3A_212] : memref<80x128xi32, #tpu.memory_space<vmem>> -> memref<1x128xi32, #tpu.memory_space<vmem>>
    %dma_start3A_214 = tpu.memref_squeeze %dma_start3A_213 : memref<1x128xi32, #tpu.memory_space<vmem>> -> memref<128xi32, #tpu.memory_space<vmem>>
    %dma_start3A_215 = arith.constant 0 : i32
    %dma_start3A_216 = arith.constant 0 : i32
    %dma_start3A_217 = tpu.memref_slice %arg2[%dma_start3A_215, %dma_start3A_216] : memref<10240x64xf32, #tpu.memory_space<hbm>> -> memref<10240x64xf32, #tpu.memory_space<hbm>>
    tpu.enqueue_indirect_dma source(%dma_start3A_217 : memref<10240x64xf32, #tpu.memory_space<hbm>>) target(%dma_start3A_211 : memref<128x64xf32, #tpu.memory_space<vmem>>) offsets(%dma_start3A_214 : memref<128xi32, #tpu.memory_space<vmem>>) semaphore(%arg10 : memref<!tpu.dma_semaphore, #tpu.memory_space<semaphore_mem>>)
    %dma_start3A_218 = arith.constant 3 : i32
    %dma_start3A_219 = arith.constant 0 : i32
    %dma_start3A_220 = arith.constant 3 : i32
    %dma_start3A_221 = arith.constant 0 : i32
    %dma_start3A_222 = arith.constant 0 : i32
    %dma_start3A_223 = tpu.memref_slice %arg8[%dma_start3A_219, %dma_start3A_220, %dma_start3A_221, %dma_start3A_222] : memref<2x4x128x64xf32, #tpu.memory_space<vmem>> -> memref<1x1x128x64xf32, #tpu.memory_space<vmem>>
    %dma_start3A_224 = tpu.memref_squeeze %dma_start3A_223 : memref<1x1x128x64xf32, #tpu.memory_space<vmem>> -> memref<128x64xf32, #tpu.memory_space<vmem>>
    %dma_start3A_225 = arith.constant 0 : i32
    %dma_start3A_226 = tpu.memref_slice %arg6[%dma_start3A_218, %dma_start3A_225] : memref<80x128xi32, #tpu.memory_space<vmem>> -> memref<1x128xi32, #tpu.memory_space<vmem>>
    %dma_start3A_227 = tpu.memref_squeeze %dma_start3A_226 : memref<1x128xi32, #tpu.memory_space<vmem>> -> memref<128xi32, #tpu.memory_space<vmem>>
    %dma_start3A_228 = arith.constant 0 : i32
    %dma_start3A_229 = arith.constant 0 : i32
    %dma_start3A_230 = tpu.memref_slice %arg2[%dma_start3A_228, %dma_start3A_229] : memref<10240x64xf32, #tpu.memory_space<hbm>> -> memref<10240x64xf32, #tpu.memory_space<hbm>>
    tpu.enqueue_indirect_dma source(%dma_start3A_230 : memref<10240x64xf32, #tpu.memory_space<hbm>>) target(%dma_start3A_224 : memref<128x64xf32, #tpu.memory_space<vmem>>) offsets(%dma_start3A_227 : memref<128xi32, #tpu.memory_space<vmem>>) semaphore(%arg10 : memref<!tpu.dma_semaphore, #tpu.memory_space<semaphore_mem>>)
    %scan3A_231 = arith.constant 0 : i32
    %scan3A_232 = arith.constant 0 : i32
    %scan3A_233 = arith.constant 20 : i32
    %scan3A_234 = arith.addi %scan3A_232, %scan3A_233 : i32
    %scan3A_235 = arith.constant 1 : i32
    scf.for %scan3A_300 = %scan3A_232 to %scan3A_234 step %scan3A_235  : i32 {
      %rem3A_301 = arith.constant 2 : i32
      %rem3A_302 = arith.remsi %scan3A_300, %rem3A_301 : i32
      %sub3A = arith.constant 1 : i32
      %sub3A_303 = arith.subi %sub3A, %rem3A_302 : i32
      %ge3A = arith.constant 1 : i32
      %ge3A_304 = arith.cmpi sge, %scan3A_300, %ge3A : i32
      %convert_element_type3A = arith.extui %ge3A_304 : i1 to i32
      %cond3A = arith.constant 0 : i32
      %cond3A_305 = arith.cmpi ne, %convert_element_type3A, %cond3A : i32
      scf.if %cond3A_305 {
        %dma_wait3A_430 = arith.constant 0 : i32
        %dma_wait3A_431 = arith.constant 0 : i32
        %dma_wait3A_432 = arith.constant 0 : i32
        %dma_wait3A_433 = tpu.memref_slice %arg8[%sub3A_303, %dma_wait3A_430, %dma_wait3A_431, %dma_wait3A_432] : memref<2x4x128x64xf32, #tpu.memory_space<vmem>> -> memref<1x1x128x64xf32, #tpu.memory_space<vmem>>
        %dma_wait3A_434 = tpu.memref_squeeze %dma_wait3A_433 : memref<1x1x128x64xf32, #tpu.memory_space<vmem>> -> memref<128x64xf32, #tpu.memory_space<vmem>>
        %dma_wait3A_435 = arith.constant 0 : i32
        %dma_wait3A_436 = arith.constant 0 : i32
        %dma_wait3A_437 = tpu.memref_slice %arg9[%dma_wait3A_435, %dma_wait3A_436] : memref<10240x64xf32, #tpu.memory_space<vmem_shared>> -> memref<128x64xf32, #tpu.memory_space<vmem_shared>>
        %dma_wait3A_438 = arith.constant 0 : i32
        %dma_wait3A_439 = arith.constant 0 : i32
        %dma_wait3A_440 = tpu.memref_slice %arg9[%dma_wait3A_438, %dma_wait3A_439] : memref<10240x64xf32, #tpu.memory_space<vmem_shared>> -> memref<128x64xf32, #tpu.memory_space<vmem_shared>>
        %dma_wait3A_441 = arith.constant 0 : i32
        %dma_wait3A_442 = arith.constant 0 : i32
        %dma_wait3A_443 = tpu.memref_slice %arg8[%sub3A_303, %dma_wait3A_430, %dma_wait3A_441, %dma_wait3A_442] : memref<2x4x128x64xf32, #tpu.memory_space<vmem>> -> memref<1x1x128x64xf32, #tpu.memory_space<vmem>>
        %dma_wait3A_444 = tpu.memref_squeeze %dma_wait3A_443 : memref<1x1x128x64xf32, #tpu.memory_space<vmem>> -> memref<128x64xf32, #tpu.memory_space<vmem>>
        tpu.wait_dma2 semaphore(%arg11 : memref<!tpu.dma_semaphore, #tpu.memory_space<semaphore_mem>>) src(%dma_wait3A_444 : memref<128x64xf32, #tpu.memory_space<vmem>>) dst(%dma_wait3A_440 : memref<128x64xf32, #tpu.memory_space<vmem_shared>>)
        %dma_wait3A_445 = arith.constant 1 : i32
        %dma_wait3A_446 = arith.constant 0 : i32
        %dma_wait3A_447 = arith.constant 0 : i32
        %dma_wait3A_448 = tpu.memref_slice %arg8[%sub3A_303, %dma_wait3A_445, %dma_wait3A_446, %dma_wait3A_447] : memref<2x4x128x64xf32, #tpu.memory_space<vmem>> -> memref<1x1x128x64xf32, #tpu.memory_space<vmem>>
        %dma_wait3A_449 = tpu.memref_squeeze %dma_wait3A_448 : memref<1x1x128x64xf32, #tpu.memory_space<vmem>> -> memref<128x64xf32, #tpu.memory_space<vmem>>
        %dma_wait3A_450 = arith.constant 0 : i32
        %dma_wait3A_451 = arith.constant 0 : i32
        %dma_wait3A_452 = tpu.memref_slice %arg9[%dma_wait3A_450, %dma_wait3A_451] : memref<10240x64xf32, #tpu.memory_space<vmem_shared>> -> memref<128x64xf32, #tpu.memory_space<vmem_shared>>
        %dma_wait3A_453 = arith.constant 0 : i32
        %dma_wait3A_454 = arith.constant 0 : i32
        %dma_wait3A_455 = tpu.memref_slice %arg9[%dma_wait3A_453, %dma_wait3A_454] : memref<10240x64xf32, #tpu.memory_space<vmem_shared>> -> memref<128x64xf32, #tpu.memory_space<vmem_shared>>
        %dma_wait3A_456 = arith.constant 0 : i32
        %dma_wait3A_457 = arith.constant 0 : i32
        %dma_wait3A_458 = tpu.memref_slice %arg8[%sub3A_303, %dma_wait3A_445, %dma_wait3A_456, %dma_wait3A_457] : memref<2x4x128x64xf32, #tpu.memory_space<vmem>> -> memref<1x1x128x64xf32, #tpu.memory_space<vmem>>
        %dma_wait3A_459 = tpu.memref_squeeze %dma_wait3A_458 : memref<1x1x128x64xf32, #tpu.memory_space<vmem>> -> memref<128x64xf32, #tpu.memory_space<vmem>>
        tpu.wait_dma2 semaphore(%arg11 : memref<!tpu.dma_semaphore, #tpu.memory_space<semaphore_mem>>) src(%dma_wait3A_459 : memref<128x64xf32, #tpu.memory_space<vmem>>) dst(%dma_wait3A_455 : memref<128x64xf32, #tpu.memory_space<vmem_shared>>)
        %dma_wait3A_460 = arith.constant 2 : i32
        %dma_wait3A_461 = arith.constant 0 : i32
        %dma_wait3A_462 = arith.constant 0 : i32
        %dma_wait3A_463 = tpu.memref_slice %arg8[%sub3A_303, %dma_wait3A_460, %dma_wait3A_461, %dma_wait3A_462] : memref<2x4x128x64xf32, #tpu.memory_space<vmem>> -> memref<1x1x128x64xf32, #tpu.memory_space<vmem>>
        %dma_wait3A_464 = tpu.memref_squeeze %dma_wait3A_463 : memref<1x1x128x64xf32, #tpu.memory_space<vmem>> -> memref<128x64xf32, #tpu.memory_space<vmem>>
        %dma_wait3A_465 = arith.constant 0 : i32
        %dma_wait3A_466 = arith.constant 0 : i32
        %dma_wait3A_467 = tpu.memref_slice %arg9[%dma_wait3A_465, %dma_wait3A_466] : memref<10240x64xf32, #tpu.memory_space<vmem_shared>> -> memref<128x64xf32, #tpu.memory_space<vmem_shared>>
        %dma_wait3A_468 = arith.constant 0 : i32
        %dma_wait3A_469 = arith.constant 0 : i32
        %dma_wait3A_470 = tpu.memref_slice %arg9[%dma_wait3A_468, %dma_wait3A_469] : memref<10240x64xf32, #tpu.memory_space<vmem_shared>> -> memref<128x64xf32, #tpu.memory_space<vmem_shared>>
        %dma_wait3A_471 = arith.constant 0 : i32
        %dma_wait3A_472 = arith.constant 0 : i32
        %dma_wait3A_473 = tpu.memref_slice %arg8[%sub3A_303, %dma_wait3A_460, %dma_wait3A_471, %dma_wait3A_472] : memref<2x4x128x64xf32, #tpu.memory_space<vmem>> -> memref<1x1x128x64xf32, #tpu.memory_space<vmem>>
        %dma_wait3A_474 = tpu.memref_squeeze %dma_wait3A_473 : memref<1x1x128x64xf32, #tpu.memory_space<vmem>> -> memref<128x64xf32, #tpu.memory_space<vmem>>
        tpu.wait_dma2 semaphore(%arg11 : memref<!tpu.dma_semaphore, #tpu.memory_space<semaphore_mem>>) src(%dma_wait3A_474 : memref<128x64xf32, #tpu.memory_space<vmem>>) dst(%dma_wait3A_470 : memref<128x64xf32, #tpu.memory_space<vmem_shared>>)
        %dma_wait3A_475 = arith.constant 3 : i32
        %dma_wait3A_476 = arith.constant 0 : i32
        %dma_wait3A_477 = arith.constant 0 : i32
        %dma_wait3A_478 = tpu.memref_slice %arg8[%sub3A_303, %dma_wait3A_475, %dma_wait3A_476, %dma_wait3A_477] : memref<2x4x128x64xf32, #tpu.memory_space<vmem>> -> memref<1x1x128x64xf32, #tpu.memory_space<vmem>>
        %dma_wait3A_479 = tpu.memref_squeeze %dma_wait3A_478 : memref<1x1x128x64xf32, #tpu.memory_space<vmem>> -> memref<128x64xf32, #tpu.memory_space<vmem>>
        %dma_wait3A_480 = arith.constant 0 : i32
        %dma_wait3A_481 = arith.constant 0 : i32
        %dma_wait3A_482 = tpu.memref_slice %arg9[%dma_wait3A_480, %dma_wait3A_481] : memref<10240x64xf32, #tpu.memory_space<vmem_shared>> -> memref<128x64xf32, #tpu.memory_space<vmem_shared>>
        %dma_wait3A_483 = arith.constant 0 : i32
        %dma_wait3A_484 = arith.constant 0 : i32
        %dma_wait3A_485 = tpu.memref_slice %arg9[%dma_wait3A_483, %dma_wait3A_484] : memref<10240x64xf32, #tpu.memory_space<vmem_shared>> -> memref<128x64xf32, #tpu.memory_space<vmem_shared>>
        %dma_wait3A_486 = arith.constant 0 : i32
        %dma_wait3A_487 = arith.constant 0 : i32
        %dma_wait3A_488 = tpu.memref_slice %arg8[%sub3A_303, %dma_wait3A_475, %dma_wait3A_486, %dma_wait3A_487] : memref<2x4x128x64xf32, #tpu.memory_space<vmem>> -> memref<1x1x128x64xf32, #tpu.memory_space<vmem>>
        %dma_wait3A_489 = tpu.memref_squeeze %dma_wait3A_488 : memref<1x1x128x64xf32, #tpu.memory_space<vmem>> -> memref<128x64xf32, #tpu.memory_space<vmem>>
        tpu.wait_dma2 semaphore(%arg11 : memref<!tpu.dma_semaphore, #tpu.memory_space<semaphore_mem>>) src(%dma_wait3A_489 : memref<128x64xf32, #tpu.memory_space<vmem>>) dst(%dma_wait3A_485 : memref<128x64xf32, #tpu.memory_space<vmem_shared>>)
      } else {
      }
      %le3A = arith.constant 18 : i32
      %le3A_306 = arith.cmpi sle, %scan3A_300, %le3A : i32
      %convert_element_type3A_307 = arith.extui %le3A_306 : i1 to i32
      %cond3A_308 = arith.constant 0 : i32
      %cond3A_309 = arith.cmpi ne, %convert_element_type3A_307, %cond3A_308 : i32
      scf.if %cond3A_309 {
        %add3A_430 = arith.constant 1 : i32
        %add3A_431 = arith.addi %scan3A_300, %add3A_430 : i32
        %mul3A_432 = arith.constant 4 : i32
        %mul3A_433 = arith.muli %add3A_431, %mul3A_432 : i32
        %add3A_434 = arith.constant 0 : i32
        %add3A_435 = arith.addi %mul3A_433, %add3A_434 : i32
        %dma_start3A_436 = arith.constant 0 : i32
        %dma_start3A_437 = arith.constant 0 : i32
        %dma_start3A_438 = arith.constant 0 : i32
        %dma_start3A_439 = tpu.memref_slice %arg8[%sub3A_303, %dma_start3A_436, %dma_start3A_437, %dma_start3A_438] : memref<2x4x128x64xf32, #tpu.memory_space<vmem>> -> memref<1x1x128x64xf32, #tpu.memory_space<vmem>>
        %dma_start3A_440 = tpu.memref_squeeze %dma_start3A_439 : memref<1x1x128x64xf32, #tpu.memory_space<vmem>> -> memref<128x64xf32, #tpu.memory_space<vmem>>
        %dma_start3A_441 = arith.constant 0 : i32
        %dma_start3A_442 = tpu.memref_slice %arg6[%add3A_435, %dma_start3A_441] : memref<80x128xi32, #tpu.memory_space<vmem>> -> memref<1x128xi32, #tpu.memory_space<vmem>>
        %dma_start3A_443 = tpu.memref_squeeze %dma_start3A_442 : memref<1x128xi32, #tpu.memory_space<vmem>> -> memref<128xi32, #tpu.memory_space<vmem>>
        %dma_start3A_444 = arith.constant 0 : i32
        %dma_start3A_445 = arith.constant 0 : i32
        %dma_start3A_446 = tpu.memref_slice %arg2[%dma_start3A_444, %dma_start3A_445] : memref<10240x64xf32, #tpu.memory_space<hbm>> -> memref<10240x64xf32, #tpu.memory_space<hbm>>
        tpu.enqueue_indirect_dma source(%dma_start3A_446 : memref<10240x64xf32, #tpu.memory_space<hbm>>) target(%dma_start3A_440 : memref<128x64xf32, #tpu.memory_space<vmem>>) offsets(%dma_start3A_443 : memref<128xi32, #tpu.memory_space<vmem>>) semaphore(%arg10 : memref<!tpu.dma_semaphore, #tpu.memory_space<semaphore_mem>>)
        %mul3A_447 = arith.constant 4 : i32
        %mul3A_448 = arith.muli %add3A_431, %mul3A_447 : i32
        %add3A_449 = arith.constant 1 : i32
        %add3A_450 = arith.addi %mul3A_448, %add3A_449 : i32
        %dma_start3A_451 = arith.constant 1 : i32
        %dma_start3A_452 = arith.constant 0 : i32
        %dma_start3A_453 = arith.constant 0 : i32
        %dma_start3A_454 = tpu.memref_slice %arg8[%sub3A_303, %dma_start3A_451, %dma_start3A_452, %dma_start3A_453] : memref<2x4x128x64xf32, #tpu.memory_space<vmem>> -> memref<1x1x128x64xf32, #tpu.memory_space<vmem>>
        %dma_start3A_455 = tpu.memref_squeeze %dma_start3A_454 : memref<1x1x128x64xf32, #tpu.memory_space<vmem>> -> memref<128x64xf32, #tpu.memory_space<vmem>>
        %dma_start3A_456 = arith.constant 0 : i32
        %dma_start3A_457 = tpu.memref_slice %arg6[%add3A_450, %dma_start3A_456] : memref<80x128xi32, #tpu.memory_space<vmem>> -> memref<1x128xi32, #tpu.memory_space<vmem>>
        %dma_start3A_458 = tpu.memref_squeeze %dma_start3A_457 : memref<1x128xi32, #tpu.memory_space<vmem>> -> memref<128xi32, #tpu.memory_space<vmem>>
        %dma_start3A_459 = arith.constant 0 : i32
        %dma_start3A_460 = arith.constant 0 : i32
        %dma_start3A_461 = tpu.memref_slice %arg2[%dma_start3A_459, %dma_start3A_460] : memref<10240x64xf32, #tpu.memory_space<hbm>> -> memref<10240x64xf32, #tpu.memory_space<hbm>>
        tpu.enqueue_indirect_dma source(%dma_start3A_461 : memref<10240x64xf32, #tpu.memory_space<hbm>>) target(%dma_start3A_455 : memref<128x64xf32, #tpu.memory_space<vmem>>) offsets(%dma_start3A_458 : memref<128xi32, #tpu.memory_space<vmem>>) semaphore(%arg10 : memref<!tpu.dma_semaphore, #tpu.memory_space<semaphore_mem>>)
        %mul3A_462 = arith.constant 4 : i32
        %mul3A_463 = arith.muli %add3A_431, %mul3A_462 : i32
        %add3A_464 = arith.constant 2 : i32
        %add3A_465 = arith.addi %mul3A_463, %add3A_464 : i32
        %dma_start3A_466 = arith.constant 2 : i32
        %dma_start3A_467 = arith.constant 0 : i32
        %dma_start3A_468 = arith.constant 0 : i32
        %dma_start3A_469 = tpu.memref_slice %arg8[%sub3A_303, %dma_start3A_466, %dma_start3A_467, %dma_start3A_468] : memref<2x4x128x64xf32, #tpu.memory_space<vmem>> -> memref<1x1x128x64xf32, #tpu.memory_space<vmem>>
        %dma_start3A_470 = tpu.memref_squeeze %dma_start3A_469 : memref<1x1x128x64xf32, #tpu.memory_space<vmem>> -> memref<128x64xf32, #tpu.memory_space<vmem>>
        %dma_start3A_471 = arith.constant 0 : i32
        %dma_start3A_472 = tpu.memref_slice %arg6[%add3A_465, %dma_start3A_471] : memref<80x128xi32, #tpu.memory_space<vmem>> -> memref<1x128xi32, #tpu.memory_space<vmem>>
        %dma_start3A_473 = tpu.memref_squeeze %dma_start3A_472 : memref<1x128xi32, #tpu.memory_space<vmem>> -> memref<128xi32, #tpu.memory_space<vmem>>
        %dma_start3A_474 = arith.constant 0 : i32
        %dma_start3A_475 = arith.constant 0 : i32
        %dma_start3A_476 = tpu.memref_slice %arg2[%dma_start3A_474, %dma_start3A_475] : memref<10240x64xf32, #tpu.memory_space<hbm>> -> memref<10240x64xf32, #tpu.memory_space<hbm>>
        tpu.enqueue_indirect_dma source(%dma_start3A_476 : memref<10240x64xf32, #tpu.memory_space<hbm>>) target(%dma_start3A_470 : memref<128x64xf32, #tpu.memory_space<vmem>>) offsets(%dma_start3A_473 : memref<128xi32, #tpu.memory_space<vmem>>) semaphore(%arg10 : memref<!tpu.dma_semaphore, #tpu.memory_space<semaphore_mem>>)
        %mul3A_477 = arith.constant 4 : i32
        %mul3A_478 = arith.muli %add3A_431, %mul3A_477 : i32
        %add3A_479 = arith.constant 3 : i32
        %add3A_480 = arith.addi %mul3A_478, %add3A_479 : i32
        %dma_start3A_481 = arith.constant 3 : i32
        %dma_start3A_482 = arith.constant 0 : i32
        %dma_start3A_483 = arith.constant 0 : i32
        %dma_start3A_484 = tpu.memref_slice %arg8[%sub3A_303, %dma_start3A_481, %dma_start3A_482, %dma_start3A_483] : memref<2x4x128x64xf32, #tpu.memory_space<vmem>> -> memref<1x1x128x64xf32, #tpu.memory_space<vmem>>
        %dma_start3A_485 = tpu.memref_squeeze %dma_start3A_484 : memref<1x1x128x64xf32, #tpu.memory_space<vmem>> -> memref<128x64xf32, #tpu.memory_space<vmem>>
        %dma_start3A_486 = arith.constant 0 : i32
        %dma_start3A_487 = tpu.memref_slice %arg6[%add3A_480, %dma_start3A_486] : memref<80x128xi32, #tpu.memory_space<vmem>> -> memref<1x128xi32, #tpu.memory_space<vmem>>
        %dma_start3A_488 = tpu.memref_squeeze %dma_start3A_487 : memref<1x128xi32, #tpu.memory_space<vmem>> -> memref<128xi32, #tpu.memory_space<vmem>>
        %dma_start3A_489 = arith.constant 0 : i32
        %dma_start3A_490 = arith.constant 0 : i32
        %dma_start3A_491 = tpu.memref_slice %arg2[%dma_start3A_489, %dma_start3A_490] : memref<10240x64xf32, #tpu.memory_space<hbm>> -> memref<10240x64xf32, #tpu.memory_space<hbm>>
        tpu.enqueue_indirect_dma source(%dma_start3A_491 : memref<10240x64xf32, #tpu.memory_space<hbm>>) target(%dma_start3A_485 : memref<128x64xf32, #tpu.memory_space<vmem>>) offsets(%dma_start3A_488 : memref<128xi32, #tpu.memory_space<vmem>>) semaphore(%arg10 : memref<!tpu.dma_semaphore, #tpu.memory_space<semaphore_mem>>)
      } else {
      }
      %dma_wait3A_310 = arith.constant 0 : i32
      %dma_wait3A_311 = arith.constant 0 : i32
      %dma_wait3A_312 = arith.constant 0 : i32
      %dma_wait3A_313 = tpu.memref_slice %arg8[%rem3A_302, %dma_wait3A_310, %dma_wait3A_311, %dma_wait3A_312] : memref<2x4x128x64xf32, #tpu.memory_space<vmem>> -> memref<1x1x128x64xf32, #tpu.memory_space<vmem>>
      %dma_wait3A_314 = tpu.memref_squeeze %dma_wait3A_313 : memref<1x1x128x64xf32, #tpu.memory_space<vmem>> -> memref<128x64xf32, #tpu.memory_space<vmem>>
      %dma_wait3A_315 = arith.constant 0 : i32
      %dma_wait3A_316 = arith.constant 0 : i32
      %dma_wait3A_317 = tpu.memref_slice %arg2[%dma_wait3A_315, %dma_wait3A_316] : memref<10240x64xf32, #tpu.memory_space<hbm>> -> memref<128x64xf32, #tpu.memory_space<hbm>>
      %dma_wait3A_318 = arith.constant 0 : i32
      %dma_wait3A_319 = arith.constant 0 : i32
      %dma_wait3A_320 = tpu.memref_slice %arg8[%rem3A_302, %dma_wait3A_310, %dma_wait3A_318, %dma_wait3A_319] : memref<2x4x128x64xf32, #tpu.memory_space<vmem>> -> memref<1x1x128x64xf32, #tpu.memory_space<vmem>>
      %dma_wait3A_321 = tpu.memref_squeeze %dma_wait3A_320 : memref<1x1x128x64xf32, #tpu.memory_space<vmem>> -> memref<128x64xf32, #tpu.memory_space<vmem>>
      %dma_wait3A_322 = arith.constant 0 : i32
      %dma_wait3A_323 = arith.constant 0 : i32
      %dma_wait3A_324 = tpu.memref_slice %arg2[%dma_wait3A_322, %dma_wait3A_323] : memref<10240x64xf32, #tpu.memory_space<hbm>> -> memref<128x64xf32, #tpu.memory_space<hbm>>
      tpu.wait_dma2 semaphore(%arg10 : memref<!tpu.dma_semaphore, #tpu.memory_space<semaphore_mem>>) src(%dma_wait3A_324 : memref<128x64xf32, #tpu.memory_space<hbm>>) dst(%dma_wait3A_321 : memref<128x64xf32, #tpu.memory_space<vmem>>)
      %dma_wait3A_325 = arith.constant 1 : i32
      %dma_wait3A_326 = arith.constant 0 : i32
      %dma_wait3A_327 = arith.constant 0 : i32
      %dma_wait3A_328 = tpu.memref_slice %arg8[%rem3A_302, %dma_wait3A_325, %dma_wait3A_326, %dma_wait3A_327] : memref<2x4x128x64xf32, #tpu.memory_space<vmem>> -> memref<1x1x128x64xf32, #tpu.memory_space<vmem>>
      %dma_wait3A_329 = tpu.memref_squeeze %dma_wait3A_328 : memref<1x1x128x64xf32, #tpu.memory_space<vmem>> -> memref<128x64xf32, #tpu.memory_space<vmem>>
      %dma_wait3A_330 = arith.constant 0 : i32
      %dma_wait3A_331 = arith.constant 0 : i32
      %dma_wait3A_332 = tpu.memref_slice %arg2[%dma_wait3A_330, %dma_wait3A_331] : memref<10240x64xf32, #tpu.memory_space<hbm>> -> memref<128x64xf32, #tpu.memory_space<hbm>>
      %dma_wait3A_333 = arith.constant 0 : i32
      %dma_wait3A_334 = arith.constant 0 : i32
      %dma_wait3A_335 = tpu.memref_slice %arg8[%rem3A_302, %dma_wait3A_325, %dma_wait3A_333, %dma_wait3A_334] : memref<2x4x128x64xf32, #tpu.memory_space<vmem>> -> memref<1x1x128x64xf32, #tpu.memory_space<vmem>>
      %dma_wait3A_336 = tpu.memref_squeeze %dma_wait3A_335 : memref<1x1x128x64xf32, #tpu.memory_space<vmem>> -> memref<128x64xf32, #tpu.memory_space<vmem>>
      %dma_wait3A_337 = arith.constant 0 : i32
      %dma_wait3A_338 = arith.constant 0 : i32
      %dma_wait3A_339 = tpu.memref_slice %arg2[%dma_wait3A_337, %dma_wait3A_338] : memref<10240x64xf32, #tpu.memory_space<hbm>> -> memref<128x64xf32, #tpu.memory_space<hbm>>
      tpu.wait_dma2 semaphore(%arg10 : memref<!tpu.dma_semaphore, #tpu.memory_space<semaphore_mem>>) src(%dma_wait3A_339 : memref<128x64xf32, #tpu.memory_space<hbm>>) dst(%dma_wait3A_336 : memref<128x64xf32, #tpu.memory_space<vmem>>)
      %dma_wait3A_340 = arith.constant 2 : i32
      %dma_wait3A_341 = arith.constant 0 : i32
      %dma_wait3A_342 = arith.constant 0 : i32
      %dma_wait3A_343 = tpu.memref_slice %arg8[%rem3A_302, %dma_wait3A_340, %dma_wait3A_341, %dma_wait3A_342] : memref<2x4x128x64xf32, #tpu.memory_space<vmem>> -> memref<1x1x128x64xf32, #tpu.memory_space<vmem>>
      %dma_wait3A_344 = tpu.memref_squeeze %dma_wait3A_343 : memref<1x1x128x64xf32, #tpu.memory_space<vmem>> -> memref<128x64xf32, #tpu.memory_space<vmem>>
      %dma_wait3A_345 = arith.constant 0 : i32
      %dma_wait3A_346 = arith.constant 0 : i32
      %dma_wait3A_347 = tpu.memref_slice %arg2[%dma_wait3A_345, %dma_wait3A_346] : memref<10240x64xf32, #tpu.memory_space<hbm>> -> memref<128x64xf32, #tpu.memory_space<hbm>>
      %dma_wait3A_348 = arith.constant 0 : i32
      %dma_wait3A_349 = arith.constant 0 : i32
      %dma_wait3A_350 = tpu.memref_slice %arg8[%rem3A_302, %dma_wait3A_340, %dma_wait3A_348, %dma_wait3A_349] : memref<2x4x128x64xf32, #tpu.memory_space<vmem>> -> memref<1x1x128x64xf32, #tpu.memory_space<vmem>>
      %dma_wait3A_351 = tpu.memref_squeeze %dma_wait3A_350 : memref<1x1x128x64xf32, #tpu.memory_space<vmem>> -> memref<128x64xf32, #tpu.memory_space<vmem>>
      %dma_wait3A_352 = arith.constant 0 : i32
      %dma_wait3A_353 = arith.constant 0 : i32
      %dma_wait3A_354 = tpu.memref_slice %arg2[%dma_wait3A_352, %dma_wait3A_353] : memref<10240x64xf32, #tpu.memory_space<hbm>> -> memref<128x64xf32, #tpu.memory_space<hbm>>
      tpu.wait_dma2 semaphore(%arg10 : memref<!tpu.dma_semaphore, #tpu.memory_space<semaphore_mem>>) src(%dma_wait3A_354 : memref<128x64xf32, #tpu.memory_space<hbm>>) dst(%dma_wait3A_351 : memref<128x64xf32, #tpu.memory_space<vmem>>)
      %dma_wait3A_355 = arith.constant 3 : i32
      %dma_wait3A_356 = arith.constant 0 : i32
      %dma_wait3A_357 = arith.constant 0 : i32
      %dma_wait3A_358 = tpu.memref_slice %arg8[%rem3A_302, %dma_wait3A_355, %dma_wait3A_356, %dma_wait3A_357] : memref<2x4x128x64xf32, #tpu.memory_space<vmem>> -> memref<1x1x128x64xf32, #tpu.memory_space<vmem>>
      %dma_wait3A_359 = tpu.memref_squeeze %dma_wait3A_358 : memref<1x1x128x64xf32, #tpu.memory_space<vmem>> -> memref<128x64xf32, #tpu.memory_space<vmem>>
      %dma_wait3A_360 = arith.constant 0 : i32
      %dma_wait3A_361 = arith.constant 0 : i32
      %dma_wait3A_362 = tpu.memref_slice %arg2[%dma_wait3A_360, %dma_wait3A_361] : memref<10240x64xf32, #tpu.memory_space<hbm>> -> memref<128x64xf32, #tpu.memory_space<hbm>>
      %dma_wait3A_363 = arith.constant 0 : i32
      %dma_wait3A_364 = arith.constant 0 : i32
      %dma_wait3A_365 = tpu.memref_slice %arg8[%rem3A_302, %dma_wait3A_355, %dma_wait3A_363, %dma_wait3A_364] : memref<2x4x128x64xf32, #tpu.memory_space<vmem>> -> memref<1x1x128x64xf32, #tpu.memory_space<vmem>>
      %dma_wait3A_366 = tpu.memref_squeeze %dma_wait3A_365 : memref<1x1x128x64xf32, #tpu.memory_space<vmem>> -> memref<128x64xf32, #tpu.memory_space<vmem>>
      %dma_wait3A_367 = arith.constant 0 : i32
      %dma_wait3A_368 = arith.constant 0 : i32
      %dma_wait3A_369 = tpu.memref_slice %arg2[%dma_wait3A_367, %dma_wait3A_368] : memref<10240x64xf32, #tpu.memory_space<hbm>> -> memref<128x64xf32, #tpu.memory_space<hbm>>
      tpu.wait_dma2 semaphore(%arg10 : memref<!tpu.dma_semaphore, #tpu.memory_space<semaphore_mem>>) src(%dma_wait3A_369 : memref<128x64xf32, #tpu.memory_space<hbm>>) dst(%dma_wait3A_366 : memref<128x64xf32, #tpu.memory_space<vmem>>)
      %mul3A_370 = arith.constant 4 : i32
      %mul3A_371 = arith.muli %scan3A_300, %mul3A_370 : i32
      %add3A_372 = arith.constant 0 : i32
      %add3A_373 = arith.addi %mul3A_371, %add3A_372 : i32
      %dma_start3A_374 = arith.constant 0 : i32
      %dma_start3A_375 = arith.constant 0 : i32
      %dma_start3A_376 = arith.constant 0 : i32
      %dma_start3A_377 = tpu.memref_slice %arg8[%rem3A_302, %dma_start3A_374, %dma_start3A_375, %dma_start3A_376] : memref<2x4x128x64xf32, #tpu.memory_space<vmem>> -> memref<1x1x128x64xf32, #tpu.memory_space<vmem>>
      %dma_start3A_378 = tpu.memref_squeeze %dma_start3A_377 : memref<1x1x128x64xf32, #tpu.memory_space<vmem>> -> memref<128x64xf32, #tpu.memory_space<vmem>>
      %dma_start3A_379 = arith.constant 0 : i32
      %dma_start3A_380 = tpu.memref_slice %arg7[%add3A_373, %dma_start3A_379] : memref<80x128xi32, #tpu.memory_space<vmem>> -> memref<1x128xi32, #tpu.memory_space<vmem>>
      %dma_start3A_381 = tpu.memref_squeeze %dma_start3A_380 : memref<1x128xi32, #tpu.memory_space<vmem>> -> memref<128xi32, #tpu.memory_space<vmem>>
      %dma_start3A_382 = arith.constant 0 : i32
      %dma_start3A_383 = arith.constant 0 : i32
      %dma_start3A_384 = tpu.memref_slice %arg9[%dma_start3A_382, %dma_start3A_383] : memref<10240x64xf32, #tpu.memory_space<vmem_shared>> -> memref<10240x64xf32, #tpu.memory_space<vmem_shared>>
      tpu.enqueue_indirect_dma source(%dma_start3A_378 : memref<128x64xf32, #tpu.memory_space<vmem>>) target(%dma_start3A_384 : memref<10240x64xf32, #tpu.memory_space<vmem_shared>>) offsets(%dma_start3A_381 : memref<128xi32, #tpu.memory_space<vmem>>) semaphore(%arg11 : memref<!tpu.dma_semaphore, #tpu.memory_space<semaphore_mem>>) {add = true}
      %mul3A_385 = arith.constant 4 : i32
      %mul3A_386 = arith.muli %scan3A_300, %mul3A_385 : i32
      %add3A_387 = arith.constant 1 : i32
      %add3A_388 = arith.addi %mul3A_386, %add3A_387 : i32
      %dma_start3A_389 = arith.constant 1 : i32
      %dma_start3A_390 = arith.constant 0 : i32
      %dma_start3A_391 = arith.constant 0 : i32
      %dma_start3A_392 = tpu.memref_slice %arg8[%rem3A_302, %dma_start3A_389, %dma_start3A_390, %dma_start3A_391] : memref<2x4x128x64xf32, #tpu.memory_space<vmem>> -> memref<1x1x128x64xf32, #tpu.memory_space<vmem>>
      %dma_start3A_393 = tpu.memref_squeeze %dma_start3A_392 : memref<1x1x128x64xf32, #tpu.memory_space<vmem>> -> memref<128x64xf32, #tpu.memory_space<vmem>>
      %dma_start3A_394 = arith.constant 0 : i32
      %dma_start3A_395 = tpu.memref_slice %arg7[%add3A_388, %dma_start3A_394] : memref<80x128xi32, #tpu.memory_space<vmem>> -> memref<1x128xi32, #tpu.memory_space<vmem>>
      %dma_start3A_396 = tpu.memref_squeeze %dma_start3A_395 : memref<1x128xi32, #tpu.memory_space<vmem>> -> memref<128xi32, #tpu.memory_space<vmem>>
      %dma_start3A_397 = arith.constant 0 : i32
      %dma_start3A_398 = arith.constant 0 : i32
      %dma_start3A_399 = tpu.memref_slice %arg9[%dma_start3A_397, %dma_start3A_398] : memref<10240x64xf32, #tpu.memory_space<vmem_shared>> -> memref<10240x64xf32, #tpu.memory_space<vmem_shared>>
      tpu.enqueue_indirect_dma source(%dma_start3A_393 : memref<128x64xf32, #tpu.memory_space<vmem>>) target(%dma_start3A_399 : memref<10240x64xf32, #tpu.memory_space<vmem_shared>>) offsets(%dma_start3A_396 : memref<128xi32, #tpu.memory_space<vmem>>) semaphore(%arg11 : memref<!tpu.dma_semaphore, #tpu.memory_space<semaphore_mem>>) {add = true}
      %mul3A_400 = arith.constant 4 : i32
      %mul3A_401 = arith.muli %scan3A_300, %mul3A_400 : i32
      %add3A_402 = arith.constant 2 : i32
      %add3A_403 = arith.addi %mul3A_401, %add3A_402 : i32
      %dma_start3A_404 = arith.constant 2 : i32
      %dma_start3A_405 = arith.constant 0 : i32
      %dma_start3A_406 = arith.constant 0 : i32
      %dma_start3A_407 = tpu.memref_slice %arg8[%rem3A_302, %dma_start3A_404, %dma_start3A_405, %dma_start3A_406] : memref<2x4x128x64xf32, #tpu.memory_space<vmem>> -> memref<1x1x128x64xf32, #tpu.memory_space<vmem>>
      %dma_start3A_408 = tpu.memref_squeeze %dma_start3A_407 : memref<1x1x128x64xf32, #tpu.memory_space<vmem>> -> memref<128x64xf32, #tpu.memory_space<vmem>>
      %dma_start3A_409 = arith.constant 0 : i32
      %dma_start3A_410 = tpu.memref_slice %arg7[%add3A_403, %dma_start3A_409] : memref<80x128xi32, #tpu.memory_space<vmem>> -> memref<1x128xi32, #tpu.memory_space<vmem>>
      %dma_start3A_411 = tpu.memref_squeeze %dma_start3A_410 : memref<1x128xi32, #tpu.memory_space<vmem>> -> memref<128xi32, #tpu.memory_space<vmem>>
      %dma_start3A_412 = arith.constant 0 : i32
      %dma_start3A_413 = arith.constant 0 : i32
      %dma_start3A_414 = tpu.memref_slice %arg9[%dma_start3A_412, %dma_start3A_413] : memref<10240x64xf32, #tpu.memory_space<vmem_shared>> -> memref<10240x64xf32, #tpu.memory_space<vmem_shared>>
      tpu.enqueue_indirect_dma source(%dma_start3A_408 : memref<128x64xf32, #tpu.memory_space<vmem>>) target(%dma_start3A_414 : memref<10240x64xf32, #tpu.memory_space<vmem_shared>>) offsets(%dma_start3A_411 : memref<128xi32, #tpu.memory_space<vmem>>) semaphore(%arg11 : memref<!tpu.dma_semaphore, #tpu.memory_space<semaphore_mem>>) {add = true}
      %mul3A_415 = arith.constant 4 : i32
      %mul3A_416 = arith.muli %scan3A_300, %mul3A_415 : i32
      %add3A_417 = arith.constant 3 : i32
      %add3A_418 = arith.addi %mul3A_416, %add3A_417 : i32
      %dma_start3A_419 = arith.constant 3 : i32
      %dma_start3A_420 = arith.constant 0 : i32
      %dma_start3A_421 = arith.constant 0 : i32
      %dma_start3A_422 = tpu.memref_slice %arg8[%rem3A_302, %dma_start3A_419, %dma_start3A_420, %dma_start3A_421] : memref<2x4x128x64xf32, #tpu.memory_space<vmem>> -> memref<1x1x128x64xf32, #tpu.memory_space<vmem>>
      %dma_start3A_423 = tpu.memref_squeeze %dma_start3A_422 : memref<1x1x128x64xf32, #tpu.memory_space<vmem>> -> memref<128x64xf32, #tpu.memory_space<vmem>>
      %dma_start3A_424 = arith.constant 0 : i32
      %dma_start3A_425 = tpu.memref_slice %arg7[%add3A_418, %dma_start3A_424] : memref<80x128xi32, #tpu.memory_space<vmem>> -> memref<1x128xi32, #tpu.memory_space<vmem>>
      %dma_start3A_426 = tpu.memref_squeeze %dma_start3A_425 : memref<1x128xi32, #tpu.memory_space<vmem>> -> memref<128xi32, #tpu.memory_space<vmem>>
      %dma_start3A_427 = arith.constant 0 : i32
      %dma_start3A_428 = arith.constant 0 : i32
      %dma_start3A_429 = tpu.memref_slice %arg9[%dma_start3A_427, %dma_start3A_428] : memref<10240x64xf32, #tpu.memory_space<vmem_shared>> -> memref<10240x64xf32, #tpu.memory_space<vmem_shared>>
      tpu.enqueue_indirect_dma source(%dma_start3A_423 : memref<128x64xf32, #tpu.memory_space<vmem>>) target(%dma_start3A_429 : memref<10240x64xf32, #tpu.memory_space<vmem_shared>>) offsets(%dma_start3A_426 : memref<128xi32, #tpu.memory_space<vmem>>) semaphore(%arg11 : memref<!tpu.dma_semaphore, #tpu.memory_space<semaphore_mem>>) {add = true}
    }
    %scan3A_236 = arith.constant 20 : i32
    %rem3A = arith.constant 19 : i32
    %rem3A_237 = arith.constant 2 : i32
    %rem3A_238 = arith.remsi %rem3A, %rem3A_237 : i32
    %dma_wait3A_239 = arith.constant 0 : i32
    %dma_wait3A_240 = arith.constant 0 : i32
    %dma_wait3A_241 = arith.constant 0 : i32
    %dma_wait3A_242 = tpu.memref_slice %arg8[%rem3A_238, %dma_wait3A_239, %dma_wait3A_240, %dma_wait3A_241] : memref<2x4x128x64xf32, #tpu.memory_space<vmem>> -> memref<1x1x128x64xf32, #tpu.memory_space<vmem>>
    %dma_wait3A_243 = tpu.memref_squeeze %dma_wait3A_242 : memref<1x1x128x64xf32, #tpu.memory_space<vmem>> -> memref<128x64xf32, #tpu.memory_space<vmem>>
    %dma_wait3A_244 = arith.constant 0 : i32
    %dma_wait3A_245 = arith.constant 0 : i32
    %dma_wait3A_246 = tpu.memref_slice %arg9[%dma_wait3A_244, %dma_wait3A_245] : memref<10240x64xf32, #tpu.memory_space<vmem_shared>> -> memref<128x64xf32, #tpu.memory_space<vmem_shared>>
    %dma_wait3A_247 = arith.constant 0 : i32
    %dma_wait3A_248 = arith.constant 0 : i32
    %dma_wait3A_249 = tpu.memref_slice %arg9[%dma_wait3A_247, %dma_wait3A_248] : memref<10240x64xf32, #tpu.memory_space<vmem_shared>> -> memref<128x64xf32, #tpu.memory_space<vmem_shared>>
    %dma_wait3A_250 = arith.constant 0 : i32
    %dma_wait3A_251 = arith.constant 0 : i32
    %dma_wait3A_252 = tpu.memref_slice %arg8[%rem3A_238, %dma_wait3A_239, %dma_wait3A_250, %dma_wait3A_251] : memref<2x4x128x64xf32, #tpu.memory_space<vmem>> -> memref<1x1x128x64xf32, #tpu.memory_space<vmem>>
    %dma_wait3A_253 = tpu.memref_squeeze %dma_wait3A_252 : memref<1x1x128x64xf32, #tpu.memory_space<vmem>> -> memref<128x64xf32, #tpu.memory_space<vmem>>
    tpu.wait_dma2 semaphore(%arg11 : memref<!tpu.dma_semaphore, #tpu.memory_space<semaphore_mem>>) src(%dma_wait3A_253 : memref<128x64xf32, #tpu.memory_space<vmem>>) dst(%dma_wait3A_249 : memref<128x64xf32, #tpu.memory_space<vmem_shared>>)
    %dma_wait3A_254 = arith.constant 1 : i32
    %dma_wait3A_255 = arith.constant 0 : i32
    %dma_wait3A_256 = arith.constant 0 : i32
    %dma_wait3A_257 = tpu.memref_slice %arg8[%rem3A_238, %dma_wait3A_254, %dma_wait3A_255, %dma_wait3A_256] : memref<2x4x128x64xf32, #tpu.memory_space<vmem>> -> memref<1x1x128x64xf32, #tpu.memory_space<vmem>>
    %dma_wait3A_258 = tpu.memref_squeeze %dma_wait3A_257 : memref<1x1x128x64xf32, #tpu.memory_space<vmem>> -> memref<128x64xf32, #tpu.memory_space<vmem>>
    %dma_wait3A_259 = arith.constant 0 : i32
    %dma_wait3A_260 = arith.constant 0 : i32
    %dma_wait3A_261 = tpu.memref_slice %arg9[%dma_wait3A_259, %dma_wait3A_260] : memref<10240x64xf32, #tpu.memory_space<vmem_shared>> -> memref<128x64xf32, #tpu.memory_space<vmem_shared>>
    %dma_wait3A_262 = arith.constant 0 : i32
    %dma_wait3A_263 = arith.constant 0 : i32
    %dma_wait3A_264 = tpu.memref_slice %arg9[%dma_wait3A_262, %dma_wait3A_263] : memref<10240x64xf32, #tpu.memory_space<vmem_shared>> -> memref<128x64xf32, #tpu.memory_space<vmem_shared>>
    %dma_wait3A_265 = arith.constant 0 : i32
    %dma_wait3A_266 = arith.constant 0 : i32
    %dma_wait3A_267 = tpu.memref_slice %arg8[%rem3A_238, %dma_wait3A_254, %dma_wait3A_265, %dma_wait3A_266] : memref<2x4x128x64xf32, #tpu.memory_space<vmem>> -> memref<1x1x128x64xf32, #tpu.memory_space<vmem>>
    %dma_wait3A_268 = tpu.memref_squeeze %dma_wait3A_267 : memref<1x1x128x64xf32, #tpu.memory_space<vmem>> -> memref<128x64xf32, #tpu.memory_space<vmem>>
    tpu.wait_dma2 semaphore(%arg11 : memref<!tpu.dma_semaphore, #tpu.memory_space<semaphore_mem>>) src(%dma_wait3A_268 : memref<128x64xf32, #tpu.memory_space<vmem>>) dst(%dma_wait3A_264 : memref<128x64xf32, #tpu.memory_space<vmem_shared>>)
    %dma_wait3A_269 = arith.constant 2 : i32
    %dma_wait3A_270 = arith.constant 0 : i32
    %dma_wait3A_271 = arith.constant 0 : i32
    %dma_wait3A_272 = tpu.memref_slice %arg8[%rem3A_238, %dma_wait3A_269, %dma_wait3A_270, %dma_wait3A_271] : memref<2x4x128x64xf32, #tpu.memory_space<vmem>> -> memref<1x1x128x64xf32, #tpu.memory_space<vmem>>
    %dma_wait3A_273 = tpu.memref_squeeze %dma_wait3A_272 : memref<1x1x128x64xf32, #tpu.memory_space<vmem>> -> memref<128x64xf32, #tpu.memory_space<vmem>>
    %dma_wait3A_274 = arith.constant 0 : i32
    %dma_wait3A_275 = arith.constant 0 : i32
    %dma_wait3A_276 = tpu.memref_slice %arg9[%dma_wait3A_274, %dma_wait3A_275] : memref<10240x64xf32, #tpu.memory_space<vmem_shared>> -> memref<128x64xf32, #tpu.memory_space<vmem_shared>>
    %dma_wait3A_277 = arith.constant 0 : i32
    %dma_wait3A_278 = arith.constant 0 : i32
    %dma_wait3A_279 = tpu.memref_slice %arg9[%dma_wait3A_277, %dma_wait3A_278] : memref<10240x64xf32, #tpu.memory_space<vmem_shared>> -> memref<128x64xf32, #tpu.memory_space<vmem_shared>>
    %dma_wait3A_280 = arith.constant 0 : i32
    %dma_wait3A_281 = arith.constant 0 : i32
    %dma_wait3A_282 = tpu.memref_slice %arg8[%rem3A_238, %dma_wait3A_269, %dma_wait3A_280, %dma_wait3A_281] : memref<2x4x128x64xf32, #tpu.memory_space<vmem>> -> memref<1x1x128x64xf32, #tpu.memory_space<vmem>>
    %dma_wait3A_283 = tpu.memref_squeeze %dma_wait3A_282 : memref<1x1x128x64xf32, #tpu.memory_space<vmem>> -> memref<128x64xf32, #tpu.memory_space<vmem>>
    tpu.wait_dma2 semaphore(%arg11 : memref<!tpu.dma_semaphore, #tpu.memory_space<semaphore_mem>>) src(%dma_wait3A_283 : memref<128x64xf32, #tpu.memory_space<vmem>>) dst(%dma_wait3A_279 : memref<128x64xf32, #tpu.memory_space<vmem_shared>>)
    %dma_wait3A_284 = arith.constant 3 : i32
    %dma_wait3A_285 = arith.constant 0 : i32
    %dma_wait3A_286 = arith.constant 0 : i32
    %dma_wait3A_287 = tpu.memref_slice %arg8[%rem3A_238, %dma_wait3A_284, %dma_wait3A_285, %dma_wait3A_286] : memref<2x4x128x64xf32, #tpu.memory_space<vmem>> -> memref<1x1x128x64xf32, #tpu.memory_space<vmem>>
    %dma_wait3A_288 = tpu.memref_squeeze %dma_wait3A_287 : memref<1x1x128x64xf32, #tpu.memory_space<vmem>> -> memref<128x64xf32, #tpu.memory_space<vmem>>
    %dma_wait3A_289 = arith.constant 0 : i32
    %dma_wait3A_290 = arith.constant 0 : i32
    %dma_wait3A_291 = tpu.memref_slice %arg9[%dma_wait3A_289, %dma_wait3A_290] : memref<10240x64xf32, #tpu.memory_space<vmem_shared>> -> memref<128x64xf32, #tpu.memory_space<vmem_shared>>
    %dma_wait3A_292 = arith.constant 0 : i32
    %dma_wait3A_293 = arith.constant 0 : i32
    %dma_wait3A_294 = tpu.memref_slice %arg9[%dma_wait3A_292, %dma_wait3A_293] : memref<10240x64xf32, #tpu.memory_space<vmem_shared>> -> memref<128x64xf32, #tpu.memory_space<vmem_shared>>
    %dma_wait3A_295 = arith.constant 0 : i32
    %dma_wait3A_296 = arith.constant 0 : i32
    %dma_wait3A_297 = tpu.memref_slice %arg8[%rem3A_238, %dma_wait3A_284, %dma_wait3A_295, %dma_wait3A_296] : memref<2x4x128x64xf32, #tpu.memory_space<vmem>> -> memref<1x1x128x64xf32, #tpu.memory_space<vmem>>
    %dma_wait3A_298 = tpu.memref_squeeze %dma_wait3A_297 : memref<1x1x128x64xf32, #tpu.memory_space<vmem>> -> memref<128x64xf32, #tpu.memory_space<vmem>>
    tpu.wait_dma2 semaphore(%arg11 : memref<!tpu.dma_semaphore, #tpu.memory_space<semaphore_mem>>) src(%dma_wait3A_298 : memref<128x64xf32, #tpu.memory_space<vmem>>) dst(%dma_wait3A_294 : memref<128x64xf32, #tpu.memory_space<vmem_shared>>)
    %barrier3A_299 = arith.constant 0 : index
    tpu.barrier barrier_id(%barrier3A_299)
    "tpu.region"() ({
      %run_scoped3A = tpu.sem_alloc : memref<!tpu.dma_semaphore, #tpu.memory_space<semaphore_mem>>
      %dma_start3A_300 = arith.constant 0 : i32
      %dma_start3A_301 = tpu.memref_slice %arg5[%arg0, %mul3A_21, %dma_start3A_300] : memref<2x10240x64xf32, #tpu.memory_space<hbm>> -> memref<1x640x64xf32, #tpu.memory_space<hbm>>
      %dma_start3A_302 = tpu.memref_squeeze %dma_start3A_301 : memref<1x640x64xf32, #tpu.memory_space<hbm>> -> memref<640x64xf32, #tpu.memory_space<hbm>>
      %dma_start3A_303 = arith.constant 0 : i32
      %dma_start3A_304 = tpu.memref_slice %arg9[%mul3A_21, %dma_start3A_303] : memref<10240x64xf32, #tpu.memory_space<vmem_shared>> -> memref<640x64xf32, #tpu.memory_space<vmem_shared>>
      tpu.enqueue_dma source(%dma_start3A_304 : memref<640x64xf32, #tpu.memory_space<vmem_shared>>) target(%dma_start3A_302 : memref<640x64xf32, #tpu.memory_space<hbm>>) target_semaphore(%run_scoped3A : memref<!tpu.dma_semaphore, #tpu.memory_space<semaphore_mem>>)
      %dma_wait3A_305 = arith.constant 0 : i32
      %dma_wait3A_306 = tpu.memref_slice %arg5[%arg0, %mul3A_21, %dma_wait3A_305] : memref<2x10240x64xf32, #tpu.memory_space<hbm>> -> memref<1x640x64xf32, #tpu.memory_space<hbm>>
      %dma_wait3A_307 = tpu.memref_squeeze %dma_wait3A_306 : memref<1x640x64xf32, #tpu.memory_space<hbm>> -> memref<640x64xf32, #tpu.memory_space<hbm>>
      %dma_wait3A_308 = arith.constant 0 : i32
      %dma_wait3A_309 = tpu.memref_slice %arg9[%mul3A_21, %dma_wait3A_308] : memref<10240x64xf32, #tpu.memory_space<vmem_shared>> -> memref<640x64xf32, #tpu.memory_space<vmem_shared>>
      tpu.wait_dma2 semaphore(%run_scoped3A : memref<!tpu.dma_semaphore, #tpu.memory_space<semaphore_mem>>) src(%dma_wait3A_309 : memref<640x64xf32, #tpu.memory_space<vmem_shared>>) dst(%dma_wait3A_307 : memref<640x64xf32, #tpu.memory_space<hbm>>)
      tpu.yield
    }) : () -> ()
    return
  }
}

module attributes {stable_mosaic.version = 14 : i64} {
  func.func @_tc_embed_body(%arg0: memref<5000x128xf32, #tpu.memory_space<vmem>>, %arg1: memref<128x64xf32, #tpu.memory_space<vmem>>, %arg2: memref<1x64xf32, #tpu.memory_space<vmem>>, %arg3: memref<5000x64xf32, #tpu.memory_space<vmem>>, %arg4: memref<64x64xf32, #tpu.memory_space<vmem>>, %arg5: memref<5000x128xf32, #tpu.memory_space<vmem>>) attributes {dimension_semantics = [], scalar_prefetch = 0 : i64, scratch_operands = 0 : i64, tpu.core_type = #tpu.core_type<tc>} {
    %get3A = arith.constant 0 : index
    %get3A_0 = arith.constant 0 : index
    %get3A_1 = vector.load %arg0[%get3A, %get3A_0] : memref<5000x128xf32, #tpu.memory_space<vmem>>, vector<5000x128xf32>
    %get3A_2 = arith.constant 0 : index
    %get3A_3 = arith.constant 0 : index
    %get3A_4 = vector.load %arg1[%get3A_2, %get3A_3] : memref<128x64xf32, #tpu.memory_space<vmem>>, vector<128x64xf32>
    %dot_general3A = arith.constant dense<0.000000e+00> : vector<5000x64xf32>
    %dot_general3A_5 = tpu.matmul %get3A_1, %get3A_4, %dot_general3A {dimension_numbers = #tpu.dot_dimension_numbers<[1], [0], [0], [1], [0, 0, 1, 1], [], []>, transpose_lhs_hint = false} : vector<5000x128xf32>, vector<128x64xf32>, vector<5000x64xf32> -> vector<5000x64xf32>
    %get3A_6 = arith.constant 0 : index
    %get3A_7 = arith.constant 0 : index
    %get3A_8 = vector.load %arg2[%get3A_6, %get3A_7] : memref<1x64xf32, #tpu.memory_space<vmem>>, vector<1x64xf32>
    %add3A = vector.broadcast %get3A_8 : vector<1x64xf32> to vector<5000x64xf32>
    %add3A_9 = arith.addf %dot_general3A_5, %add3A : vector<5000x64xf32>
    %get3A_10 = arith.constant 0 : index
    %get3A_11 = arith.constant 0 : index
    %get3A_12 = vector.load %arg3[%get3A_10, %get3A_11] : memref<5000x64xf32, #tpu.memory_space<vmem>>, vector<5000x64xf32>
    %mul3A = arith.mulf %get3A_12, %get3A_12 : vector<5000x64xf32>
    %reduce_sum3A = arith.constant dense<0.000000e+00> : vector<5000xf32>
    %reduce_sum3A_13 = vector.multi_reduction <add>, %mul3A, %reduce_sum3A [1] : vector<5000x64xf32> to vector<5000xf32>
    %broadcast_in_dim3A = vector.shape_cast %reduce_sum3A_13 : vector<5000xf32> to vector<5000x1xf32>
    %sqrt3A = math.sqrt %broadcast_in_dim3A : vector<5000x1xf32>
    %max3A = arith.constant 9.99999996E-13 : f32
    %max3A_14 = vector.broadcast %max3A : f32 to vector<5000x1xf32>
    %max3A_15 = arith.maximumf %sqrt3A, %max3A_14 : vector<5000x1xf32>
    %div3A = vector.broadcast %max3A_15 : vector<5000x1xf32> to vector<5000x64xf32>
    %div3A_16 = arith.divf %get3A_12, %div3A : vector<5000x64xf32>
    %mul3A_17 = arith.mulf %add3A_9, %add3A_9 : vector<5000x64xf32>
    %reduce_sum3A_18 = arith.constant dense<0.000000e+00> : vector<5000xf32>
    %reduce_sum3A_19 = vector.multi_reduction <add>, %mul3A_17, %reduce_sum3A_18 [1] : vector<5000x64xf32> to vector<5000xf32>
    %broadcast_in_dim3A_20 = vector.shape_cast %reduce_sum3A_19 : vector<5000xf32> to vector<5000x1xf32>
    %sqrt3A_21 = math.sqrt %broadcast_in_dim3A_20 : vector<5000x1xf32>
    %max3A_22 = arith.constant 9.99999996E-13 : f32
    %max3A_23 = vector.broadcast %max3A_22 : f32 to vector<5000x1xf32>
    %max3A_24 = arith.maximumf %sqrt3A_21, %max3A_23 : vector<5000x1xf32>
    %div3A_25 = vector.broadcast %max3A_24 : vector<5000x1xf32> to vector<5000x64xf32>
    %div3A_26 = arith.divf %add3A_9, %div3A_25 : vector<5000x64xf32>
    %get3A_27 = arith.constant 0 : index
    %get3A_28 = arith.constant 0 : index
    %get3A_29 = vector.load %arg4[%get3A_27, %get3A_28] : memref<64x64xf32, #tpu.memory_space<vmem>>, vector<64x64xf32>
    %dot_general3A_30 = arith.constant dense<0.000000e+00> : vector<5000x64xf32>
    %dot_general3A_31 = tpu.matmul %div3A_16, %get3A_29, %dot_general3A_30 {dimension_numbers = #tpu.dot_dimension_numbers<[1], [0], [0], [1], [0, 0, 1, 1], [], []>, transpose_lhs_hint = false} : vector<5000x64xf32>, vector<64x64xf32>, vector<5000x64xf32> -> vector<5000x64xf32>
    %get3A_32 = arith.constant 0 : index
    %get3A_33 = arith.constant 0 : index
    %get3A_34 = vector.load %arg4[%get3A_32, %get3A_33] : memref<64x64xf32, #tpu.memory_space<vmem>>, vector<64x64xf32>
    %dot_general3A_35 = arith.constant dense<0.000000e+00> : vector<5000x64xf32>
    %dot_general3A_36 = tpu.matmul %div3A_26, %get3A_34, %dot_general3A_35 {dimension_numbers = #tpu.dot_dimension_numbers<[1], [0], [0], [1], [0, 0, 1, 1], [], []>, transpose_lhs_hint = false} : vector<5000x64xf32>, vector<64x64xf32>, vector<5000x64xf32> -> vector<5000x64xf32>
    %concatenate3A = tpu.concatenate %dot_general3A_31, %dot_general3A_36 in 1 : vector<5000x64xf32>, vector<5000x64xf32> -> vector<5000x128xf32>
    %swap3A = arith.constant 0 : index
    %swap3A_37 = arith.constant 0 : index
    %swap3A_38 = vector.load %arg5[%swap3A, %swap3A_37] : memref<5000x128xf32, #tpu.memory_space<vmem>>, vector<5000x128xf32>
    tpu.vector_store %arg5[%swap3A, %swap3A_37], %concatenate3A {strides = array<i32>} : memref<5000x128xf32, #tpu.memory_space<vmem>>, vector<5000x128xf32>,
    return
  }
}

module attributes {stable_mosaic.version = 14 : i64} {
  func.func @_tc_dis_body(%arg0: memref<2x10240x16xf32, #tpu.memory_space<vmem>>, %arg1: memref<5000x128xf32, #tpu.memory_space<vmem>>, %arg2: memref<5120x128xf32, #tpu.memory_space<vmem>>, %arg3: memref<10000x1xf32, #tpu.memory_space<vmem>>) attributes {dimension_semantics = [], scalar_prefetch = 0 : i64, scratch_operands = 0 : i64, tpu.core_type = #tpu.core_type<tc>} {
    %get3A = arith.constant 0 : index
    %get3A_0 = arith.constant 0 : index
    %get3A_1 = arith.constant 0 : index
    %get3A_2 = vector.load %arg0[%get3A, %get3A_0, %get3A_1] : memref<2x10240x16xf32, #tpu.memory_space<vmem>>, vector<1x10000x16xf32>
    %get3A_3 = vector.shape_cast %get3A_2 : vector<1x10000x16xf32> to vector<10000x16xf32>
    %get3A_4 = arith.constant 1 : index
    %get3A_5 = arith.constant 0 : index
    %get3A_6 = arith.constant 0 : index
    %get3A_7 = vector.load %arg0[%get3A_4, %get3A_5, %get3A_6] : memref<2x10240x16xf32, #tpu.memory_space<vmem>>, vector<1x10000x16xf32>
    %get3A_8 = vector.shape_cast %get3A_7 : vector<1x10000x16xf32> to vector<10000x16xf32>
    %add3A = arith.addf %get3A_3, %get3A_8 : vector<10000x16xf32>
    %reduce_sum3A = arith.constant dense<0.000000e+00> : vector<10000xf32>
    %reduce_sum3A_9 = vector.multi_reduction <add>, %add3A, %reduce_sum3A [1] : vector<10000x16xf32> to vector<10000xf32>
    %broadcast_in_dim3A = vector.shape_cast %reduce_sum3A_9 : vector<10000xf32> to vector<10000x1xf32>
    %mul3A = arith.constant 6.250000e-02 : f32
    %mul3A_10 = vector.broadcast %mul3A : f32 to vector<10000x1xf32>
    %mul3A_11 = arith.mulf %broadcast_in_dim3A, %mul3A_10 : vector<10000x1xf32>
    %gt3A = arith.constant 0.000000e+00 : f32
    %gt3A_12 = vector.broadcast %gt3A : f32 to vector<10000x1xf32>
    %gt3A_13 = arith.cmpf ogt, %mul3A_11, %gt3A_12 : vector<10000x1xf32>
    %max3A = arith.constant 9.99999996E-13 : f32
    %max3A_14 = vector.broadcast %max3A : f32 to vector<10000x1xf32>
    %max3A_15 = arith.maximumf %mul3A_11, %max3A_14 : vector<10000x1xf32>
    %rsqrt3A = math.rsqrt %max3A_15 : vector<10000x1xf32>
    %jit3A = arith.constant 0.000000e+00 : f32
    %broadcast_in_dim3A_16 = vector.broadcast %jit3A : f32 to vector<10000x1xf32>
    %select_n3A = arith.select %gt3A_13, %rsqrt3A, %broadcast_in_dim3A_16 : vector<10000x1xi1>, vector<10000x1xf32>
    %swap3A = arith.constant 0 : index
    %swap3A_17 = arith.constant 0 : index
    %swap3A_18 = vector.load %arg3[%swap3A, %swap3A_17] : memref<10000x1xf32, #tpu.memory_space<vmem>>, vector<10000x1xf32>
    tpu.vector_store %arg3[%swap3A, %swap3A_17], %select_n3A {strides = array<i32>} : memref<10000x1xf32, #tpu.memory_space<vmem>>, vector<10000x1xf32>,
    %get3A_19 = arith.constant 0 : index
    %get3A_20 = arith.constant 0 : index
    %get3A_21 = vector.load %arg1[%get3A_19, %get3A_20] : memref<5000x128xf32, #tpu.memory_space<vmem>>, vector<5000x128xf32>
    %slice3A = vector.extract_strided_slice %select_n3A {offsets = [0, 0], sizes = [5000, 1], strides = [1, 1]} : vector<10000x1xf32> to vector<5000x1xf32>
    %slice3A_22 = vector.extract_strided_slice %get3A_21 {offsets = [0, 0], sizes = [5000, 64], strides = [1, 1]} : vector<5000x128xf32> to vector<5000x64xf32>
    %mul3A_23 = vector.broadcast %slice3A : vector<5000x1xf32> to vector<5000x64xf32>
    %mul3A_24 = arith.mulf %mul3A_23, %slice3A_22 : vector<5000x64xf32>
    %slice3A_25 = vector.extract_strided_slice %select_n3A {offsets = [5000, 0], sizes = [5000, 1], strides = [1, 1]} : vector<10000x1xf32> to vector<5000x1xf32>
    %slice3A_26 = vector.extract_strided_slice %get3A_21 {offsets = [0, 64], sizes = [5000, 64], strides = [1, 1]} : vector<5000x128xf32> to vector<5000x64xf32>
    %mul3A_27 = vector.broadcast %slice3A_25 : vector<5000x1xf32> to vector<5000x64xf32>
    %mul3A_28 = arith.mulf %mul3A_27, %slice3A_26 : vector<5000x64xf32>
    %concatenate3A = tpu.concatenate %mul3A_24, %mul3A_28 in 1 : vector<5000x64xf32>, vector<5000x64xf32> -> vector<5000x128xf32>
    %broadcast_in_dim3A_29 = arith.constant 0.000000e+00 : f32
    %broadcast_in_dim3A_30 = vector.broadcast %broadcast_in_dim3A_29 : f32 to vector<120x128xf32>
    %concatenate3A_31 = tpu.concatenate %concatenate3A, %broadcast_in_dim3A_30 in 0 : vector<5000x128xf32>, vector<120x128xf32> -> vector<5120x128xf32>
    %swap3A_32 = arith.constant 0 : index
    %swap3A_33 = arith.constant 0 : index
    %swap3A_34 = vector.load %arg2[%swap3A_32, %swap3A_33] : memref<5120x128xf32, #tpu.memory_space<vmem>>, vector<5120x128xf32>
    tpu.vector_store %arg2[%swap3A_32, %swap3A_33], %concatenate3A_31 {strides = array<i32>} : memref<5120x128xf32, #tpu.memory_space<vmem>>, vector<5120x128xf32>,
    return
  }
}

module attributes {stable_mosaic.version = 14 : i64} {
  func.func @_tc_mid_body(%arg0: memref<2x5120x128xf32, #tpu.memory_space<vmem>>, %arg1: memref<10000x1xf32, #tpu.memory_space<vmem>>, %arg2: memref<64x64xf32, #tpu.memory_space<vmem>>, %arg3: memref<1x1xf32, #tpu.memory_space<vmem>>, %arg4: memref<1x1xf32, #tpu.memory_space<vmem>>, %arg5: memref<5120x128xf32, #tpu.memory_space<vmem>>) attributes {dimension_semantics = [], scalar_prefetch = 0 : i64, scratch_operands = 0 : i64, tpu.core_type = #tpu.core_type<tc>} {
    %get3A = arith.constant 0 : index
    %get3A_0 = arith.constant 0 : index
    %get3A_1 = arith.constant 0 : index
    %get3A_2 = vector.load %arg0[%get3A, %get3A_0, %get3A_1] : memref<2x5120x128xf32, #tpu.memory_space<vmem>>, vector<1x5000x128xf32>
    %get3A_3 = vector.shape_cast %get3A_2 : vector<1x5000x128xf32> to vector<5000x128xf32>
    %get3A_4 = arith.constant 1 : index
    %get3A_5 = arith.constant 0 : index
    %get3A_6 = arith.constant 0 : index
    %get3A_7 = vector.load %arg0[%get3A_4, %get3A_5, %get3A_6] : memref<2x5120x128xf32, #tpu.memory_space<vmem>>, vector<1x5000x128xf32>
    %get3A_8 = vector.shape_cast %get3A_7 : vector<1x5000x128xf32> to vector<5000x128xf32>
    %add3A = arith.addf %get3A_3, %get3A_8 : vector<5000x128xf32>
    %get3A_9 = arith.constant 0 : index
    %get3A_10 = arith.constant 0 : index
    %get3A_11 = vector.load %arg1[%get3A_9, %get3A_10] : memref<10000x1xf32, #tpu.memory_space<vmem>>, vector<5000x1xf32>
    %get3A_12 = arith.constant 5000 : index
    %get3A_13 = arith.constant 0 : index
    %get3A_14 = vector.load %arg1[%get3A_12, %get3A_13] : memref<10000x1xf32, #tpu.memory_space<vmem>>, vector<5000x1xf32>
    %slice3A = vector.extract_strided_slice %add3A {offsets = [0, 0], sizes = [5000, 64], strides = [1, 1]} : vector<5000x128xf32> to vector<5000x64xf32>
    %mul3A = vector.broadcast %get3A_11 : vector<5000x1xf32> to vector<5000x64xf32>
    %mul3A_15 = arith.mulf %mul3A, %slice3A : vector<5000x64xf32>
    %slice3A_16 = vector.extract_strided_slice %add3A {offsets = [0, 64], sizes = [5000, 64], strides = [1, 1]} : vector<5000x128xf32> to vector<5000x64xf32>
    %mul3A_17 = vector.broadcast %get3A_14 : vector<5000x1xf32> to vector<5000x64xf32>
    %mul3A_18 = arith.mulf %mul3A_17, %slice3A_16 : vector<5000x64xf32>
    %get3A_19 = arith.constant 0 : index
    %get3A_20 = arith.constant 0 : index
    %get3A_21 = vector.load %arg3[%get3A_19, %get3A_20] : memref<1x1xf32, #tpu.memory_space<vmem>>, vector<1x1xf32>
    %get3A_22 = vector.extract %get3A_21[0, 0] : f32 from vector<1x1xf32>
    %get3A_23 = arith.constant 0 : index
    %get3A_24 = arith.constant 0 : index
    %get3A_25 = vector.load %arg4[%get3A_23, %get3A_24] : memref<1x1xf32, #tpu.memory_space<vmem>>, vector<1x1xf32>
    %get3A_26 = vector.extract %get3A_25[0, 0] : f32 from vector<1x1xf32>
    %mul3A_27 = arith.mulf %get3A_22, %get3A_26 : f32
    %mul3A_28 = vector.broadcast %mul3A_27 : f32 to vector<5000x1xf32>
    %mul3A_29 = arith.mulf %mul3A_28, %get3A_11 : vector<5000x1xf32>
    %get3A_30 = arith.constant 0 : index
    %get3A_31 = arith.constant 0 : index
    %get3A_32 = vector.load %arg2[%get3A_30, %get3A_31] : memref<64x64xf32, #tpu.memory_space<vmem>>, vector<64x64xf32>
    %dot_general3A = arith.constant dense<0.000000e+00> : vector<5000x64xf32>
    %dot_general3A_33 = tpu.matmul %mul3A_15, %get3A_32, %dot_general3A {dimension_numbers = #tpu.dot_dimension_numbers<[1], [0], [0], [1], [0, 0, 1, 1], [], []>, transpose_lhs_hint = false} : vector<5000x64xf32>, vector<64x64xf32>, vector<5000x64xf32> -> vector<5000x64xf32>
    %mul3A_34 = vector.broadcast %mul3A_29 : vector<5000x1xf32> to vector<5000x64xf32>
    %mul3A_35 = arith.mulf %mul3A_34, %dot_general3A_33 : vector<5000x64xf32>
    %mul3A_36 = vector.broadcast %mul3A_27 : f32 to vector<5000x1xf32>
    %mul3A_37 = arith.mulf %mul3A_36, %get3A_14 : vector<5000x1xf32>
    %get3A_38 = arith.constant 0 : index
    %get3A_39 = arith.constant 0 : index
    %get3A_40 = vector.load %arg2[%get3A_38, %get3A_39] : memref<64x64xf32, #tpu.memory_space<vmem>>, vector<64x64xf32>
    %dot_general3A_41 = arith.constant dense<0.000000e+00> : vector<5000x64xf32>
    %dot_general3A_42 = tpu.matmul %mul3A_18, %get3A_40, %dot_general3A_41 {dimension_numbers = #tpu.dot_dimension_numbers<[1], [0], [0], [1], [0, 0, 1, 1], [], []>, transpose_lhs_hint = false} : vector<5000x64xf32>, vector<64x64xf32>, vector<5000x64xf32> -> vector<5000x64xf32>
    %mul3A_43 = vector.broadcast %mul3A_37 : vector<5000x1xf32> to vector<5000x64xf32>
    %mul3A_44 = arith.mulf %mul3A_43, %dot_general3A_42 : vector<5000x64xf32>
    %concatenate3A = tpu.concatenate %mul3A_35, %mul3A_44 in 1 : vector<5000x64xf32>, vector<5000x64xf32> -> vector<5000x128xf32>
    %broadcast_in_dim3A = arith.constant 0.000000e+00 : f32
    %broadcast_in_dim3A_45 = vector.broadcast %broadcast_in_dim3A : f32 to vector<120x128xf32>
    %concatenate3A_46 = tpu.concatenate %concatenate3A, %broadcast_in_dim3A_45 in 0 : vector<5000x128xf32>, vector<120x128xf32> -> vector<5120x128xf32>
    %swap3A = arith.constant 0 : index
    %swap3A_47 = arith.constant 0 : index
    %swap3A_48 = vector.load %arg5[%swap3A, %swap3A_47] : memref<5120x128xf32, #tpu.memory_space<vmem>>, vector<5120x128xf32>
    tpu.vector_store %arg5[%swap3A, %swap3A_47], %concatenate3A_46 {strides = array<i32>} : memref<5120x128xf32, #tpu.memory_space<vmem>>, vector<5120x128xf32>,
    return
  }
}

module attributes {stable_mosaic.version = 14 : i64} {
  func.func @_tc_tail_body(%arg0: memref<2x5120x128xf32, #tpu.memory_space<vmem>>, %arg1: memref<10000x1xf32, #tpu.memory_space<vmem>>, %arg2: memref<10000x64xf32, #tpu.memory_space<vmem>>) attributes {dimension_semantics = [], scalar_prefetch = 0 : i64, scratch_operands = 0 : i64, tpu.core_type = #tpu.core_type<tc>} {
    %get3A = arith.constant 0 : index
    %get3A_0 = arith.constant 0 : index
    %get3A_1 = arith.constant 0 : index
    %get3A_2 = vector.load %arg0[%get3A, %get3A_0, %get3A_1] : memref<2x5120x128xf32, #tpu.memory_space<vmem>>, vector<1x5000x128xf32>
    %get3A_3 = vector.shape_cast %get3A_2 : vector<1x5000x128xf32> to vector<5000x128xf32>
    %get3A_4 = arith.constant 1 : index
    %get3A_5 = arith.constant 0 : index
    %get3A_6 = arith.constant 0 : index
    %get3A_7 = vector.load %arg0[%get3A_4, %get3A_5, %get3A_6] : memref<2x5120x128xf32, #tpu.memory_space<vmem>>, vector<1x5000x128xf32>
    %get3A_8 = vector.shape_cast %get3A_7 : vector<1x5000x128xf32> to vector<5000x128xf32>
    %add3A = arith.addf %get3A_3, %get3A_8 : vector<5000x128xf32>
    %get3A_9 = arith.constant 0 : index
    %get3A_10 = arith.constant 0 : index
    %get3A_11 = vector.load %arg1[%get3A_9, %get3A_10] : memref<10000x1xf32, #tpu.memory_space<vmem>>, vector<5000x1xf32>
    %slice3A = vector.extract_strided_slice %add3A {offsets = [0, 0], sizes = [5000, 64], strides = [1, 1]} : vector<5000x128xf32> to vector<5000x64xf32>
    %mul3A = vector.broadcast %get3A_11 : vector<5000x1xf32> to vector<5000x64xf32>
    %mul3A_12 = arith.mulf %mul3A, %slice3A : vector<5000x64xf32>
    %get3A_13 = arith.constant 5000 : index
    %get3A_14 = arith.constant 0 : index
    %get3A_15 = vector.load %arg1[%get3A_13, %get3A_14] : memref<10000x1xf32, #tpu.memory_space<vmem>>, vector<5000x1xf32>
    %slice3A_16 = vector.extract_strided_slice %add3A {offsets = [0, 64], sizes = [5000, 64], strides = [1, 1]} : vector<5000x128xf32> to vector<5000x64xf32>
    %mul3A_17 = vector.broadcast %get3A_15 : vector<5000x1xf32> to vector<5000x64xf32>
    %mul3A_18 = arith.mulf %mul3A_17, %slice3A_16 : vector<5000x64xf32>
    %concatenate3A = tpu.concatenate %mul3A_12, %mul3A_18 in 0 : vector<5000x64xf32>, vector<5000x64xf32> -> vector<10000x64xf32>
    %swap3A = arith.constant 0 : index
    %swap3A_19 = arith.constant 0 : index
    %swap3A_20 = vector.load %arg2[%swap3A, %swap3A_19] : memref<10000x64xf32, #tpu.memory_space<vmem>>, vector<10000x64xf32>
    tpu.vector_store %arg2[%swap3A, %swap3A_19], %concatenate3A {strides = array<i32>} : memref<10000x64xf32, #tpu.memory_space<vmem>>, vector<10000x64xf32>,
    return
  }
}

</mosaic_0001>

<sc_bundles>
// kernel: kernel.12.cloned.1.call-start
scs
__scs_entry_jumppad:
0x0: {  	(pc) =	sbr.rel $0x88, $3  }
0x1: {  	(tag) =	ssettag $0x0;
	lr =	simm.s32 $0x1  }
0x2: {  	[smem:$0x3F98] =	sst lr;
	_ =	strace $0xD0000000  }
0x3: {  	_ = 	snop  }
0x4: {  	_ = 	snop  }
0x5: {  	_ = 	snop  }
0x6: {  	_ = 	snop  }
0x7: {  	_ = 	snop  }
__scs_overlays_trampoline_lowered:
0x8: {  	[smem:$0x3FA7] =	sst s0  }
0x9: {  	[smem:$0x3FA8] =	sst s1  }
0xa: {  	[smem:$0x3FA9] =	sst s2  }
0xb: {  	[smem:$0x3FAA] =	sst s3  }
0xc: {  	[smem:$0x3FAB] =	sst s4  }
0xd: {  	[smem:$0x3FAC] =	sst s5  }
0xe: {  	[smem:$0x3FAD] =	sst s6  }
0xf: {  	[smem:$0x3FAE] =	sst s7  }
0x10: {  	[smem:$0x3FAF] =	sst s8  }
0x11: {  	[smem:$0x3FB0] =	sst s9;
	s0 =	simm.s32 @!p0 $0x0  }
0x12: {  	s1 =	sld [smem:$0x3F96];
	s0 =	simm.s32 @p0 $0x1  }
0x13: {  	[smem:$0x3FB1] =	sst s0;
	s0 =	simm.s32 @!p1 $0x0  }
0x14: {  	s2 =	sld [smem:$0x3F95];
	s0 =	simm.s32 @p1 $0x1  }
0x15: {  	[smem:$0x3FB2] =	sst s0;
	s0 =	simm.s32 @!p2 $0x0  }
0x16: {  	s3 =	sld [smem:$0x3FDB];
	s0 =	simm.s32 @p2 $0x1  }
0x17: {  	s4 =	simm.s32 $0x1BF5;
	[smem:$0x3FB4] =	sst s0  }
0x18: {  	s0 =	sld [smem:$0x3F97];
	_ =	swait.ge [sflag:s4], $0x0  }
0x19: {  	s7 =	sld [smem:$0x3F98]  }
0x1a: {  	s8 =	sadd.s32 $0xFFFFE003, lr  }
0x1b: {  	s9 =	sadd.s32 $0xFFFFFEF7, lr;
	s5 =	simm.s32 $0xFFFFFFFF;
	p2 =	slt.u32 s8, $0xFFFFF086  }
0x1c: {  	p1 =	slt.u32 s9, $0xF7A;
	s5 =	simm.s32 @!p2 $0x0  }
0x1d: {  	s5 =	simm.s32 @p1 $0x1;
	p0 =	seq.s32 s7, s2  }
0x1e: {  	s7 =	smul.u32 @!p0 $0xF7A, s2;
	p2 =	seq.s32 @!p0 s5, $0x0  }
0x1f: {  	s9 =	smul.u32 $0xF7A, s1;
	s8 =	simm.s32 @!p0 $0x1BF5;
	p2 =	por !p2, p0  }
0x20: {  	[sflag:s8] =	ssyncset.s32 @!p0 $0xFFFFF086;
	s6 =	sadd.s32 @!p0 s3, s7;
	s7 =	simm.s32 @!p0 $0x108  }
0x21: {  	s3 =	sadd.s32 s3, s9;
	s6 =	sadd.s32 @!p0 $0x88, s6;
	s7 =	simm.s32 @p2 $0x1082  }
0x22: {  	[simem:s7], [sflag:s8] =	dma.local @!p0 [hbm:s6], $0xF7A  }
0x23: {  	s9 =	sor.u32 $0xD0000000, s2;
	s6 =	simm.s32 $0x108;
	_ =	swait.ge @!p0 [sflag:s8], $0x0  }
0x24: {  	s3 =	sadd.s32 $0x88, s3;
	s6 =	simm.s32 @!p1 $0x1082;
	[sflag:s4] =	ssyncset.s32 $0xFFFFF086  }
0x25: {  	[simem:s6], [sflag:s4] =	dma.local [hbm:s3], $0xF7A  }
0x26: {  	[smem:$0x3F98] =	sst s1;
	(tag) =	ssettag s2;
	_ =	strace s9  }
0x27: {  	s1 =	sld [smem:$0x3FA8]  }
0x28: {  	s2 =	sld [smem:$0x3FA9]  }
0x29: {  	s4 =	sld [smem:$0x3FAB]  }
0x2a: {  	p0 =	seq.s32 s5, $0x0;
	s5 =	sld [smem:$0x3FAC]  }
0x2b: {  	s6 =	sld [smem:$0x3FAD]  }
0x2c: {  	s7 =	sld [smem:$0x3FAE]  }
0x2d: {  	s3 =	simm.s32 $0x108;
	s8 =	sld [smem:$0x3FAF]  }
0x2e: {  	s3 =	simm.s32 @!p0 $0x1082;
	s9 =	sld [smem:$0x3FB0]  }
0x2f: {  	lr =	sadd.s32 s0, s3;
	s0 =	sld [smem:$0x3FA7]  }
0x30: {  	s3 =	sld [smem:$0x3FAA]  }
0x31: {  	[smem:$0x3FB3] =	sst s10  }
0x32: {  	s10 =	sld [smem:$0x3FB1];
	_ =	sdelay $0x3  }
0x33: {  	p0 =	seq.s32 s10, $0x1;
	s10 =	sld [smem:$0x3FB3];
	_ =	sdelay $0x3  }
0x34: {  	[smem:$0x3FB3] =	sst s10  }
0x35: {  	s10 =	sld [smem:$0x3FB2];
	_ =	sdelay $0x3  }
0x36: {  	p1 =	seq.s32 s10, $0x1;
	s10 =	sld [smem:$0x3FB3];
	_ =	sdelay $0x3  }
0x37: {  	[smem:$0x3FB3] =	sst s10  }
0x38: {  	s10 =	sld [smem:$0x3FB4]  }
0x39: {  	_ = 	snop;
	(pc) =	sbr.ind lr, $3  }
0x3a: {  	_ = 	snop  }
0x3b: {  	_ = 	snop  }
0x3c: {  	p2 =	seq.s32 s10, $0x1;
	s10 =	sld [smem:$0x3FB3]  }
0x3d: {  	_ =	shalt  }
0x3e: {  	_ =	shalt  }
0x3f: {  	_ =	shalt  }
0x40: {  	_ =	shalt  }
0x41: {  	_ =	shalt  }
0x42: {  	_ =	shalt  }
0x43: {  	_ =	shalt  }
0x44: {  	_ =	shalt  }
0x45: {  	_ =	shalt  }
0x46: {  	_ =	shalt  }
0x47: {  	_ =	shalt  }
0x48: {  	_ =	shalt  }
0x49: {  	_ =	shalt  }
0x4a: {  	_ =	shalt  }
0x4b: {  	_ =	shalt  }
0x4c: {  	_ =	shalt  }
0x4d: {  	_ =	shalt  }
0x4e: {  	_ =	shalt  }
0x4f: {  	_ =	shalt  }
0x50: {  	_ =	shalt  }
0x51: {  	_ =	shalt  }
0x52: {  	_ =	shalt  }
0x53: {  	_ =	shalt  }
0x54: {  	_ =	shalt  }
0x55: {  	_ =	shalt  }
0x56: {  	_ =	shalt  }
0x57: {  	_ =	shalt  }
0x58: {  	_ =	shalt  }
0x59: {  	_ =	shalt  }
0x5a: {  	_ =	shalt  }
0x5b: {  	_ =	shalt  }
0x5c: {  	_ =	shalt  }
0x5d: {  	_ =	shalt  }
0x5e: {  	_ =	shalt  }
0x5f: {  	_ =	shalt  }
0x60: {  	_ =	shalt  }
0x61: {  	_ =	shalt  }
0x62: {  	_ =	shalt  }
0x63: {  	_ =	shalt  }
0x64: {  	_ =	shalt  }
0x65: {  	_ =	shalt  }
0x66: {  	_ =	shalt  }
0x67: {  	_ =	shalt  }
0x68: {  	_ =	shalt  }
0x69: {  	_ =	shalt  }
0x6a: {  	_ =	shalt  }
0x6b: {  	_ =	shalt  }
0x6c: {  	_ =	shalt  }
0x6d: {  	_ =	shalt  }
0x6e: {  	_ =	shalt  }
0x6f: {  	_ =	shalt  }
0x70: {  	_ =	shalt  }
0x71: {  	_ =	shalt  }
0x72: {  	_ =	shalt  }
0x73: {  	_ =	shalt  }
0x74: {  	_ =	shalt  }
0x75: {  	_ =	shalt  }
0x76: {  	_ =	shalt  }
0x77: {  	_ =	shalt  }
0x78: {  	_ =	shalt  }
0x79: {  	_ =	shalt  }
0x7a: {  	_ =	shalt  }
0x7b: {  	_ =	shalt  }
0x7c: {  	_ =	shalt  }
0x7d: {  	_ =	shalt  }
0x7e: {  	_ =	shalt  }
0x7f: {  	_ =	shalt  }
0x80: {  	_ =	shalt  }
0x81: {  	_ =	shalt  }
0x82: {  	_ =	shalt  }
0x83: {  	_ =	shalt  }
0x84: {  	_ =	shalt  }
0x85: {  	_ =	shalt  }
0x86: {  	_ =	shalt  }
0x87: {  	_ =	shalt  }
.Lfunc_end0:
.L_simem_size_0:
called_computation.1_lowered:
.L_overlay_start_0:
0x88: {  	s2 =	sld [smem:$0x3FD9]  }
0x89: {  	s3 =	sld [smem:$0x3FFE];
	_ =	sdelay $0x1  }
0x8a: {  	s1 =	srdreg.scid  }
0x8b: {  	s0 =	sand.u32 $0x1, s1  }
0x8c: {  	s16 =	sshll.u32 s0, $0xA;
	s2 =	sadd.s32 s3, s2  }
0x8d: {  	s2 =	sadd.s32 s2, s16  }
0x8e: {  	[smem:$0x3FBF] =	sst s2  }
0x8f: {  	_ = 	snop  }
0x90: {  	(tm) =	ssettm $0x1  }
0x91: {  	s17 =	sld [smem:$0x3FFB];
	_ =	sdelay $0x3  }
0x92: {  	_ =	strace s17  }
0x93: {  	s2 =	sld [smem:$0x3FFC];
	_ =	sdelay $0x3  }
0x94: {  	_ =	strace s2  }
0x95: {  	s2 =	sld [smem:$0x3FFD];
	_ =	sdelay $0x3  }
0x96: {  	_ =	strace s2  }
0x97: {  	_ =	strace $0x8FFFFFFF  }
0x98: {  	s18 =	sld [smem:$0x3FDB];
	_ =	sdelay $0x1  }
0x99: {  	s19 =	simm.s32 $_scs_section_size  }
0x9a: {  	s4 =	simm.s32 $_size__tile_overlayer_lowered;
	s5 =	simm.s32 $_tile_overlayer_lowered  }
0x9b: {  	s22 =	simm.s32 $0x1BFF;
	s21 =	sshll.u32 s5, $0x1;
	s2 =	sadd.s32 s19, s18  }
0x9c: {  	s6 =	simm.s32 $0x0;
	s20 =	sshll.u32 s4, $0x1;
	s4 =	sadd.s32 s21, s2  }
0x9d: {  	[timem:s6], [sflag:s22] =	dma.local [hbm:s4], s20  }
0x9e: {  	_ =	swait.ge [sflag:s22], s20  }
0x9f: {  	s3 =	ssub.s32 $0x0, s20;
	[sflag:s22] =	ssyncset.done $0x0  }
0xa0: {  	[sflag:s22] =	ssyncadd.s32 s3;
	_ =	sdelay $0x1  }
0xa1: {  	s23 =	simm.s32 $0x1B8B  }
0xa2: {  	_ =	swait.ge [sflag:s23], $0x1  }
0xa3: {  	[sflag:s23] =	ssyncset.done $0x0  }
0xa4: {  	s25 =	simm.s32 $0x1B8E;
	s24 =	sld [smem:$0x3FFE];
	[sflag:s23] =	ssyncadd.s32 $0xFFFFFFFF  }
0xa5: {  	s26 =	simm.s32 $execute0_lowered;
	[smem:$0x3FD2] =	sst s25  }
0xa6: {  	s4 =	sshll.u32 s26, $0x1;
	_ =	strace $0x80000049;
	[dreg:$0x1] =	wrdreg $0xFFFFFFFF  }
0xa7: {  	s28 =	simm.s32 $_size_execute0_lowered;
	s2 =	sadd.s32 s2, s4;
	[dreg:$0x0] =	wrdreg $0x0  }
0xa8: {  	s4 =	sshll.u32 s28, $0x1;
	[dreg:$0x2] =	wrdreg s2  }
0xa9: {  	[dreg:$0x3] =	wrdreg s4  }
0xaa: {  	[dreg:$0x4] =	wrdreg $0xC0  }
0xab: {  	_ =	task [dreg:s6], $0x5FFFF  }
0xac: {  	[dreg:$0x1] =	wrdreg $0xFFFFFFFF  }
0xad: {  	[dreg:$0x0] =	wrdreg $0x60  }
0xae: {  	[dreg:$0x2] =	wrdreg s24  }
0xaf: {  	[dreg:$0x3] =	wrdreg $0x150000  }
0xb0: {  	[dreg:$0x4] =	wrdreg $0x9  }
0xb1: {  	_ =	task.clear_ibuf [dreg:s6], $0x5FFFF;
	_ =	strace $0x90000049  }
0xb2: {  	s29 =	simm.s32 $0x9;
	_ =	strace $0x8000004B  }
0xb3: {  	_ =	swait.ge [sflag:s29], $0x1  }
0xb4: {  	[sflag:s29] =	ssyncadd.s32 $0xFFFFFFFF  }
0xb5: {  	_ =	strace $0x9000004B  }
0xb6: {  	_ =	sfence  }
0xb7: {  	s30 =	sld [smem:$0x0];
	_ =	sdelay $0x2  }
0xb8: {  	s31 =	sshll.u32 s1, $0xD;
	s1 =	sshrl.u32 s1, $0x2  }
0xb9: {  	s3 =	sand.u32 $0x4000, s31;
	s1 =	sadd.s32 s1, s30  }
0xba: {  	s0 =	sor.u32 s3, s0;
	s1 =	sshll.u32 s1, $0x11  }
0xbb: {  	s0 =	sor.u32 s1, s0  }
0xbc: {  	s0 =	sadd.s32 $0x8F2B, s0  }
0xbd: {  	[sflag:s0] =	ssyncadd.remote.s32 $0x1  }
0xbe: {  	_ =	sfence.sel $0xFFFF  }
0xbf: {  	[dreg:$0x0] =	wrdreg $0xFFFFFFFF;
	(pc) =	sbr.abs _section_cstart, $3  }
0xc0: {  	[dreg:$0x1] =	wrdreg $0xFFFFFFFF  }
0xc1: {  	_ =	task.clear_ibuf [dreg:s6], $0x2FFFF;
	_ =	strace $0x9FFFFFFF  }
0xc2: {  	(tm) =	ssettm $0x7FFFFFFF  }
0xc3: {  	_ =	shalt  }
tec
execute0_lowered:
.L_overlay_start_1:
0x0: {  	(tag) =	ssettag $0x1  }
0x1: {  	s0 =	rddreg [dreg:$0x0]  }
0x2: {  	s2 =	rddreg [dreg:$0x1]  }
0x3: {  	s1 =	srdreg.scid;
	s3 =	stileid.u32;
	s4 =	simm.s32 $0x0  }
0x4: {  	s14 =	simm.s32 $0x2800;
	s15 =	simm.s32 $0x5000;
	s16 =	simm.s32 $0x2  }
0x5: {  	s17 =	simm.s32 $0x80;
	s18 =	simm.s32 $0x7000;
	s20 =	simm.s32 $0x9000  }
0x6: {  	s22 =	simm.s32 $0xB000;
	s24 =	simm.s32 $0xD000;
	s26 =	simm.s32 $0xF000  }
0x7: {  	s29 =	simm.s32 $0x11000;
	s31 =	simm.s32 $0x13000;
	s21 =	simm.s32 $0x1  }
0x8: {  	s19 =	simm.s32 $0x0;
	s1 =	sand.u32 $0x1, s1;
	s7 =	smul.u32 $0xA000, s3  }
0x9: {  	[smem:$0x7FF] =	sst s4;
	s4 =	sadd.s32 $0x20600, s0;
	s8 =	smul.u32 $0x28000, s3  }
0xa: {  	s28 =	sshll.u32 s1, $0x4;
	s5 =	smul.u32 $0xA0000, s1;
	s1 =	ssub.s32 $0x2, s1  }
0xb: {  	_ =	strace $0x8000004A;
	s6 =	sor.u32 s3, s28;
	s30 =	sshrl.u32 s1, $0x1  }
0xc: {  	s8 =	sshrl.u32 s8, $0x2;
	s6 =	smul.u32 $0x500, s6;
	s5 =	sadd.s32 s7, s5  }
0xd: {  	s1 =	ssub.s32 s1, s30;
	s7 =	sadd.s32 s7, s2;
	s11 =	sadd.s32 s8, s2  }
0xe: {  	s5 =	sshrl.u32 s5, $0x3;
	s8 =	sadd.s32 $0x2000, s11;
	s9 =	sadd.s32 $0x4000, s11  }
0xf: {  	s10 =	sadd.s32 $0x6000, s11;
	s11 =	sadd.s32 $0x8000, s11;
	s6 =	sadd.s32 s6, s0  }
0x10: {  	s13 =	smax.u32 s1, $0x1;
	s0 =	sadd.s32 s5, s0;
	s5 =	sadd.s32 $0x16600, s6  }
0x11: {  	v0 =	vimm.f32 $0.0e+00;
	s6 =	sadd.s32 $0xC600, s6;
	s12 =	sadd.s32 $0x34600, s0;
	s0 =	simm.s32 $0x3  }
.LBB2_1:
0x12: {  	s1 =	simm.s32 $0x0  }
0x13: {  	[tilespmem:s1], [sflag:$0x1] =	stream.linear.gather [hbm4b:s5+s1], $0x2800, $0x38;
	[tilespmem:$0x1F000] =	vst v63  }
0x14: {  	_ = 	snop  }
0x15: {  	[tilespmem:s14], [sflag:$0x2] =	stream.linear.gather [hbm4b:s6+s1], $0x2800, $0x38;
	[tilespmem:$0x1F000] =	vst v63  }
0x16: {  	s23 =	simm.s32 $0x100;
	s1 =	simm.s32 $0x0  }
.LBB2_2:
0x17: {  	p0 =	sne.s32 s23, $0x7F00;
	[tilespmem:s1+$0x5030] =	vst v0;
	s25 =	smov.u32 s23;
	s23 =	sadd.s32 $0x100, s23  }
.Ltmp0:
0x18: {  	[tilespmem:s1+$0x5020] =	vst v0;
	(pc) =	sbr.rel @p0 .LBB2_2-.Ltmp0, $3  }
0x19: {  	[tilespmem:s1+$0x5000] =	vst v0  }
0x1a: {  	[tilespmem:s1+$0x5010] =	vst v0;
	_ =	sdelay $0x1  }
0x1b: {  	s1 =	sshra.s32 s25, $0x2  }
0x1c: {  	[tilespmem:s1+$0x5030] =	vst v0  }
0x1d: {  	[tilespmem:s1+$0x5020] =	vst v0  }
0x1e: {  	[tilespmem:s1+$0x5000] =	vst v0  }
0x1f: {  	[tilespmem:s1+$0x5010] =	vst v0  }
0x20: {  	[spmem:s7] =	stream.linear.scatter [tilespmem:s15], [sflag:$0x1], $0x2000, $0x38;
	[tilespmem:$0x1F000] =	vst v63  }
0x21: {  	_ = 	snop  }
0x22: {  	[spmem:s8] =	stream.linear.scatter [tilespmem:s15], [sflag:$0x1], $0x2000, $0x38;
	[tilespmem:$0x1F000] =	vst v63  }
0x23: {  	_ = 	snop  }
0x24: {  	[spmem:s9] =	stream.linear.scatter [tilespmem:s15], [sflag:$0x1], $0x2000, $0x38;
	[tilespmem:$0x1F000] =	vst v63  }
0x25: {  	_ = 	snop  }
0x26: {  	[spmem:s10] =	stream.linear.scatter [tilespmem:s15], [sflag:$0x1], $0x2000, $0x38;
	[tilespmem:$0x1F000] =	vst v63  }
0x27: {  	s1 =	simm.s32 $0x1  }
0x28: {  	[spmem:s11] =	stream.linear.scatter [tilespmem:s15], [sflag:$0x1], $0x2000, $0x38;
	[tilespmem:$0x1F000] =	vst v63  }
0x29: {  	_ =	swait.ge [sflag:s1], $0x2800  }
0x2a: {  	[sflag:s1] =	ssyncset.done $0x0  }
0x2b: {  	[sflag:s1] =	ssyncadd.s32 $0xFFFFD800  }
0x2c: {  	_ =	swait.ge [sflag:s16], $0x2800  }
0x2d: {  	[sflag:s16] =	ssyncset.done $0x0  }
0x2e: {  	[sflag:s16] =	ssyncadd.s32 $0xFFFFD800  }
0x2f: {  	_ =	swait.ge [sflag:s1], $0x2000  }
0x30: {  	[sflag:s1] =	ssyncset.done $0x0  }
0x31: {  	[sflag:s1] =	ssyncadd.s32 $0xFFFFE000  }
0x32: {  	_ =	swait.ge [sflag:s1], $0x2000  }
0x33: {  	[sflag:s1] =	ssyncset.done $0x0  }
0x34: {  	[sflag:s1] =	ssyncadd.s32 $0xFFFFE000  }
0x35: {  	_ =	swait.ge [sflag:s1], $0x2000  }
0x36: {  	[sflag:s1] =	ssyncset.done $0x0  }
0x37: {  	[sflag:s1] =	ssyncadd.s32 $0xFFFFE000  }
0x38: {  	_ =	swait.ge [sflag:s1], $0x2000  }
0x39: {  	[sflag:s1] =	ssyncset.done $0x0  }
0x3a: {  	[sflag:s1] =	ssyncadd.s32 $0xFFFFE000  }
0x3b: {  	_ =	swait.ge [sflag:s1], $0x2000  }
0x3c: {  	[sflag:s1] =	ssyncset.done $0x0  }
0x3d: {  	[sflag:s1] =	ssyncadd.s32 $0xFFFFE000  }
0x3e: {  	s23 =	simm.s32 $0x0;
	[bflag:$0x0] =	sbarrier.arrive $0xFFFF  }
0x3f: {  	[tilespmem:s15], [sflag:$0x1] =	stream.indirect.gather [hbm4b:s4+s17], $0x40, s23, s17, $0xb8;
	[tilespmem:$0x1F000] =	vst v63  }
0x40: {  	_ = 	snop  }
0x41: {  	[tilespmem:s18], [sflag:$0x1] =	stream.indirect.gather [hbm4b:s4+s17], $0x40, s17, s17, $0xb8;
	[tilespmem:$0x1F000] =	vst v63  }
0x42: {  	s3 =	simm.s32 $0x100  }
0x43: {  	[tilespmem:s20], [sflag:$0x1] =	stream.indirect.gather [hbm4b:s4+s17], $0x40, s3, s17, $0xb8;
	[tilespmem:$0x1F000] =	vst v63  }
0x44: {  	s23 =	simm.s32 $0x180  }
0x45: {  	[tilespmem:s22], [sflag:$0x1] =	stream.indirect.gather [hbm4b:s4+s17], $0x40, s23, s17, $0xb8;
	[tilespmem:$0x1F000] =	vst v63  }
0x46: {  	s25 =	simm.s32 $0x200  }
0x47: {  	[tilespmem:s24], [sflag:$0x1] =	stream.indirect.gather [hbm4b:s4+s17], $0x40, s25, s17, $0xb8;
	[tilespmem:$0x1F000] =	vst v63  }
0x48: {  	s30 =	simm.s32 $0x280  }
0x49: {  	[tilespmem:s26], [sflag:$0x1] =	stream.indirect.gather [hbm4b:s4+s17], $0x40, s30, s17, $0xb8;
	[tilespmem:$0x1F000] =	vst v63  }
0x4a: {  	s23 =	simm.s32 $0x300  }
0x4b: {  	[tilespmem:s29], [sflag:$0x1] =	stream.indirect.gather [hbm4b:s4+s17], $0x40, s23, s17, $0xb8;
	[tilespmem:$0x1F000] =	vst v63  }
0x4c: {  	s25 =	simm.s32 $0x380  }
0x4d: {  	[tilespmem:s31], [sflag:$0x1] =	stream.indirect.gather [hbm4b:s4+s17], $0x40, s25, s17, $0xb8;
	[tilespmem:$0x1F000] =	vst v63  }
0x4e: {  	_ =	swait.ge [sflag:s1], $0x2000  }
0x4f: {  	[sflag:s1] =	ssyncset.done $0x0  }
0x50: {  	[sflag:s1] =	ssyncadd.s32 $0xFFFFE000  }
0x51: {  	_ =	swait.ge [sflag:s1], $0x2000  }
0x52: {  	[sflag:s1] =	ssyncset.done $0x0  }
0x53: {  	[sflag:s1] =	ssyncadd.s32 $0xFFFFE000  }
0x54: {  	_ =	swait.ge [sflag:s1], $0x2000  }
0x55: {  	[sflag:s1] =	ssyncset.done $0x0  }
0x56: {  	[sflag:s1] =	ssyncadd.s32 $0xFFFFE000  }
0x57: {  	_ =	swait.ge [sflag:s1], $0x2000  }
0x58: {  	[sflag:s1] =	ssyncset.done $0x0  }
0x59: {  	[sflag:s1] =	ssyncadd.s32 $0xFFFFE000  }
0x5a: {  	[spmem:s2] =	stream.indirect.scatter.add.f32 [tilespmem:s15], [sflag:$0x2], $0x40, s14, s17, $0xb8;
	[tilespmem:$0x1F000] =	vst v63  }
0x5b: {  	s30 =	simm.s32 $0x2880  }
0x5c: {  	[spmem:s2] =	stream.indirect.scatter.add.f32 [tilespmem:s18], [sflag:$0x2], $0x40, s30, s17, $0xb8;
	[tilespmem:$0x1F000] =	vst v63  }
0x5d: {  	s3 =	simm.s32 $0x2900  }
0x5e: {  	[spmem:s2] =	stream.indirect.scatter.add.f32 [tilespmem:s20], [sflag:$0x2], $0x40, s3, s17, $0xb8;
	[tilespmem:$0x1F000] =	vst v63  }
0x5f: {  	s23 =	simm.s32 $0x2980  }
0x60: {  	[spmem:s2] =	stream.indirect.scatter.add.f32 [tilespmem:s22], [sflag:$0x2], $0x40, s23, s17, $0xb8;
	[tilespmem:$0x1F000] =	vst v63  }
0x61: {  	_ =	swait.ge [sflag:s16], $0x2000  }
0x62: {  	[sflag:s16] =	ssyncset.done $0x0  }
0x63: {  	[sflag:s16] =	ssyncadd.s32 $0xFFFFE000  }
0x64: {  	_ =	swait.ge [sflag:s16], $0x2000  }
0x65: {  	[sflag:s16] =	ssyncset.done $0x0  }
0x66: {  	[sflag:s16] =	ssyncadd.s32 $0xFFFFE000  }
0x67: {  	_ =	swait.ge [sflag:s16], $0x2000  }
0x68: {  	[sflag:s16] =	ssyncset.done $0x0  }
0x69: {  	[sflag:s16] =	ssyncadd.s32 $0xFFFFE000  }
0x6a: {  	s25 =	simm.s32 $0x8000;
	_ =	swait.ge [sflag:s16], $0x2000  }
0x6b: {  	s23 =	sand.u32 $0x8000, s25;
	[sflag:s16] =	ssyncset.done $0x0  }
0x6c: {  	s25 =	simm.s32 $0x400;
	s1 =	sxor.u32 $0xD000, s23;
	[sflag:s16] =	ssyncadd.s32 $0xFFFFE000  }
0x6d: {  	[tilespmem:s1], [sflag:$0x1] =	stream.indirect.gather [hbm4b:s4+s17], $0x40, s25, s17, $0xb8;
	[tilespmem:$0x1F000] =	vst v63  }
0x6e: {  	s3 =	simm.s32 $0x480;
	s30 =	sxor.u32 $0xF000, s23  }
0x6f: {  	[tilespmem:s30], [sflag:$0x1] =	stream.indirect.gather [hbm4b:s4+s17], $0x40, s3, s17, $0xb8;
	[tilespmem:$0x1F000] =	vst v63  }
0x70: {  	s30 =	ssub.s32 $0x11000, s23;
	s3 =	simm.s32 $0x500  }
0x71: {  	[tilespmem:s30], [sflag:$0x1] =	stream.indirect.gather [hbm4b:s4+s17], $0x40, s3, s17, $0xb8;
	[tilespmem:$0x1F000] =	vst v63  }
0x72: {  	s30 =	ssub.s32 $0x13000, s23;
	s3 =	simm.s32 $0x580  }
0x73: {  	[tilespmem:s30], [sflag:$0x1] =	stream.indirect.gather [hbm4b:s4+s17], $0x40, s3, s17, $0xb8;
	[tilespmem:$0x1F000] =	vst v63  }
0x74: {  	_ =	swait.ge [sflag:s21], $0x2000  }
0x75: {  	[sflag:s21] =	ssyncset.done $0x0  }
0x76: {  	[sflag:s21] =	ssyncadd.s32 $0xFFFFE000  }
0x77: {  	_ =	swait.ge [sflag:s21], $0x2000  }
0x78: {  	[sflag:s21] =	ssyncset.done $0x0  }
0x79: {  	[sflag:s21] =	ssyncadd.s32 $0xFFFFE000  }
0x7a: {  	_ =	swait.ge [sflag:s21], $0x2000  }
0x7b: {  	[sflag:s21] =	ssyncset.done $0x0  }
0x7c: {  	[sflag:s21] =	ssyncadd.s32 $0xFFFFE000  }
0x7d: {  	_ =	swait.ge [sflag:s21], $0x2000  }
0x7e: {  	[sflag:s21] =	ssyncset.done $0x0  }
0x7f: {  	s30 =	sor.u32 $0x5000, s23;
	s3 =	simm.s32 $0x2A00;
	[sflag:s21] =	ssyncadd.s32 $0xFFFFE000  }
0x80: {  	[spmem:s2] =	stream.indirect.scatter.add.f32 [tilespmem:s30], [sflag:$0x2], $0x40, s3, s17, $0xb8;
	[tilespmem:$0x1F000] =	vst v63  }
0x81: {  	s30 =	sor.u32 $0x7000, s23;
	s3 =	simm.s32 $0x2A80  }
0x82: {  	[spmem:s2] =	stream.indirect.scatter.add.f32 [tilespmem:s30], [sflag:$0x2], $0x40, s3, s17, $0xb8;
	[tilespmem:$0x1F000] =	vst v63  }
0x83: {  	s28 =	simm.s32 $0x2B80;
	s25 =	sadd.s32 $0x9000, s23;
	s30 =	simm.s32 $0x2B00  }
0x84: {  	[spmem:s2] =	stream.indirect.scatter.add.f32 [tilespmem:s25], [sflag:$0x2], $0x40, s30, s17, $0xb8;
	[tilespmem:$0x1F000] =	vst v63  }
0x85: {  	s1 =	simm.s32 $0x800;
	s25 =	sadd.s32 $0xB000, s23;
	s23 =	simm.s32 $0x2  }
.LBB2_4:
0x86: {  	[spmem:s2] =	stream.indirect.scatter.add.f32 [tilespmem:s25], [sflag:$0x2], $0x40, s28, s17, $0xb8;
	[tilespmem:$0x1F000] =	vst v63  }
0x87: {  	s25 =	smov.u32 s1  }
0x88: {  	p0 =	sne.s32 s1, $0x8800;
	s1 =	sadd.s32 $0x800, s1;
	_ =	swait.ge [sflag:s16], $0x2000  }
0x89: {  	[sflag:s16] =	ssyncset.done $0x0  }
0x8a: {  	[sflag:s16] =	ssyncadd.s32 $0xFFFFE000  }
0x8b: {  	_ =	swait.ge [sflag:s16], $0x2000  }
0x8c: {  	[sflag:s16] =	ssyncset.done $0x0  }
0x8d: {  	[sflag:s16] =	ssyncadd.s32 $0xFFFFE000  }
0x8e: {  	_ =	swait.ge [sflag:s16], $0x2000  }
0x8f: {  	[sflag:s16] =	ssyncset.done $0x0  }
0x90: {  	[sflag:s16] =	ssyncadd.s32 $0xFFFFE000  }
0x91: {  	s28 =	sshll.u32 s23, $0xF;
	_ =	swait.ge [sflag:s16], $0x2000  }
0x92: {  	s28 =	sand.u32 $0x8000, s28;
	s30 =	sshra.s32 s25, $0x2;
	[sflag:s16] =	ssyncset.done $0x0  }
0x93: {  	s25 =	sxor.u32 $0xD000, s28;
	s3 =	sadd.s32 $0x400, s30;
	[sflag:s16] =	ssyncadd.s32 $0xFFFFE000  }
0x94: {  	[tilespmem:s25], [sflag:$0x1] =	stream.indirect.gather [hbm4b:s4+s17], $0x40, s3, s17, $0xb8;
	[tilespmem:$0x1F000] =	vst v63  }
0x95: {  	s3 =	sxor.u32 $0xF000, s28;
	s25 =	sadd.s32 $0x480, s30  }
0x96: {  	[tilespmem:s3], [sflag:$0x1] =	stream.indirect.gather [hbm4b:s4+s17], $0x40, s25, s17, $0xb8;
	[tilespmem:$0x1F000] =	vst v63  }
0x97: {  	s3 =	ssub.s32 $0x11000, s28;
	s25 =	sadd.s32 $0x500, s30  }
0x98: {  	[tilespmem:s3], [sflag:$0x1] =	stream.indirect.gather [hbm4b:s4+s17], $0x40, s25, s17, $0xb8;
	[tilespmem:$0x1F000] =	vst v63  }
0x99: {  	s3 =	ssub.s32 $0x13000, s28;
	s25 =	sadd.s32 $0x580, s30  }
0x9a: {  	[tilespmem:s3], [sflag:$0x1] =	stream.indirect.gather [hbm4b:s4+s17], $0x40, s25, s17, $0xb8;
	[tilespmem:$0x1F000] =	vst v63  }
0x9b: {  	_ =	swait.ge [sflag:s21], $0x2000  }
0x9c: {  	[sflag:s21] =	ssyncset.done $0x0  }
0x9d: {  	[sflag:s21] =	ssyncadd.s32 $0xFFFFE000  }
0x9e: {  	_ =	swait.ge [sflag:s21], $0x2000  }
0x9f: {  	[sflag:s21] =	ssyncset.done $0x0  }
0xa0: {  	[sflag:s21] =	ssyncadd.s32 $0xFFFFE000  }
0xa1: {  	_ =	swait.ge [sflag:s21], $0x2000  }
0xa2: {  	[sflag:s21] =	ssyncset.done $0x0  }
0xa3: {  	[sflag:s21] =	ssyncadd.s32 $0xFFFFE000  }
0xa4: {  	_ =	swait.ge [sflag:s21], $0x2000  }
0xa5: {  	[sflag:s21] =	ssyncset.done $0x0  }
0xa6: {  	s3 =	sor.u32 $0x5000, s28;
	s25 =	sadd.s32 $0x2A00, s30;
	[sflag:s21] =	ssyncadd.s32 $0xFFFFE000  }
0xa7: {  	[spmem:s2] =	stream.indirect.scatter.add.f32 [tilespmem:s3], [sflag:$0x2], $0x40, s25, s17, $0xb8;
	[tilespmem:$0x1F000] =	vst v63  }
.Ltmp1:
0xa8: {  	s3 =	sor.u32 $0x7000, s28;
	s25 =	sadd.s32 $0x2A80, s30;
	(pc) =	sbr.rel @p0 .LBB2_4-.Ltmp1, $4  }
0xa9: {  	[spmem:s2] =	stream.indirect.scatter.add.f32 [tilespmem:s3], [sflag:$0x2], $0x40, s25, s17, $0xb8;
	[tilespmem:$0x1F000] =	vst v63  }
0xaa: {  	s3 =	sadd.s32 $0x9000, s28;
	s25 =	sadd.s32 $0x2B00, s30  }
0xab: {  	[spmem:s2] =	stream.indirect.scatter.add.f32 [tilespmem:s3], [sflag:$0x2], $0x40, s25, s17, $0xb8;
	[tilespmem:$0x1F000] =	vst v63  }
0xac: {  	s23 =	sadd.s32 $0x1, s23;
	s25 =	sadd.s32 $0xB000, s28;
	s28 =	sadd.s32 $0x2B80, s30  }
0xad: {  	[spmem:s2] =	stream.indirect.scatter.add.f32 [tilespmem:s25], [sflag:$0x2], $0x40, s28, s17, $0xb8;
	[tilespmem:$0x1F000] =	vst v63  }
0xae: {  	_ =	swait.ge [sflag:s16], $0x2000  }
0xaf: {  	[sflag:s16] =	ssyncset.done $0x0  }
0xb0: {  	[sflag:s16] =	ssyncadd.s32 $0xFFFFE000  }
0xb1: {  	_ =	swait.ge [sflag:s16], $0x2000  }
0xb2: {  	[sflag:s16] =	ssyncset.done $0x0  }
0xb3: {  	[sflag:s16] =	ssyncadd.s32 $0xFFFFE000  }
0xb4: {  	_ =	swait.ge [sflag:s16], $0x2000  }
0xb5: {  	[sflag:s16] =	ssyncset.done $0x0  }
0xb6: {  	[sflag:s16] =	ssyncadd.s32 $0xFFFFE000  }
0xb7: {  	_ =	swait.ge [sflag:s16], $0x2000  }
0xb8: {  	[sflag:s16] =	ssyncset.done $0x0  }
0xb9: {  	[sflag:s16] =	ssyncadd.s32 $0xFFFFE000  }
0xba: {  	_ =	swait.ge [sflag:s21], $0x2000  }
0xbb: {  	[sflag:s21] =	ssyncset.done $0x0  }
0xbc: {  	[sflag:s21] =	ssyncadd.s32 $0xFFFFE000  }
0xbd: {  	_ =	swait.ge [sflag:s21], $0x2000  }
0xbe: {  	[sflag:s21] =	ssyncset.done $0x0  }
0xbf: {  	[sflag:s21] =	ssyncadd.s32 $0xFFFFE000  }
0xc0: {  	_ =	swait.ge [sflag:s21], $0x2000  }
0xc1: {  	[sflag:s21] =	ssyncset.done $0x0  }
0xc2: {  	[sflag:s21] =	ssyncadd.s32 $0xFFFFE000  }
0xc3: {  	_ =	swait.ge [sflag:s21], $0x2000  }
0xc4: {  	[sflag:s21] =	ssyncset.done $0x0  }
0xc5: {  	s1 =	simm.s32 $0x4E00;
	[sflag:s21] =	ssyncadd.s32 $0xFFFFE000  }
0xc6: {  	[spmem:s2] =	stream.indirect.scatter.add.f32 [tilespmem:s24], [sflag:$0x2], $0x40, s1, s17, $0xb8;
	[tilespmem:$0x1F000] =	vst v63  }
0xc7: {  	s23 =	simm.s32 $0x4E80  }
0xc8: {  	[spmem:s2] =	stream.indirect.scatter.add.f32 [tilespmem:s26], [sflag:$0x2], $0x40, s23, s17, $0xb8;
	[tilespmem:$0x1F000] =	vst v63  }
0xc9: {  	s25 =	simm.s32 $0x4F00  }
0xca: {  	[spmem:s2] =	stream.indirect.scatter.add.f32 [tilespmem:s29], [sflag:$0x2], $0x40, s25, s17, $0xb8;
	[tilespmem:$0x1F000] =	vst v63  }
0xcb: {  	s28 =	simm.s32 $0x4F80  }
0xcc: {  	[spmem:s2] =	stream.indirect.scatter.add.f32 [tilespmem:s31], [sflag:$0x2], $0x40, s28, s17, $0xb8;
	[tilespmem:$0x1F000] =	vst v63  }
0xcd: {  	_ =	swait.ge [sflag:s16], $0x2000  }
0xce: {  	[sflag:s16] =	ssyncset.done $0x0  }
0xcf: {  	[sflag:s16] =	ssyncadd.s32 $0xFFFFE000  }
0xd0: {  	_ =	swait.ge [sflag:s16], $0x2000  }
0xd1: {  	[sflag:s16] =	ssyncset.done $0x0  }
0xd2: {  	[sflag:s16] =	ssyncadd.s32 $0xFFFFE000  }
0xd3: {  	_ =	swait.ge [sflag:s16], $0x2000  }
0xd4: {  	[sflag:s16] =	ssyncset.done $0x0  }
0xd5: {  	[sflag:s16] =	ssyncadd.s32 $0xFFFFE000  }
0xd6: {  	s30 =	stileid.u32;
	_ =	swait.ge [sflag:s16], $0x2000  }
0xd7: {  	s3 =	sshrl.u32 s7, $0x3;
	s19 =	sadd.s32 $0x1, s19;
	[sflag:s16] =	ssyncset.done $0x0  }
0xd8: {  	p0 =	sne.s32 s19, s13;
	s1 =	sshll.u32 s30, $0x6;
	[sflag:s16] =	ssyncadd.s32 $0xFFFFE000  }
.Ltmp2:
0xd9: {  	s1 =	sor.u32 $0x1C03, s1;
	[bflag:$0x0] =	sbarrier.arrive $0xFFFF;
	(pc) =	sbr.rel @p0 .LBB2_1-.Ltmp2, $4  }
0xda: {  	[hbm:s12], [sflag:s1] =	dma.local [spmem:s3], $0x1400  }
0xdb: {  	_ =	swait.ge [sflag:s0], $0x1400  }
0xdc: {  	[sflag:s0] =	ssyncset.done $0x0  }
0xdd: {  	[sflag:s0] =	ssyncadd.s32 $0xFFFFEC00  }
0xde: {  	_ =	sfence.sel $0x180000  }
0xdf: {  	[bflag:$0x0] =	sbarrier.arrive $0xFFFF  }
0xe0: {  	_ =	strace $0x9000004A  }
0xe1: {  	s0 =	stileid.u32;
	[bflag:$0x2] =	sbarrier.arrive $0xFFFF  }
0xe2: {  	p0 =	sne.s32 s0, $0x0;
	s0 =	rddreg [dreg:$0x2]  }
0xe3: {  	s0 =	sadd.s32 @!p0 $0x100000, s0  }
0xe4: {  	[sflag:s0] =	ssyncadd.tile.s32 @!p0 $0x1;
	_ =	shalt  }
.Lfunc_end2:
_tile_overlayer_lowered:
.L_overlay_start_2:
0xe5: {  	(tag) =	ssettag $0x2  }
0xe6: {  	s0 =	rddreg [dreg:$0x0];
	s2 =	stileid.u32  }
0xe7: {  	s1 =	rddreg [dreg:$0x1];
	p0 =	sne.s32 s2, $0x0  }
0xe8: {  	s3 =	rddreg [dreg:$0x2];
	[bflag:$0x3] =	sbarrier.arrive $0xFFFF;
	s2 =	simm.s32 @!p0 $0x1C03  }
0xe9: {  	[timem:s3], [sflag:s2] =	dma.local @!p0 [hbm:s0], s1  }
0xea: {  	s0 =	simm.s32 @!p0 $0x3  }
0xeb: {  	_ =	swait.ge @!p0 [sflag:s0], s1  }
0xec: {  	s1 =	ssub.s32 @!p0 $0x0, s1;
	[sflag:s0] =	ssyncset.done @!p0 $0x0  }
0xed: {  	[sflag:s0] =	ssyncadd.s32 @!p0 s1  }
0xee: {  	[bflag:$0x3] =	sbarrier.arrive $0xFFFF  }
0xef: {  	_ =	shalt  }

// kernel: kernel.15.cloned.1.call-start
scs
__scs_entry_jumppad:
0x0: {  	(pc) =	sbr.rel $0x88, $3  }
0x1: {  	(tag) =	ssettag $0x0;
	lr =	simm.s32 $0x1  }
0x2: {  	[smem:$0x3F98] =	sst lr;
	_ =	strace $0xD0000000  }
0x3: {  	_ = 	snop  }
0x4: {  	_ = 	snop  }
0x5: {  	_ = 	snop  }
0x6: {  	_ = 	snop  }
0x7: {  	_ = 	snop  }
__scs_overlays_trampoline_lowered:
0x8: {  	[smem:$0x3FA7] =	sst s0  }
0x9: {  	[smem:$0x3FA8] =	sst s1  }
0xa: {  	[smem:$0x3FA9] =	sst s2  }
0xb: {  	[smem:$0x3FAA] =	sst s3  }
0xc: {  	[smem:$0x3FAB] =	sst s4  }
0xd: {  	[smem:$0x3FAC] =	sst s5  }
0xe: {  	[smem:$0x3FAD] =	sst s6  }
0xf: {  	[smem:$0x3FAE] =	sst s7  }
0x10: {  	[smem:$0x3FAF] =	sst s8  }
0x11: {  	[smem:$0x3FB0] =	sst s9;
	s0 =	simm.s32 @!p0 $0x0  }
0x12: {  	s1 =	sld [smem:$0x3F96];
	s0 =	simm.s32 @p0 $0x1  }
0x13: {  	[smem:$0x3FB1] =	sst s0;
	s0 =	simm.s32 @!p1 $0x0  }
0x14: {  	s2 =	sld [smem:$0x3F95];
	s0 =	simm.s32 @p1 $0x1  }
0x15: {  	[smem:$0x3FB2] =	sst s0;
	s0 =	simm.s32 @!p2 $0x0  }
0x16: {  	s3 =	sld [smem:$0x3FDB];
	s0 =	simm.s32 @p2 $0x1  }
0x17: {  	s4 =	simm.s32 $0x1BF5;
	[smem:$0x3FB4] =	sst s0  }
0x18: {  	s0 =	sld [smem:$0x3F97];
	_ =	swait.ge [sflag:s4], $0x0  }
0x19: {  	s7 =	sld [smem:$0x3F98]  }
0x1a: {  	s8 =	sadd.s32 $0xFFFFE003, lr  }
0x1b: {  	s9 =	sadd.s32 $0xFFFFFEF7, lr;
	s5 =	simm.s32 $0xFFFFFFFF;
	p2 =	slt.u32 s8, $0xFFFFF086  }
0x1c: {  	p1 =	slt.u32 s9, $0xF7A;
	s5 =	simm.s32 @!p2 $0x0  }
0x1d: {  	s5 =	simm.s32 @p1 $0x1;
	p0 =	seq.s32 s7, s2  }
0x1e: {  	s7 =	smul.u32 @!p0 $0xF7A, s2;
	p2 =	seq.s32 @!p0 s5, $0x0  }
0x1f: {  	s9 =	smul.u32 $0xF7A, s1;
	s8 =	simm.s32 @!p0 $0x1BF5;
	p2 =	por !p2, p0  }
0x20: {  	[sflag:s8] =	ssyncset.s32 @!p0 $0xFFFFF086;
	s6 =	sadd.s32 @!p0 s3, s7;
	s7 =	simm.s32 @!p0 $0x108  }
0x21: {  	s3 =	sadd.s32 s3, s9;
	s6 =	sadd.s32 @!p0 $0x88, s6;
	s7 =	simm.s32 @p2 $0x1082  }
0x22: {  	[simem:s7], [sflag:s8] =	dma.local @!p0 [hbm:s6], $0xF7A  }
0x23: {  	s9 =	sor.u32 $0xD0000000, s2;
	s6 =	simm.s32 $0x108;
	_ =	swait.ge @!p0 [sflag:s8], $0x0  }
0x24: {  	s3 =	sadd.s32 $0x88, s3;
	s6 =	simm.s32 @!p1 $0x1082;
	[sflag:s4] =	ssyncset.s32 $0xFFFFF086  }
0x25: {  	[simem:s6], [sflag:s4] =	dma.local [hbm:s3], $0xF7A  }
0x26: {  	[smem:$0x3F98] =	sst s1;
	(tag) =	ssettag s2;
	_ =	strace s9  }
0x27: {  	s1 =	sld [smem:$0x3FA8]  }
0x28: {  	s2 =	sld [smem:$0x3FA9]  }
0x29: {  	s4 =	sld [smem:$0x3FAB]  }
0x2a: {  	p0 =	seq.s32 s5, $0x0;
	s5 =	sld [smem:$0x3FAC]  }
0x2b: {  	s6 =	sld [smem:$0x3FAD]  }
0x2c: {  	s7 =	sld [smem:$0x3FAE]  }
0x2d: {  	s3 =	simm.s32 $0x108;
	s8 =	sld [smem:$0x3FAF]  }
0x2e: {  	s3 =	simm.s32 @!p0 $0x1082;
	s9 =	sld [smem:$0x3FB0]  }
0x2f: {  	lr =	sadd.s32 s0, s3;
	s0 =	sld [smem:$0x3FA7]  }
0x30: {  	s3 =	sld [smem:$0x3FAA]  }
0x31: {  	[smem:$0x3FB3] =	sst s10  }
0x32: {  	s10 =	sld [smem:$0x3FB1];
	_ =	sdelay $0x3  }
0x33: {  	p0 =	seq.s32 s10, $0x1;
	s10 =	sld [smem:$0x3FB3];
	_ =	sdelay $0x3  }
0x34: {  	[smem:$0x3FB3] =	sst s10  }
0x35: {  	s10 =	sld [smem:$0x3FB2];
	_ =	sdelay $0x3  }
0x36: {  	p1 =	seq.s32 s10, $0x1;
	s10 =	sld [smem:$0x3FB3];
	_ =	sdelay $0x3  }
0x37: {  	[smem:$0x3FB3] =	sst s10  }
0x38: {  	s10 =	sld [smem:$0x3FB4]  }
0x39: {  	_ = 	snop;
	(pc) =	sbr.ind lr, $3  }
0x3a: {  	_ = 	snop  }
0x3b: {  	_ = 	snop  }
0x3c: {  	p2 =	seq.s32 s10, $0x1;
	s10 =	sld [smem:$0x3FB3]  }
0x3d: {  	_ =	shalt  }
0x3e: {  	_ =	shalt  }
0x3f: {  	_ =	shalt  }
0x40: {  	_ =	shalt  }
0x41: {  	_ =	shalt  }
0x42: {  	_ =	shalt  }
0x43: {  	_ =	shalt  }
0x44: {  	_ =	shalt  }
0x45: {  	_ =	shalt  }
0x46: {  	_ =	shalt  }
0x47: {  	_ =	shalt  }
0x48: {  	_ =	shalt  }
0x49: {  	_ =	shalt  }
0x4a: {  	_ =	shalt  }
0x4b: {  	_ =	shalt  }
0x4c: {  	_ =	shalt  }
0x4d: {  	_ =	shalt  }
0x4e: {  	_ =	shalt  }
0x4f: {  	_ =	shalt  }
0x50: {  	_ =	shalt  }
0x51: {  	_ =	shalt  }
0x52: {  	_ =	shalt  }
0x53: {  	_ =	shalt  }
0x54: {  	_ =	shalt  }
0x55: {  	_ =	shalt  }
0x56: {  	_ =	shalt  }
0x57: {  	_ =	shalt  }
0x58: {  	_ =	shalt  }
0x59: {  	_ =	shalt  }
0x5a: {  	_ =	shalt  }
0x5b: {  	_ =	shalt  }
0x5c: {  	_ =	shalt  }
0x5d: {  	_ =	shalt  }
0x5e: {  	_ =	shalt  }
0x5f: {  	_ =	shalt  }
0x60: {  	_ =	shalt  }
0x61: {  	_ =	shalt  }
0x62: {  	_ =	shalt  }
0x63: {  	_ =	shalt  }
0x64: {  	_ =	shalt  }
0x65: {  	_ =	shalt  }
0x66: {  	_ =	shalt  }
0x67: {  	_ =	shalt  }
0x68: {  	_ =	shalt  }
0x69: {  	_ =	shalt  }
0x6a: {  	_ =	shalt  }
0x6b: {  	_ =	shalt  }
0x6c: {  	_ =	shalt  }
0x6d: {  	_ =	shalt  }
0x6e: {  	_ =	shalt  }
0x6f: {  	_ =	shalt  }
0x70: {  	_ =	shalt  }
0x71: {  	_ =	shalt  }
0x72: {  	_ =	shalt  }
0x73: {  	_ =	shalt  }
0x74: {  	_ =	shalt  }
0x75: {  	_ =	shalt  }
0x76: {  	_ =	shalt  }
0x77: {  	_ =	shalt  }
0x78: {  	_ =	shalt  }
0x79: {  	_ =	shalt  }
0x7a: {  	_ =	shalt  }
0x7b: {  	_ =	shalt  }
0x7c: {  	_ =	shalt  }
0x7d: {  	_ =	shalt  }
0x7e: {  	_ =	shalt  }
0x7f: {  	_ =	shalt  }
0x80: {  	_ =	shalt  }
0x81: {  	_ =	shalt  }
0x82: {  	_ =	shalt  }
0x83: {  	_ =	shalt  }
0x84: {  	_ =	shalt  }
0x85: {  	_ =	shalt  }
0x86: {  	_ =	shalt  }
0x87: {  	_ =	shalt  }
.Lfunc_end0:
.L_simem_size_0:
called_computation.2_lowered:
.L_overlay_start_0:
0x88: {  	s2 =	sld [smem:$0x3FD9]  }
0x89: {  	s3 =	sld [smem:$0x3FFE];
	_ =	sdelay $0x1  }
0x8a: {  	s1 =	srdreg.scid  }
0x8b: {  	s0 =	sand.u32 $0x1, s1  }
0x8c: {  	s16 =	sshll.u32 s0, $0xA;
	s2 =	sadd.s32 s3, s2  }
0x8d: {  	s2 =	sadd.s32 s2, s16  }
0x8e: {  	[smem:$0x3FBF] =	sst s2  }
0x8f: {  	_ = 	snop  }
0x90: {  	(tm) =	ssettm $0x1  }
0x91: {  	s17 =	sld [smem:$0x3FFB];
	_ =	sdelay $0x3  }
0x92: {  	_ =	strace s17  }
0x93: {  	s2 =	sld [smem:$0x3FFC];
	_ =	sdelay $0x3  }
0x94: {  	_ =	strace s2  }
0x95: {  	s2 =	sld [smem:$0x3FFD];
	_ =	sdelay $0x3  }
0x96: {  	_ =	strace s2  }
0x97: {  	_ =	strace $0x8FFFFFFF  }
0x98: {  	s18 =	sld [smem:$0x3FDB];
	_ =	sdelay $0x1  }
0x99: {  	s19 =	simm.s32 $_scs_section_size  }
0x9a: {  	s4 =	simm.s32 $_size__tile_overlayer_lowered;
	s5 =	simm.s32 $_tile_overlayer_lowered  }
0x9b: {  	s22 =	simm.s32 $0x1BFF;
	s21 =	sshll.u32 s5, $0x1;
	s2 =	sadd.s32 s19, s18  }
0x9c: {  	s6 =	simm.s32 $0x0;
	s20 =	sshll.u32 s4, $0x1;
	s4 =	sadd.s32 s21, s2  }
0x9d: {  	[timem:s6], [sflag:s22] =	dma.local [hbm:s4], s20  }
0x9e: {  	_ =	swait.ge [sflag:s22], s20  }
0x9f: {  	s3 =	ssub.s32 $0x0, s20;
	[sflag:s22] =	ssyncset.done $0x0  }
0xa0: {  	[sflag:s22] =	ssyncadd.s32 s3;
	_ =	sdelay $0x1  }
0xa1: {  	s23 =	simm.s32 $0x1B8B  }
0xa2: {  	_ =	swait.ge [sflag:s23], $0x1  }
0xa3: {  	[sflag:s23] =	ssyncset.done $0x0  }
0xa4: {  	s25 =	simm.s32 $0x1B8E;
	s24 =	sld [smem:$0x3FFE];
	[sflag:s23] =	ssyncadd.s32 $0xFFFFFFFF  }
0xa5: {  	s26 =	simm.s32 $execute0_lowered;
	[smem:$0x3FD2] =	sst s25  }
0xa6: {  	s4 =	sshll.u32 s26, $0x1;
	_ =	strace $0x8000004C;
	[dreg:$0x1] =	wrdreg $0xFFFFFFFF  }
0xa7: {  	s28 =	simm.s32 $_size_execute0_lowered;
	s2 =	sadd.s32 s2, s4;
	[dreg:$0x0] =	wrdreg $0x0  }
0xa8: {  	s4 =	sshll.u32 s28, $0x1;
	[dreg:$0x2] =	wrdreg s2  }
0xa9: {  	[dreg:$0x3] =	wrdreg s4  }
0xaa: {  	[dreg:$0x4] =	wrdreg $0xC0  }
0xab: {  	_ =	task [dreg:s6], $0x5FFFF  }
0xac: {  	[dreg:$0x1] =	wrdreg $0xFFFFFFFF  }
0xad: {  	[dreg:$0x0] =	wrdreg $0x60  }
0xae: {  	[dreg:$0x2] =	wrdreg s24  }
0xaf: {  	[dreg:$0x3] =	wrdreg $0x150000  }
0xb0: {  	[dreg:$0x4] =	wrdreg $0x9  }
0xb1: {  	_ =	task.clear_ibuf [dreg:s6], $0x5FFFF;
	_ =	strace $0x9000004C  }
0xb2: {  	s29 =	simm.s32 $0x9;
	_ =	strace $0x8000004E  }
0xb3: {  	_ =	swait.ge [sflag:s29], $0x1  }
0xb4: {  	[sflag:s29] =	ssyncadd.s32 $0xFFFFFFFF  }
0xb5: {  	_ =	strace $0x9000004E  }
0xb6: {  	_ =	sfence  }
0xb7: {  	s30 =	sld [smem:$0x0];
	_ =	sdelay $0x2  }
0xb8: {  	s31 =	sshll.u32 s1, $0xD;
	s1 =	sshrl.u32 s1, $0x2  }
0xb9: {  	s3 =	sand.u32 $0x4000, s31;
	s1 =	sadd.s32 s1, s30  }
0xba: {  	s0 =	sor.u32 s3, s0;
	s1 =	sshll.u32 s1, $0x11  }
0xbb: {  	s0 =	sor.u32 s1, s0  }
0xbc: {  	s0 =	sadd.s32 $0x8F2B, s0  }
0xbd: {  	[sflag:s0] =	ssyncadd.remote.s32 $0x1  }
0xbe: {  	_ =	sfence.sel $0xFFFF  }
0xbf: {  	[dreg:$0x0] =	wrdreg $0xFFFFFFFF;
	(pc) =	sbr.abs _section_cstart, $3  }
0xc0: {  	[dreg:$0x1] =	wrdreg $0xFFFFFFFF  }
0xc1: {  	_ =	task.clear_ibuf [dreg:s6], $0x2FFFF;
	_ =	strace $0x9FFFFFFF  }
0xc2: {  	(tm) =	ssettm $0x7FFFFFFF  }
0xc3: {  	_ =	shalt  }
tec
execute0_lowered:
.L_overlay_start_1:
0x0: {  	(tag) =	ssettag $0x1  }
0x1: {  	s0 =	rddreg [dreg:$0x0]  }
0x2: {  	s2 =	rddreg [dreg:$0x1]  }
0x3: {  	s1 =	srdreg.scid;
	s3 =	stileid.u32;
	s4 =	simm.s32 $0x0  }
0x4: {  	s14 =	simm.s32 $0x2800;
	s15 =	simm.s32 $0x5000;
	s16 =	simm.s32 $0x2  }
0x5: {  	s17 =	simm.s32 $0x80;
	s18 =	simm.s32 $0x7000;
	s20 =	simm.s32 $0x9000  }
0x6: {  	s22 =	simm.s32 $0xB000;
	s24 =	simm.s32 $0xD000;
	s26 =	simm.s32 $0xF000  }
0x7: {  	s29 =	simm.s32 $0x11000;
	s31 =	simm.s32 $0x13000;
	s21 =	simm.s32 $0x1  }
0x8: {  	s19 =	simm.s32 $0x0;
	s1 =	sand.u32 $0x1, s1;
	s7 =	smul.u32 $0xA000, s3  }
0x9: {  	[smem:$0x7FF] =	sst s4;
	s4 =	sadd.s32 $0x20600, s0;
	s8 =	smul.u32 $0x28000, s3  }
0xa: {  	s28 =	sshll.u32 s1, $0x4;
	s5 =	smul.u32 $0xA0000, s1;
	s1 =	ssub.s32 $0x2, s1  }
0xb: {  	_ =	strace $0x8000004D;
	s6 =	sor.u32 s3, s28;
	s30 =	sshrl.u32 s1, $0x1  }
0xc: {  	s8 =	sshrl.u32 s8, $0x2;
	s6 =	smul.u32 $0x500, s6;
	s5 =	sadd.s32 s7, s5  }
0xd: {  	s1 =	ssub.s32 s1, s30;
	s7 =	sadd.s32 s7, s2;
	s11 =	sadd.s32 s8, s2  }
0xe: {  	s5 =	sshrl.u32 s5, $0x3;
	s8 =	sadd.s32 $0x2000, s11;
	s9 =	sadd.s32 $0x4000, s11  }
0xf: {  	s10 =	sadd.s32 $0x6000, s11;
	s11 =	sadd.s32 $0x8000, s11;
	s6 =	sadd.s32 s6, s0  }
0x10: {  	s13 =	smax.u32 s1, $0x1;
	s0 =	sadd.s32 s5, s0;
	s5 =	sadd.s32 $0x16600, s6  }
0x11: {  	v0 =	vimm.f32 $0.0e+00;
	s6 =	sadd.s32 $0xC600, s6;
	s12 =	sadd.s32 $0x34600, s0;
	s0 =	simm.s32 $0x3  }
.LBB2_1:
0x12: {  	s1 =	simm.s32 $0x0  }
0x13: {  	[tilespmem:s1], [sflag:$0x1] =	stream.linear.gather [hbm4b:s5+s1], $0x2800, $0x38;
	[tilespmem:$0x1F000] =	vst v63  }
0x14: {  	_ = 	snop  }
0x15: {  	[tilespmem:s14], [sflag:$0x2] =	stream.linear.gather [hbm4b:s6+s1], $0x2800, $0x38;
	[tilespmem:$0x1F000] =	vst v63  }
0x16: {  	s23 =	simm.s32 $0x100;
	s1 =	simm.s32 $0x0  }
.LBB2_2:
0x17: {  	p0 =	sne.s32 s23, $0x7F00;
	[tilespmem:s1+$0x5030] =	vst v0;
	s25 =	smov.u32 s23;
	s23 =	sadd.s32 $0x100, s23  }
.Ltmp0:
0x18: {  	[tilespmem:s1+$0x5020] =	vst v0;
	(pc) =	sbr.rel @p0 .LBB2_2-.Ltmp0, $3  }
0x19: {  	[tilespmem:s1+$0x5000] =	vst v0  }
0x1a: {  	[tilespmem:s1+$0x5010] =	vst v0;
	_ =	sdelay $0x1  }
0x1b: {  	s1 =	sshra.s32 s25, $0x2  }
0x1c: {  	[tilespmem:s1+$0x5030] =	vst v0  }
0x1d: {  	[tilespmem:s1+$0x5020] =	vst v0  }
0x1e: {  	[tilespmem:s1+$0x5000] =	vst v0  }
0x1f: {  	[tilespmem:s1+$0x5010] =	vst v0  }
0x20: {  	[spmem:s7] =	stream.linear.scatter [tilespmem:s15], [sflag:$0x1], $0x2000, $0x38;
	[tilespmem:$0x1F000] =	vst v63  }
0x21: {  	_ = 	snop  }
0x22: {  	[spmem:s8] =	stream.linear.scatter [tilespmem:s15], [sflag:$0x1], $0x2000, $0x38;
	[tilespmem:$0x1F000] =	vst v63  }
0x23: {  	_ = 	snop  }
0x24: {  	[spmem:s9] =	stream.linear.scatter [tilespmem:s15], [sflag:$0x1], $0x2000, $0x38;
	[tilespmem:$0x1F000] =	vst v63  }
0x25: {  	_ = 	snop  }
0x26: {  	[spmem:s10] =	stream.linear.scatter [tilespmem:s15], [sflag:$0x1], $0x2000, $0x38;
	[tilespmem:$0x1F000] =	vst v63  }
0x27: {  	s1 =	simm.s32 $0x1  }
0x28: {  	[spmem:s11] =	stream.linear.scatter [tilespmem:s15], [sflag:$0x1], $0x2000, $0x38;
	[tilespmem:$0x1F000] =	vst v63  }
0x29: {  	_ =	swait.ge [sflag:s1], $0x2800  }
0x2a: {  	[sflag:s1] =	ssyncset.done $0x0  }
0x2b: {  	[sflag:s1] =	ssyncadd.s32 $0xFFFFD800  }
0x2c: {  	_ =	swait.ge [sflag:s16], $0x2800  }
0x2d: {  	[sflag:s16] =	ssyncset.done $0x0  }
0x2e: {  	[sflag:s16] =	ssyncadd.s32 $0xFFFFD800  }
0x2f: {  	_ =	swait.ge [sflag:s1], $0x2000  }
0x30: {  	[sflag:s1] =	ssyncset.done $0x0  }
0x31: {  	[sflag:s1] =	ssyncadd.s32 $0xFFFFE000  }
0x32: {  	_ =	swait.ge [sflag:s1], $0x2000  }
0x33: {  	[sflag:s1] =	ssyncset.done $0x0  }
0x34: {  	[sflag:s1] =	ssyncadd.s32 $0xFFFFE000  }
0x35: {  	_ =	swait.ge [sflag:s1], $0x2000  }
0x36: {  	[sflag:s1] =	ssyncset.done $0x0  }
0x37: {  	[sflag:s1] =	ssyncadd.s32 $0xFFFFE000  }
0x38: {  	_ =	swait.ge [sflag:s1], $0x2000  }
0x39: {  	[sflag:s1] =	ssyncset.done $0x0  }
0x3a: {  	[sflag:s1] =	ssyncadd.s32 $0xFFFFE000  }
0x3b: {  	_ =	swait.ge [sflag:s1], $0x2000  }
0x3c: {  	[sflag:s1] =	ssyncset.done $0x0  }
0x3d: {  	[sflag:s1] =	ssyncadd.s32 $0xFFFFE000  }
0x3e: {  	s23 =	simm.s32 $0x0;
	[bflag:$0x0] =	sbarrier.arrive $0xFFFF  }
0x3f: {  	[tilespmem:s15], [sflag:$0x1] =	stream.indirect.gather [hbm4b:s4+s17], $0x40, s23, s17, $0xb8;
	[tilespmem:$0x1F000] =	vst v63  }
0x40: {  	_ = 	snop  }
0x41: {  	[tilespmem:s18], [sflag:$0x1] =	stream.indirect.gather [hbm4b:s4+s17], $0x40, s17, s17, $0xb8;
	[tilespmem:$0x1F000] =	vst v63  }
0x42: {  	s3 =	simm.s32 $0x100  }
0x43: {  	[tilespmem:s20], [sflag:$0x1] =	stream.indirect.gather [hbm4b:s4+s17], $0x40, s3, s17, $0xb8;
	[tilespmem:$0x1F000] =	vst v63  }
0x44: {  	s23 =	simm.s32 $0x180  }
0x45: {  	[tilespmem:s22], [sflag:$0x1] =	stream.indirect.gather [hbm4b:s4+s17], $0x40, s23, s17, $0xb8;
	[tilespmem:$0x1F000] =	vst v63  }
0x46: {  	s25 =	simm.s32 $0x200  }
0x47: {  	[tilespmem:s24], [sflag:$0x1] =	stream.indirect.gather [hbm4b:s4+s17], $0x40, s25, s17, $0xb8;
	[tilespmem:$0x1F000] =	vst v63  }
0x48: {  	s30 =	simm.s32 $0x280  }
0x49: {  	[tilespmem:s26], [sflag:$0x1] =	stream.indirect.gather [hbm4b:s4+s17], $0x40, s30, s17, $0xb8;
	[tilespmem:$0x1F000] =	vst v63  }
0x4a: {  	s23 =	simm.s32 $0x300  }
0x4b: {  	[tilespmem:s29], [sflag:$0x1] =	stream.indirect.gather [hbm4b:s4+s17], $0x40, s23, s17, $0xb8;
	[tilespmem:$0x1F000] =	vst v63  }
0x4c: {  	s25 =	simm.s32 $0x380  }
0x4d: {  	[tilespmem:s31], [sflag:$0x1] =	stream.indirect.gather [hbm4b:s4+s17], $0x40, s25, s17, $0xb8;
	[tilespmem:$0x1F000] =	vst v63  }
0x4e: {  	_ =	swait.ge [sflag:s1], $0x2000  }
0x4f: {  	[sflag:s1] =	ssyncset.done $0x0  }
0x50: {  	[sflag:s1] =	ssyncadd.s32 $0xFFFFE000  }
0x51: {  	_ =	swait.ge [sflag:s1], $0x2000  }
0x52: {  	[sflag:s1] =	ssyncset.done $0x0  }
0x53: {  	[sflag:s1] =	ssyncadd.s32 $0xFFFFE000  }
0x54: {  	_ =	swait.ge [sflag:s1], $0x2000  }
0x55: {  	[sflag:s1] =	ssyncset.done $0x0  }
0x56: {  	[sflag:s1] =	ssyncadd.s32 $0xFFFFE000  }
0x57: {  	_ =	swait.ge [sflag:s1], $0x2000  }
0x58: {  	[sflag:s1] =	ssyncset.done $0x0  }
0x59: {  	[sflag:s1] =	ssyncadd.s32 $0xFFFFE000  }
0x5a: {  	[spmem:s2] =	stream.indirect.scatter.add.f32 [tilespmem:s15], [sflag:$0x2], $0x40, s14, s17, $0xb8;
	[tilespmem:$0x1F000] =	vst v63  }
0x5b: {  	s30 =	simm.s32 $0x2880  }
0x5c: {  	[spmem:s2] =	stream.indirect.scatter.add.f32 [tilespmem:s18], [sflag:$0x2], $0x40, s30, s17, $0xb8;
	[tilespmem:$0x1F000] =	vst v63  }
0x5d: {  	s3 =	simm.s32 $0x2900  }
0x5e: {  	[spmem:s2] =	stream.indirect.scatter.add.f32 [tilespmem:s20], [sflag:$0x2], $0x40, s3, s17, $0xb8;
	[tilespmem:$0x1F000] =	vst v63  }
0x5f: {  	s23 =	simm.s32 $0x2980  }
0x60: {  	[spmem:s2] =	stream.indirect.scatter.add.f32 [tilespmem:s22], [sflag:$0x2], $0x40, s23, s17, $0xb8;
	[tilespmem:$0x1F000] =	vst v63  }
0x61: {  	_ =	swait.ge [sflag:s16], $0x2000  }
0x62: {  	[sflag:s16] =	ssyncset.done $0x0  }
0x63: {  	[sflag:s16] =	ssyncadd.s32 $0xFFFFE000  }
0x64: {  	_ =	swait.ge [sflag:s16], $0x2000  }
0x65: {  	[sflag:s16] =	ssyncset.done $0x0  }
0x66: {  	[sflag:s16] =	ssyncadd.s32 $0xFFFFE000  }
0x67: {  	_ =	swait.ge [sflag:s16], $0x2000  }
0x68: {  	[sflag:s16] =	ssyncset.done $0x0  }
0x69: {  	[sflag:s16] =	ssyncadd.s32 $0xFFFFE000  }
0x6a: {  	s25 =	simm.s32 $0x8000;
	_ =	swait.ge [sflag:s16], $0x2000  }
0x6b: {  	s23 =	sand.u32 $0x8000, s25;
	[sflag:s16] =	ssyncset.done $0x0  }
0x6c: {  	s25 =	simm.s32 $0x400;
	s1 =	sxor.u32 $0xD000, s23;
	[sflag:s16] =	ssyncadd.s32 $0xFFFFE000  }
0x6d: {  	[tilespmem:s1], [sflag:$0x1] =	stream.indirect.gather [hbm4b:s4+s17], $0x40, s25, s17, $0xb8;
	[tilespmem:$0x1F000] =	vst v63  }
0x6e: {  	s3 =	simm.s32 $0x480;
	s30 =	sxor.u32 $0xF000, s23  }
0x6f: {  	[tilespmem:s30], [sflag:$0x1] =	stream.indirect.gather [hbm4b:s4+s17], $0x40, s3, s17, $0xb8;
	[tilespmem:$0x1F000] =	vst v63  }
0x70: {  	s30 =	ssub.s32 $0x11000, s23;
	s3 =	simm.s32 $0x500  }
0x71: {  	[tilespmem:s30], [sflag:$0x1] =	stream.indirect.gather [hbm4b:s4+s17], $0x40, s3, s17, $0xb8;
	[tilespmem:$0x1F000] =	vst v63  }
0x72: {  	s30 =	ssub.s32 $0x13000, s23;
	s3 =	simm.s32 $0x580  }
0x73: {  	[tilespmem:s30], [sflag:$0x1] =	stream.indirect.gather [hbm4b:s4+s17], $0x40, s3, s17, $0xb8;
	[tilespmem:$0x1F000] =	vst v63  }
0x74: {  	_ =	swait.ge [sflag:s21], $0x2000  }
0x75: {  	[sflag:s21] =	ssyncset.done $0x0  }
0x76: {  	[sflag:s21] =	ssyncadd.s32 $0xFFFFE000  }
0x77: {  	_ =	swait.ge [sflag:s21], $0x2000  }
0x78: {  	[sflag:s21] =	ssyncset.done $0x0  }
0x79: {  	[sflag:s21] =	ssyncadd.s32 $0xFFFFE000  }
0x7a: {  	_ =	swait.ge [sflag:s21], $0x2000  }
0x7b: {  	[sflag:s21] =	ssyncset.done $0x0  }
0x7c: {  	[sflag:s21] =	ssyncadd.s32 $0xFFFFE000  }
0x7d: {  	_ =	swait.ge [sflag:s21], $0x2000  }
0x7e: {  	[sflag:s21] =	ssyncset.done $0x0  }
0x7f: {  	s30 =	sor.u32 $0x5000, s23;
	s3 =	simm.s32 $0x2A00;
	[sflag:s21] =	ssyncadd.s32 $0xFFFFE000  }
0x80: {  	[spmem:s2] =	stream.indirect.scatter.add.f32 [tilespmem:s30], [sflag:$0x2], $0x40, s3, s17, $0xb8;
	[tilespmem:$0x1F000] =	vst v63  }
0x81: {  	s30 =	sor.u32 $0x7000, s23;
	s3 =	simm.s32 $0x2A80  }
0x82: {  	[spmem:s2] =	stream.indirect.scatter.add.f32 [tilespmem:s30], [sflag:$0x2], $0x40, s3, s17, $0xb8;
	[tilespmem:$0x1F000] =	vst v63  }
0x83: {  	s28 =	simm.s32 $0x2B80;
	s25 =	sadd.s32 $0x9000, s23;
	s30 =	simm.s32 $0x2B00  }
0x84: {  	[spmem:s2] =	stream.indirect.scatter.add.f32 [tilespmem:s25], [sflag:$0x2], $0x40, s30, s17, $0xb8;
	[tilespmem:$0x1F000] =	vst v63  }
0x85: {  	s1 =	simm.s32 $0x800;
	s25 =	sadd.s32 $0xB000, s23;
	s23 =	simm.s32 $0x2  }
.LBB2_4:
0x86: {  	[spmem:s2] =	stream.indirect.scatter.add.f32 [tilespmem:s25], [sflag:$0x2], $0x40, s28, s17, $0xb8;
	[tilespmem:$0x1F000] =	vst v63  }
0x87: {  	s25 =	smov.u32 s1  }
0x88: {  	p0 =	sne.s32 s1, $0x8800;
	s1 =	sadd.s32 $0x800, s1;
	_ =	swait.ge [sflag:s16], $0x2000  }
0x89: {  	[sflag:s16] =	ssyncset.done $0x0  }
0x8a: {  	[sflag:s16] =	ssyncadd.s32 $0xFFFFE000  }
0x8b: {  	_ =	swait.ge [sflag:s16], $0x2000  }
0x8c: {  	[sflag:s16] =	ssyncset.done $0x0  }
0x8d: {  	[sflag:s16] =	ssyncadd.s32 $0xFFFFE000  }
0x8e: {  	_ =	swait.ge [sflag:s16], $0x2000  }
0x8f: {  	[sflag:s16] =	ssyncset.done $0x0  }
0x90: {  	[sflag:s16] =	ssyncadd.s32 $0xFFFFE000  }
0x91: {  	s28 =	sshll.u32 s23, $0xF;
	_ =	swait.ge [sflag:s16], $0x2000  }
0x92: {  	s28 =	sand.u32 $0x8000, s28;
	s30 =	sshra.s32 s25, $0x2;
	[sflag:s16] =	ssyncset.done $0x0  }
0x93: {  	s25 =	sxor.u32 $0xD000, s28;
	s3 =	sadd.s32 $0x400, s30;
	[sflag:s16] =	ssyncadd.s32 $0xFFFFE000  }
0x94: {  	[tilespmem:s25], [sflag:$0x1] =	stream.indirect.gather [hbm4b:s4+s17], $0x40, s3, s17, $0xb8;
	[tilespmem:$0x1F000] =	vst v63  }
0x95: {  	s3 =	sxor.u32 $0xF000, s28;
	s25 =	sadd.s32 $0x480, s30  }
0x96: {  	[tilespmem:s3], [sflag:$0x1] =	stream.indirect.gather [hbm4b:s4+s17], $0x40, s25, s17, $0xb8;
	[tilespmem:$0x1F000] =	vst v63  }
0x97: {  	s3 =	ssub.s32 $0x11000, s28;
	s25 =	sadd.s32 $0x500, s30  }
0x98: {  	[tilespmem:s3], [sflag:$0x1] =	stream.indirect.gather [hbm4b:s4+s17], $0x40, s25, s17, $0xb8;
	[tilespmem:$0x1F000] =	vst v63  }
0x99: {  	s3 =	ssub.s32 $0x13000, s28;
	s25 =	sadd.s32 $0x580, s30  }
0x9a: {  	[tilespmem:s3], [sflag:$0x1] =	stream.indirect.gather [hbm4b:s4+s17], $0x40, s25, s17, $0xb8;
	[tilespmem:$0x1F000] =	vst v63  }
0x9b: {  	_ =	swait.ge [sflag:s21], $0x2000  }
0x9c: {  	[sflag:s21] =	ssyncset.done $0x0  }
0x9d: {  	[sflag:s21] =	ssyncadd.s32 $0xFFFFE000  }
0x9e: {  	_ =	swait.ge [sflag:s21], $0x2000  }
0x9f: {  	[sflag:s21] =	ssyncset.done $0x0  }
0xa0: {  	[sflag:s21] =	ssyncadd.s32 $0xFFFFE000  }
0xa1: {  	_ =	swait.ge [sflag:s21], $0x2000  }
0xa2: {  	[sflag:s21] =	ssyncset.done $0x0  }
0xa3: {  	[sflag:s21] =	ssyncadd.s32 $0xFFFFE000  }
0xa4: {  	_ =	swait.ge [sflag:s21], $0x2000  }
0xa5: {  	[sflag:s21] =	ssyncset.done $0x0  }
0xa6: {  	s3 =	sor.u32 $0x5000, s28;
	s25 =	sadd.s32 $0x2A00, s30;
	[sflag:s21] =	ssyncadd.s32 $0xFFFFE000  }
0xa7: {  	[spmem:s2] =	stream.indirect.scatter.add.f32 [tilespmem:s3], [sflag:$0x2], $0x40, s25, s17, $0xb8;
	[tilespmem:$0x1F000] =	vst v63  }
.Ltmp1:
0xa8: {  	s3 =	sor.u32 $0x7000, s28;
	s25 =	sadd.s32 $0x2A80, s30;
	(pc) =	sbr.rel @p0 .LBB2_4-.Ltmp1, $4  }
0xa9: {  	[spmem:s2] =	stream.indirect.scatter.add.f32 [tilespmem:s3], [sflag:$0x2], $0x40, s25, s17, $0xb8;
	[tilespmem:$0x1F000] =	vst v63  }
0xaa: {  	s3 =	sadd.s32 $0x9000, s28;
	s25 =	sadd.s32 $0x2B00, s30  }
0xab: {  	[spmem:s2] =	stream.indirect.scatter.add.f32 [tilespmem:s3], [sflag:$0x2], $0x40, s25, s17, $0xb8;
	[tilespmem:$0x1F000] =	vst v63  }
0xac: {  	s23 =	sadd.s32 $0x1, s23;
	s25 =	sadd.s32 $0xB000, s28;
	s28 =	sadd.s32 $0x2B80, s30  }
0xad: {  	[spmem:s2] =	stream.indirect.scatter.add.f32 [tilespmem:s25], [sflag:$0x2], $0x40, s28, s17, $0xb8;
	[tilespmem:$0x1F000] =	vst v63  }
0xae: {  	_ =	swait.ge [sflag:s16], $0x2000  }
0xaf: {  	[sflag:s16] =	ssyncset.done $0x0  }
0xb0: {  	[sflag:s16] =	ssyncadd.s32 $0xFFFFE000  }
0xb1: {  	_ =	swait.ge [sflag:s16], $0x2000  }
0xb2: {  	[sflag:s16] =	ssyncset.done $0x0  }
0xb3: {  	[sflag:s16] =	ssyncadd.s32 $0xFFFFE000  }
0xb4: {  	_ =	swait.ge [sflag:s16], $0x2000  }
0xb5: {  	[sflag:s16] =	ssyncset.done $0x0  }
0xb6: {  	[sflag:s16] =	ssyncadd.s32 $0xFFFFE000  }
0xb7: {  	_ =	swait.ge [sflag:s16], $0x2000  }
0xb8: {  	[sflag:s16] =	ssyncset.done $0x0  }
0xb9: {  	[sflag:s16] =	ssyncadd.s32 $0xFFFFE000  }
0xba: {  	_ =	swait.ge [sflag:s21], $0x2000  }
0xbb: {  	[sflag:s21] =	ssyncset.done $0x0  }
0xbc: {  	[sflag:s21] =	ssyncadd.s32 $0xFFFFE000  }
0xbd: {  	_ =	swait.ge [sflag:s21], $0x2000  }
0xbe: {  	[sflag:s21] =	ssyncset.done $0x0  }
0xbf: {  	[sflag:s21] =	ssyncadd.s32 $0xFFFFE000  }
0xc0: {  	_ =	swait.ge [sflag:s21], $0x2000  }
0xc1: {  	[sflag:s21] =	ssyncset.done $0x0  }
0xc2: {  	[sflag:s21] =	ssyncadd.s32 $0xFFFFE000  }
0xc3: {  	_ =	swait.ge [sflag:s21], $0x2000  }
0xc4: {  	[sflag:s21] =	ssyncset.done $0x0  }
0xc5: {  	s1 =	simm.s32 $0x4E00;
	[sflag:s21] =	ssyncadd.s32 $0xFFFFE000  }
0xc6: {  	[spmem:s2] =	stream.indirect.scatter.add.f32 [tilespmem:s24], [sflag:$0x2], $0x40, s1, s17, $0xb8;
	[tilespmem:$0x1F000] =	vst v63  }
0xc7: {  	s23 =	simm.s32 $0x4E80  }
0xc8: {  	[spmem:s2] =	stream.indirect.scatter.add.f32 [tilespmem:s26], [sflag:$0x2], $0x40, s23, s17, $0xb8;
	[tilespmem:$0x1F000] =	vst v63  }
0xc9: {  	s25 =	simm.s32 $0x4F00  }
0xca: {  	[spmem:s2] =	stream.indirect.scatter.add.f32 [tilespmem:s29], [sflag:$0x2], $0x40, s25, s17, $0xb8;
	[tilespmem:$0x1F000] =	vst v63  }
0xcb: {  	s28 =	simm.s32 $0x4F80  }
0xcc: {  	[spmem:s2] =	stream.indirect.scatter.add.f32 [tilespmem:s31], [sflag:$0x2], $0x40, s28, s17, $0xb8;
	[tilespmem:$0x1F000] =	vst v63  }
0xcd: {  	_ =	swait.ge [sflag:s16], $0x2000  }
0xce: {  	[sflag:s16] =	ssyncset.done $0x0  }
0xcf: {  	[sflag:s16] =	ssyncadd.s32 $0xFFFFE000  }
0xd0: {  	_ =	swait.ge [sflag:s16], $0x2000  }
0xd1: {  	[sflag:s16] =	ssyncset.done $0x0  }
0xd2: {  	[sflag:s16] =	ssyncadd.s32 $0xFFFFE000  }
0xd3: {  	_ =	swait.ge [sflag:s16], $0x2000  }
0xd4: {  	[sflag:s16] =	ssyncset.done $0x0  }
0xd5: {  	[sflag:s16] =	ssyncadd.s32 $0xFFFFE000  }
0xd6: {  	s30 =	stileid.u32;
	_ =	swait.ge [sflag:s16], $0x2000  }
0xd7: {  	s3 =	sshrl.u32 s7, $0x3;
	s19 =	sadd.s32 $0x1, s19;
	[sflag:s16] =	ssyncset.done $0x0  }
0xd8: {  	p0 =	sne.s32 s19, s13;
	s1 =	sshll.u32 s30, $0x6;
	[sflag:s16] =	ssyncadd.s32 $0xFFFFE000  }
.Ltmp2:
0xd9: {  	s1 =	sor.u32 $0x1C03, s1;
	[bflag:$0x0] =	sbarrier.arrive $0xFFFF;
	(pc) =	sbr.rel @p0 .LBB2_1-.Ltmp2, $4  }
0xda: {  	[hbm:s12], [sflag:s1] =	dma.local [spmem:s3], $0x1400  }
0xdb: {  	_ =	swait.ge [sflag:s0], $0x1400  }
0xdc: {  	[sflag:s0] =	ssyncset.done $0x0  }
0xdd: {  	[sflag:s0] =	ssyncadd.s32 $0xFFFFEC00  }
0xde: {  	_ =	sfence.sel $0x180000  }
0xdf: {  	[bflag:$0x0] =	sbarrier.arrive $0xFFFF  }
0xe0: {  	_ =	strace $0x9000004D  }
0xe1: {  	s0 =	stileid.u32;
	[bflag:$0x2] =	sbarrier.arrive $0xFFFF  }
0xe2: {  	p0 =	sne.s32 s0, $0x0;
	s0 =	rddreg [dreg:$0x2]  }
0xe3: {  	s0 =	sadd.s32 @!p0 $0x100000, s0  }
0xe4: {  	[sflag:s0] =	ssyncadd.tile.s32 @!p0 $0x1;
	_ =	shalt  }
.Lfunc_end2:
_tile_overlayer_lowered:
.L_overlay_start_2:
0xe5: {  	(tag) =	ssettag $0x2  }
0xe6: {  	s0 =	rddreg [dreg:$0x0];
	s2 =	stileid.u32  }
0xe7: {  	s1 =	rddreg [dreg:$0x1];
	p0 =	sne.s32 s2, $0x0  }
0xe8: {  	s3 =	rddreg [dreg:$0x2];
	[bflag:$0x3] =	sbarrier.arrive $0xFFFF;
	s2 =	simm.s32 @!p0 $0x1C03  }
0xe9: {  	[timem:s3], [sflag:s2] =	dma.local @!p0 [hbm:s0], s1  }
0xea: {  	s0 =	simm.s32 @!p0 $0x3  }
0xeb: {  	_ =	swait.ge @!p0 [sflag:s0], s1  }
0xec: {  	s1 =	ssub.s32 @!p0 $0x0, s1;
	[sflag:s0] =	ssyncset.done @!p0 $0x0  }
0xed: {  	[sflag:s0] =	ssyncadd.s32 @!p0 s1  }
0xee: {  	[bflag:$0x3] =	sbarrier.arrive $0xFFFF  }
0xef: {  	_ =	shalt  }

// kernel: kernel.9.cloned.1.call-start
scs
__scs_entry_jumppad:
0x0: {  	(pc) =	sbr.rel $0x88, $3  }
0x1: {  	(tag) =	ssettag $0x0;
	lr =	simm.s32 $0x1  }
0x2: {  	[smem:$0x3F98] =	sst lr;
	_ =	strace $0xD0000000  }
0x3: {  	_ = 	snop  }
0x4: {  	_ = 	snop  }
0x5: {  	_ = 	snop  }
0x6: {  	_ = 	snop  }
0x7: {  	_ = 	snop  }
__scs_overlays_trampoline_lowered:
0x8: {  	[smem:$0x3FA7] =	sst s0  }
0x9: {  	[smem:$0x3FA8] =	sst s1  }
0xa: {  	[smem:$0x3FA9] =	sst s2  }
0xb: {  	[smem:$0x3FAA] =	sst s3  }
0xc: {  	[smem:$0x3FAB] =	sst s4  }
0xd: {  	[smem:$0x3FAC] =	sst s5  }
0xe: {  	[smem:$0x3FAD] =	sst s6  }
0xf: {  	[smem:$0x3FAE] =	sst s7  }
0x10: {  	[smem:$0x3FAF] =	sst s8  }
0x11: {  	[smem:$0x3FB0] =	sst s9;
	s0 =	simm.s32 @!p0 $0x0  }
0x12: {  	s1 =	sld [smem:$0x3F96];
	s0 =	simm.s32 @p0 $0x1  }
0x13: {  	[smem:$0x3FB1] =	sst s0;
	s0 =	simm.s32 @!p1 $0x0  }
0x14: {  	s2 =	sld [smem:$0x3F95];
	s0 =	simm.s32 @p1 $0x1  }
0x15: {  	[smem:$0x3FB2] =	sst s0;
	s0 =	simm.s32 @!p2 $0x0  }
0x16: {  	s3 =	sld [smem:$0x3FDB];
	s0 =	simm.s32 @p2 $0x1  }
0x17: {  	s4 =	simm.s32 $0x1BF5;
	[smem:$0x3FB4] =	sst s0  }
0x18: {  	s0 =	sld [smem:$0x3F97];
	_ =	swait.ge [sflag:s4], $0x0  }
0x19: {  	s7 =	sld [smem:$0x3F98]  }
0x1a: {  	s8 =	sadd.s32 $0xFFFFE003, lr  }
0x1b: {  	s9 =	sadd.s32 $0xFFFFFEF7, lr;
	s5 =	simm.s32 $0xFFFFFFFF;
	p2 =	slt.u32 s8, $0xFFFFF086  }
0x1c: {  	p1 =	slt.u32 s9, $0xF7A;
	s5 =	simm.s32 @!p2 $0x0  }
0x1d: {  	s5 =	simm.s32 @p1 $0x1;
	p0 =	seq.s32 s7, s2  }
0x1e: {  	s7 =	smul.u32 @!p0 $0xF7A, s2;
	p2 =	seq.s32 @!p0 s5, $0x0  }
0x1f: {  	s9 =	smul.u32 $0xF7A, s1;
	s8 =	simm.s32 @!p0 $0x1BF5;
	p2 =	por !p2, p0  }
0x20: {  	[sflag:s8] =	ssyncset.s32 @!p0 $0xFFFFF086;
	s6 =	sadd.s32 @!p0 s3, s7;
	s7 =	simm.s32 @!p0 $0x108  }
0x21: {  	s3 =	sadd.s32 s3, s9;
	s6 =	sadd.s32 @!p0 $0x88, s6;
	s7 =	simm.s32 @p2 $0x1082  }
0x22: {  	[simem:s7], [sflag:s8] =	dma.local @!p0 [hbm:s6], $0xF7A  }
0x23: {  	s9 =	sor.u32 $0xD0000000, s2;
	s6 =	simm.s32 $0x108;
	_ =	swait.ge @!p0 [sflag:s8], $0x0  }
0x24: {  	s3 =	sadd.s32 $0x88, s3;
	s6 =	simm.s32 @!p1 $0x1082;
	[sflag:s4] =	ssyncset.s32 $0xFFFFF086  }
0x25: {  	[simem:s6], [sflag:s4] =	dma.local [hbm:s3], $0xF7A  }
0x26: {  	[smem:$0x3F98] =	sst s1;
	(tag) =	ssettag s2;
	_ =	strace s9  }
0x27: {  	s1 =	sld [smem:$0x3FA8]  }
0x28: {  	s2 =	sld [smem:$0x3FA9]  }
0x29: {  	s4 =	sld [smem:$0x3FAB]  }
0x2a: {  	p0 =	seq.s32 s5, $0x0;
	s5 =	sld [smem:$0x3FAC]  }
0x2b: {  	s6 =	sld [smem:$0x3FAD]  }
0x2c: {  	s7 =	sld [smem:$0x3FAE]  }
0x2d: {  	s3 =	simm.s32 $0x108;
	s8 =	sld [smem:$0x3FAF]  }
0x2e: {  	s3 =	simm.s32 @!p0 $0x1082;
	s9 =	sld [smem:$0x3FB0]  }
0x2f: {  	lr =	sadd.s32 s0, s3;
	s0 =	sld [smem:$0x3FA7]  }
0x30: {  	s3 =	sld [smem:$0x3FAA]  }
0x31: {  	[smem:$0x3FB3] =	sst s10  }
0x32: {  	s10 =	sld [smem:$0x3FB1];
	_ =	sdelay $0x3  }
0x33: {  	p0 =	seq.s32 s10, $0x1;
	s10 =	sld [smem:$0x3FB3];
	_ =	sdelay $0x3  }
0x34: {  	[smem:$0x3FB3] =	sst s10  }
0x35: {  	s10 =	sld [smem:$0x3FB2];
	_ =	sdelay $0x3  }
0x36: {  	p1 =	seq.s32 s10, $0x1;
	s10 =	sld [smem:$0x3FB3];
	_ =	sdelay $0x3  }
0x37: {  	[smem:$0x3FB3] =	sst s10  }
0x38: {  	s10 =	sld [smem:$0x3FB4]  }
0x39: {  	_ = 	snop;
	(pc) =	sbr.ind lr, $3  }
0x3a: {  	_ = 	snop  }
0x3b: {  	_ = 	snop  }
0x3c: {  	p2 =	seq.s32 s10, $0x1;
	s10 =	sld [smem:$0x3FB3]  }
0x3d: {  	_ =	shalt  }
0x3e: {  	_ =	shalt  }
0x3f: {  	_ =	shalt  }
0x40: {  	_ =	shalt  }
0x41: {  	_ =	shalt  }
0x42: {  	_ =	shalt  }
0x43: {  	_ =	shalt  }
0x44: {  	_ =	shalt  }
0x45: {  	_ =	shalt  }
0x46: {  	_ =	shalt  }
0x47: {  	_ =	shalt  }
0x48: {  	_ =	shalt  }
0x49: {  	_ =	shalt  }
0x4a: {  	_ =	shalt  }
0x4b: {  	_ =	shalt  }
0x4c: {  	_ =	shalt  }
0x4d: {  	_ =	shalt  }
0x4e: {  	_ =	shalt  }
0x4f: {  	_ =	shalt  }
0x50: {  	_ =	shalt  }
0x51: {  	_ =	shalt  }
0x52: {  	_ =	shalt  }
0x53: {  	_ =	shalt  }
0x54: {  	_ =	shalt  }
0x55: {  	_ =	shalt  }
0x56: {  	_ =	shalt  }
0x57: {  	_ =	shalt  }
0x58: {  	_ =	shalt  }
0x59: {  	_ =	shalt  }
0x5a: {  	_ =	shalt  }
0x5b: {  	_ =	shalt  }
0x5c: {  	_ =	shalt  }
0x5d: {  	_ =	shalt  }
0x5e: {  	_ =	shalt  }
0x5f: {  	_ =	shalt  }
0x60: {  	_ =	shalt  }
0x61: {  	_ =	shalt  }
0x62: {  	_ =	shalt  }
0x63: {  	_ =	shalt  }
0x64: {  	_ =	shalt  }
0x65: {  	_ =	shalt  }
0x66: {  	_ =	shalt  }
0x67: {  	_ =	shalt  }
0x68: {  	_ =	shalt  }
0x69: {  	_ =	shalt  }
0x6a: {  	_ =	shalt  }
0x6b: {  	_ =	shalt  }
0x6c: {  	_ =	shalt  }
0x6d: {  	_ =	shalt  }
0x6e: {  	_ =	shalt  }
0x6f: {  	_ =	shalt  }
0x70: {  	_ =	shalt  }
0x71: {  	_ =	shalt  }
0x72: {  	_ =	shalt  }
0x73: {  	_ =	shalt  }
0x74: {  	_ =	shalt  }
0x75: {  	_ =	shalt  }
0x76: {  	_ =	shalt  }
0x77: {  	_ =	shalt  }
0x78: {  	_ =	shalt  }
0x79: {  	_ =	shalt  }
0x7a: {  	_ =	shalt  }
0x7b: {  	_ =	shalt  }
0x7c: {  	_ =	shalt  }
0x7d: {  	_ =	shalt  }
0x7e: {  	_ =	shalt  }
0x7f: {  	_ =	shalt  }
0x80: {  	_ =	shalt  }
0x81: {  	_ =	shalt  }
0x82: {  	_ =	shalt  }
0x83: {  	_ =	shalt  }
0x84: {  	_ =	shalt  }
0x85: {  	_ =	shalt  }
0x86: {  	_ =	shalt  }
0x87: {  	_ =	shalt  }
.Lfunc_end0:
.L_simem_size_0:
called_computation_lowered:
.L_overlay_start_0:
0x88: {  	s2 =	sld [smem:$0x3FD9]  }
0x89: {  	s3 =	sld [smem:$0x3FFE];
	_ =	sdelay $0x1  }
0x8a: {  	s1 =	srdreg.scid  }
0x8b: {  	s0 =	sand.u32 $0x1, s1  }
0x8c: {  	s14 =	sshll.u32 s0, $0xA;
	s2 =	sadd.s32 s3, s2  }
0x8d: {  	s2 =	sadd.s32 s2, s14  }
0x8e: {  	[smem:$0x3FBF] =	sst s2  }
0x8f: {  	_ = 	snop  }
0x90: {  	s2 =	sld [smem:$0x3FD0];
	_ =	sdelay $0x2  }
0x91: {  	s15 =	simm.s32 $0xA;
	s4 =	simm.s32 $0x10  }
0x92: {  	[smem:s4], [sflag:s15] =	dma.local [hbm:s2], $0x1  }
0x93: {  	_ =	swait.eq [sflag:s15], $0x1  }
0x94: {  	[sflag:s15] =	ssyncset.done $0x0  }
0x95: {  	[sflag:s15] =	ssyncadd.s32 $0xFFFFFFFF  }
0x96: {  	s16 =	sld [smem:$0x10];
	(tm) =	ssettm $0x1  }
0x97: {  	s17 =	sld [smem:$0x3FFB];
	_ =	sdelay $0x3  }
0x98: {  	_ =	strace s17  }
0x99: {  	s3 =	sld [smem:$0x3FFC];
	_ =	sdelay $0x3  }
0x9a: {  	_ =	strace s3  }
0x9b: {  	s3 =	sld [smem:$0x3FFD];
	_ =	sdelay $0x3  }
0x9c: {  	_ =	strace s3  }
0x9d: {  	_ =	strace $0x8FFFFFFF  }
0x9e: {  	s18 =	sld [smem:$0x3FDB];
	_ =	sdelay $0x1  }
0x9f: {  	s19 =	simm.s32 $_scs_section_size  }
0xa0: {  	s5 =	simm.s32 $_size__tile_overlayer_lowered;
	s6 =	simm.s32 $_tile_overlayer_lowered  }
0xa1: {  	s22 =	simm.s32 $0x1BFF;
	s21 =	sshll.u32 s6, $0x1;
	s3 =	sadd.s32 s19, s18  }
0xa2: {  	s7 =	simm.s32 $0x0;
	s20 =	sshll.u32 s5, $0x1;
	s5 =	sadd.s32 s21, s3  }
0xa3: {  	[timem:s7], [sflag:s22] =	dma.local [hbm:s5], s20  }
0xa4: {  	_ =	swait.ge [sflag:s22], s20  }
0xa5: {  	s4 =	ssub.s32 $0x0, s20;
	[sflag:s22] =	ssyncset.done $0x0  }
0xa6: {  	[sflag:s22] =	ssyncadd.s32 s4;
	_ =	sdelay $0x1  }
0xa7: {  	s23 =	simm.s32 $0x1B8B  }
0xa8: {  	_ =	swait.ge [sflag:s23], $0x1  }
0xa9: {  	[sflag:s23] =	ssyncset.done $0x0  }
0xaa: {  	s25 =	simm.s32 $0x1B8E;
	s24 =	sld [smem:$0x3FFE];
	[sflag:s23] =	ssyncadd.s32 $0xFFFFFFFF  }
0xab: {  	s26 =	simm.s32 $execute0_lowered;
	[smem:$0x3FD2] =	sst s25  }
0xac: {  	s5 =	sshll.u32 s26, $0x1;
	_ =	strace $0x80000046;
	[dreg:$0x1] =	wrdreg $0xFFFFFFFF  }
0xad: {  	s28 =	simm.s32 $_size_execute0_lowered;
	s3 =	sadd.s32 s3, s5;
	[dreg:$0x0] =	wrdreg $0x0  }
0xae: {  	s5 =	sshll.u32 s28, $0x1;
	[dreg:$0x2] =	wrdreg s3  }
0xaf: {  	[dreg:$0x3] =	wrdreg s5  }
0xb0: {  	[dreg:$0x4] =	wrdreg $0xC0  }
0xb1: {  	_ =	task [dreg:s7], $0x5FFFF  }
0xb2: {  	[dreg:$0x1] =	wrdreg $0xFFFFFFFF  }
0xb3: {  	[dreg:$0x0] =	wrdreg $0x60  }
0xb4: {  	[dreg:$0x2] =	wrdreg s16  }
0xb5: {  	[dreg:$0x3] =	wrdreg s24  }
0xb6: {  	[dreg:$0x4] =	wrdreg $0x58000  }
0xb7: {  	[dreg:$0x5] =	wrdreg $0x9  }
0xb8: {  	_ =	task.clear_ibuf [dreg:s7], $0x6FFFF;
	_ =	strace $0x90000046  }
0xb9: {  	s29 =	simm.s32 $0x9;
	_ =	strace $0x80000048  }
0xba: {  	_ =	swait.ge [sflag:s29], $0x1  }
0xbb: {  	[sflag:s29] =	ssyncadd.s32 $0xFFFFFFFF  }
0xbc: {  	_ =	strace $0x90000048  }
0xbd: {  	_ =	sfence  }
0xbe: {  	s30 =	sld [smem:$0x0];
	_ =	sdelay $0x2  }
0xbf: {  	s31 =	sshll.u32 s1, $0xD;
	s1 =	sshrl.u32 s1, $0x2  }
0xc0: {  	s3 =	sand.u32 $0x4000, s31;
	s1 =	sadd.s32 s1, s30  }
0xc1: {  	s0 =	sor.u32 s3, s0;
	s1 =	sshll.u32 s1, $0x11  }
0xc2: {  	s0 =	sor.u32 s1, s0  }
0xc3: {  	s0 =	sadd.s32 $0x8F2B, s0  }
0xc4: {  	[sflag:s0] =	ssyncadd.remote.s32 $0x1  }
0xc5: {  	_ =	sfence.sel $0xFFFF  }
0xc6: {  	[dreg:$0x0] =	wrdreg $0xFFFFFFFF;
	(pc) =	sbr.abs _section_cstart, $3  }
0xc7: {  	[dreg:$0x1] =	wrdreg $0xFFFFFFFF  }
0xc8: {  	_ =	task.clear_ibuf [dreg:s7], $0x2FFFF;
	_ =	strace $0x9FFFFFFF  }
0xc9: {  	(tm) =	ssettm $0x7FFFFFFF  }
tec
execute0_lowered:
.L_overlay_start_1:
0x0: {  	(tag) =	ssettag $0x1  }
0x1: {  	s4 =	rddreg [dreg:$0x0]  }
0x2: {  	s5 =	rddreg [dreg:$0x1]  }
0x3: {  	s2 =	rddreg [dreg:$0x2];
	s3 =	srdreg.scid  }
0x4: {  	s1 =	stileid.u32;
	s0 =	rddreg [dreg:$0x3];
	s11 =	simm.s32 $0x2800  }
0x5: {  	s12 =	simm.s32 $0x1;
	s15 =	simm.s32 $0x0;
	s6 =	sand.u32 $0x1, s3  }
0x6: {  	s7 =	smul.u32 $0x2800, s1;
	s3 =	simm.s32 $0x0;
	s13 =	sshll.u32 s1, $0x6  }
0x7: {  	s8 =	smul.u32 $0x28000, s6;
	s9 =	sshll.u32 s6, $0x4;
	[smem:$0x7FF] =	sst s3  }
0x8: {  	s6 =	ssub.s32 $0x2, s6;
	s13 =	sor.u32 $0x1C02, s13;
	s9 =	sor.u32 s1, s9  }
0x9: {  	s10 =	sshrl.u32 s6, $0x1;
	s8 =	sadd.s32 s7, s8;
	s9 =	smul.u32 $0x500, s9  }
0xa: {  	_ =	strace $0x80000047;
	s10 =	ssub.s32 s6, s10;
	s8 =	sshrl.u32 s8, $0x3  }
0xb: {  	s8 =	sadd.s32 s8, s5;
	s4 =	sadd.s32 s4, s9;
	s5 =	sadd.s32 s7, s2  }
0xc: {  	s7 =	smax.u32 s10, $0x1;
	s9 =	simm.s32 $0x3000;
	s10 =	simm.s32 $0x80  }
0xd: {  	v0 =	vimm.f32 $1.000000000e+00;
	v1 =	vimm.f32 $0.0e+00;
	s6 =	sadd.s32 $0x2600, s8;
	s8 =	simm.s32 $0x2;
	s14 =	sshrl.u32 s5, $0x3  }
.LBB2_1:
0xe: {  	[tilespmem:s3], [sflag:$0x2] =	stream.linear.gather [hbm4b:s4+s3], $0x2800, $0x38;
	[tilespmem:$0x8000] =	vst v63  }
0xf: {  	_ =	swait.ge [sflag:s8], $0x2800  }
0x10: {  	[sflag:s8] =	ssyncset.done $0x0  }
0x11: {  	s16 =	simm.s32 $0x0;
	[sflag:s8] =	ssyncadd.s32 $0xFFFFD800  }
.LBB2_2:
0x12: {  	p0 =	sne.s32 s16, $0x1FC0  }
.Ltmp0:
0x13: {  	_ = 	snop;
	(pc) =	sbr.rel @p0 .LBB2_2-.Ltmp0, $3  }
0x14: {  	_ =	sdelay $0x1  }
0x15: {  	s17 =	sshra.s32 s16, $0x2  }
0x16: {  	s16 =	sadd.s32 $0x40, s16;
	[tilespmem:s17+$0x2800] =	vst v0  }
0x17: {  	s16 =	simm.s32 $0x40;
	s17 =	simm.s32 $0x0  }
.LBB2_4:
0x18: {  	p0 =	sne.s32 s16, $0x9FC0;
	[tilespmem:s17+$0x3000] =	vst v1;
	s17 =	smov.u32 s16;
	s16 =	sadd.s32 $0x40, s16  }
.Ltmp1:
0x19: {  	(pc) =	sbr.rel @p0 .LBB2_4-.Ltmp1, $2  }
0x1a: {  	_ =	sdelay $0x2  }
0x1b: {  	s17 =	sshra.s32 s17, $0x2  }
0x1c: {  	[tilespmem:s17+$0x3000] =	vst v1  }
0x1d: {  	[spmem:s5] =	stream.linear.scatter [tilespmem:s9], [sflag:$0x2], $0x2800, $0x38;
	[tilespmem:$0x8000] =	vst v63  }
0x1e: {  	_ =	swait.ge [sflag:s8], $0x2800  }
0x1f: {  	[sflag:s8] =	ssyncset.done $0x0  }
0x20: {  	[sflag:s8] =	ssyncadd.s32 $0xFFFFD800  }
0x21: {  	s16 =	simm.s32 $0x0;
	[bflag:$0x0] =	sbarrier.arrive $0xFFFF  }
0x22: {  	[spmem:s2] =	stream.indirect.scatter.add.f32 [tilespmem:s11], [sflag:$0x1], $0x10, s16, s10, $0xb8;
	[tilespmem:$0x8000] =	vst v63  }
0x23: {  	s29 =	simm.s32 $0x80  }
0x24: {  	[spmem:s2] =	stream.indirect.scatter.add.f32 [tilespmem:s11], [sflag:$0x1], $0x10, s29, s10, $0xb8;
	[tilespmem:$0x8000] =	vst v63  }
0x25: {  	s30 =	simm.s32 $0x100  }
0x26: {  	[spmem:s2] =	stream.indirect.scatter.add.f32 [tilespmem:s11], [sflag:$0x1], $0x10, s30, s10, $0xb8;
	[tilespmem:$0x8000] =	vst v63  }
0x27: {  	s31 =	simm.s32 $0x180  }
0x28: {  	[spmem:s2] =	stream.indirect.scatter.add.f32 [tilespmem:s11], [sflag:$0x1], $0x10, s31, s10, $0xb8;
	[tilespmem:$0x8000] =	vst v63  }
0x29: {  	_ =	swait.ge [sflag:s12], $0x800  }
0x2a: {  	[sflag:s12] =	ssyncset.done $0x0  }
0x2b: {  	[sflag:s12] =	ssyncadd.s32 $0xFFFFF800  }
0x2c: {  	_ =	swait.ge [sflag:s12], $0x800  }
0x2d: {  	[sflag:s12] =	ssyncset.done $0x0  }
0x2e: {  	[sflag:s12] =	ssyncadd.s32 $0xFFFFF800  }
0x2f: {  	_ =	swait.ge [sflag:s12], $0x800  }
0x30: {  	[sflag:s12] =	ssyncset.done $0x0  }
0x31: {  	[sflag:s12] =	ssyncadd.s32 $0xFFFFF800  }
0x32: {  	_ =	swait.ge [sflag:s12], $0x800  }
0x33: {  	s17 =	simm.s32 $0x1000;
	s16 =	simm.s32 $0x800;
	[sflag:s12] =	ssyncset.done $0x0  }
.LBB2_6:
0x34: {  	s18 =	sshra.s32 s16, $0x2  }
0x35: {  	[sflag:s12] =	ssyncadd.s32 $0xFFFFF800;
	s16 =	smov.u32 s17;
	s19 =	sadd.s32 $0x800, s17  }
0x36: {  	[spmem:s2] =	stream.indirect.scatter.add.f32 [tilespmem:s11], [sflag:$0x1], $0x10, s18, s10, $0xb8;
	[tilespmem:$0x8000] =	vst v63  }
0x37: {  	p0 =	sne.s32 s17, $0x9800;
	s17 =	sadd.s32 $0x80, s18  }
0x38: {  	[spmem:s2] =	stream.indirect.scatter.add.f32 [tilespmem:s11], [sflag:$0x1], $0x10, s17, s10, $0xb8;
	[tilespmem:$0x8000] =	vst v63  }
0x39: {  	s17 =	sadd.s32 $0x100, s18  }
0x3a: {  	[spmem:s2] =	stream.indirect.scatter.add.f32 [tilespmem:s11], [sflag:$0x1], $0x10, s17, s10, $0xb8;
	[tilespmem:$0x8000] =	vst v63  }
0x3b: {  	s17 =	sadd.s32 $0x180, s18  }
0x3c: {  	[spmem:s2] =	stream.indirect.scatter.add.f32 [tilespmem:s11], [sflag:$0x1], $0x10, s17, s10, $0xb8;
	[tilespmem:$0x8000] =	vst v63  }
0x3d: {  	_ =	swait.ge [sflag:s12], $0x800  }
0x3e: {  	[sflag:s12] =	ssyncset.done $0x0  }
0x3f: {  	[sflag:s12] =	ssyncadd.s32 $0xFFFFF800  }
0x40: {  	_ =	swait.ge [sflag:s12], $0x800  }
0x41: {  	[sflag:s12] =	ssyncset.done $0x0  }
0x42: {  	[sflag:s12] =	ssyncadd.s32 $0xFFFFF800  }
.Ltmp2:
0x43: {  	_ =	swait.ge [sflag:s12], $0x800;
	(pc) =	sbr.rel @p0 .LBB2_6-.Ltmp2, $4  }
0x44: {  	[sflag:s12] =	ssyncset.done $0x0  }
0x45: {  	[sflag:s12] =	ssyncadd.s32 $0xFFFFF800  }
0x46: {  	_ =	swait.ge [sflag:s12], $0x800  }
0x47: {  	s17 =	smov.u32 s19;
	[sflag:s12] =	ssyncset.done $0x0  }
0x48: {  	s16 =	sshra.s32 s16, $0x2;
	[sflag:s12] =	ssyncadd.s32 $0xFFFFF800  }
0x49: {  	[spmem:s2] =	stream.indirect.scatter.add.f32 [tilespmem:s11], [sflag:$0x1], $0x10, s16, s10, $0xb8;
	[tilespmem:$0x8000] =	vst v63  }
0x4a: {  	s17 =	sadd.s32 $0x80, s16  }
0x4b: {  	[spmem:s2] =	stream.indirect.scatter.add.f32 [tilespmem:s11], [sflag:$0x1], $0x10, s17, s10, $0xb8;
	[tilespmem:$0x8000] =	vst v63  }
0x4c: {  	s31 =	sadd.s32 $0x100, s16  }
0x4d: {  	[spmem:s2] =	stream.indirect.scatter.add.f32 [tilespmem:s11], [sflag:$0x1], $0x10, s31, s10, $0xb8;
	[tilespmem:$0x8000] =	vst v63  }
0x4e: {  	s16 =	sadd.s32 $0x180, s16  }
0x4f: {  	[spmem:s2] =	stream.indirect.scatter.add.f32 [tilespmem:s11], [sflag:$0x1], $0x10, s16, s10, $0xb8;
	[tilespmem:$0x8000] =	vst v63  }
0x50: {  	_ =	swait.ge [sflag:s12], $0x800  }
0x51: {  	[sflag:s12] =	ssyncset.done $0x0  }
0x52: {  	[sflag:s12] =	ssyncadd.s32 $0xFFFFF800  }
0x53: {  	_ =	swait.ge [sflag:s12], $0x800  }
0x54: {  	[sflag:s12] =	ssyncset.done $0x0  }
0x55: {  	[sflag:s12] =	ssyncadd.s32 $0xFFFFF800  }
0x56: {  	_ =	swait.ge [sflag:s12], $0x800  }
0x57: {  	[sflag:s12] =	ssyncset.done $0x0  }
0x58: {  	[sflag:s12] =	ssyncadd.s32 $0xFFFFF800  }
0x59: {  	_ =	swait.ge [sflag:s12], $0x800  }
0x5a: {  	s15 =	sadd.s32 $0x1, s15;
	[sflag:s12] =	ssyncset.done $0x0  }
0x5b: {  	p0 =	sne.s32 s15, s7;
	[sflag:s12] =	ssyncadd.s32 $0xFFFFF800  }
.Ltmp3:
0x5c: {  	[bflag:$0x0] =	sbarrier.arrive $0xFFFF;
	(pc) =	sbr.rel @p0 .LBB2_1-.Ltmp3, $4  }
0x5d: {  	[hbm:s6], [sflag:s13] =	dma.local [spmem:s14], $0x500  }
0x5e: {  	_ =	swait.ge [sflag:s8], $0x500  }
0x5f: {  	[sflag:s8] =	ssyncset.done $0x0  }
0x60: {  	[sflag:s8] =	ssyncadd.s32 $0xFFFFFB00  }
0x61: {  	_ =	sfence.sel $0x180000  }
0x62: {  	[bflag:$0x0] =	sbarrier.arrive $0xFFFF  }
0x63: {  	p0 =	sne.s32 s1, $0x0;
	_ =	strace $0x90000047  }
0x64: {  	s0 =	sadd.s32 @!p0 $0x100000, s0;
	[bflag:$0x2] =	sbarrier.arrive $0xFFFF  }
0x65: {  	[sflag:s0] =	ssyncadd.tile.s32 @!p0 $0x1;
	_ =	shalt  }
.Lfunc_end2:
_tile_overlayer_lowered:
.L_overlay_start_2:
0x66: {  	(tag) =	ssettag $0x2  }
0x67: {  	s0 =	rddreg [dreg:$0x0];
	s2 =	stileid.u32  }
0x68: {  	s1 =	rddreg [dreg:$0x1];
	p0 =	sne.s32 s2, $0x0  }
0x69: {  	s3 =	rddreg [dreg:$0x2];
	[bflag:$0x3] =	sbarrier.arrive $0xFFFF;
	s2 =	simm.s32 @!p0 $0x1C02  }
0x6a: {  	[timem:s3], [sflag:s2] =	dma.local @!p0 [hbm:s0], s1  }
0x6b: {  	s0 =	simm.s32 @!p0 $0x2  }
0x6c: {  	_ =	swait.ge @!p0 [sflag:s0], s1  }
0x6d: {  	s1 =	ssub.s32 @!p0 $0x0, s1;
	[sflag:s0] =	ssyncset.done @!p0 $0x0  }
0x6e: {  	[sflag:s0] =	ssyncadd.s32 @!p0 s1  }
0x6f: {  	[bflag:$0x3] =	sbarrier.arrive $0xFFFF  }
0x70: {  	_ =	shalt  }

</sc_bundles>
